<compile_context>
chip_gen: v7x
topology: tpu7x:2x2x1
jax: 0.10.2.dev20260603
libtpu: 0.0.44.dev20260713+nightly
codegen_flags: <defaults>
</compile_context>

<pallas_src>
import functools

import jax
import jax.numpy as jnp
from jax import lax
from jax.experimental import pallas as pl
from jax.experimental.pallas import tpu as pltpu
from jax.experimental.pallas import tpu_sc as plsc

_INFO = plsc.get_sparse_core_info()
_NC = _INFO.num_cores
_NS = _INFO.num_subcores
_NW = _NC * _NS

_PB = 4
_LANES = 128
_CG = 4


def _gather_sc(idx_flat, table, n_pairs, d):
    pairs_per_w = n_pairs // _NW
    n_stages = pairs_per_w // _PB
    rows_per_stage = _PB * _LANES
    obuf_len = _CG * _PB * 8 * _LANES
    mesh = plsc.VectorSubcoreMesh(core_axis_name="c", subcore_axis_name="s")

    @functools.partial(
        pl.kernel,
        mesh=mesh,
        out_type=jax.ShapeDtypeStruct((n_pairs // _LANES, _CG, _LANES * 8 * _LANES),
                                      jnp.float32),
        scratch_types=(
            [pltpu.VMEM((rows_per_stage,), jnp.int32) for _ in range(2)]
            + [pltpu.VMEM((rows_per_stage, d), jnp.float32) for _ in range(2)]
            + [pltpu.VMEM((obuf_len + _LANES + 16,), jnp.float32)
               for _ in range(2)]
            + [pltpu.SemaphoreType.DMA for _ in range(6)]
        ),
        compiler_params=pltpu.CompilerParams(use_tc_tiling_on_sc=False,
                                             needs_layout_passes=False),
    )
    def k(idx_hbm, table_hbm, out_hbm, *scr):
        idx_bufs, row_bufs, obufs = scr[0:2], scr[2:4], scr[4:6]
        isems, gsems, osems = scr[6:8], scr[8:10], scr[10:12]

        wid = lax.axis_index("s") * _NC + lax.axis_index("c")
        p0 = wid * pairs_per_w
        lane = lax.iota(jnp.int32, 16)

        def idx_start(s, b):
            pltpu.async_copy(
                idx_hbm.at[pl.ds((p0 + s * _PB) * _LANES, rows_per_stage)],
                idx_bufs[b], isems[b])

        def idx_wait(b):
            pltpu.make_async_copy(
                idx_hbm.at[pl.ds(0, rows_per_stage)], idx_bufs[b],
                isems[b]).wait()

        def gather_start(b):
            pltpu.async_copy(table_hbm.at[idx_bufs[b]], row_bufs[b], gsems[b])

        def gather_wait(b):
            pltpu.make_async_copy(
                table_hbm.at[idx_bufs[b]], row_bufs[b], gsems[b]).wait()

        def out_start(s, b):
            p = p0 + s * _PB
            h = p // _LANES
            btile = p % _LANES
            for c4 in range(_CG):
                pltpu.async_copy(
                    obufs[b].at[pl.ds(c4 * _PB * 8 * _LANES, _PB * 8 * _LANES)],
                    out_hbm.at[h, c4, pl.ds(btile * 8 * _LANES,
                                            _PB * 8 * _LANES)],
                    osems[b])

        def out_wait(b):
            for c4 in range(_CG):
                pltpu.make_async_copy(
                    obufs[b].at[pl.ds(0, _PB * 8 * _LANES)],
                    out_hbm.at[0, 0, pl.ds(0, _PB * 8 * _LANES)],
                    osems[b]).wait()

        iv_cb = []
        for ch in range(d // 16):
            row = []
            for blo in range(8):
                cc = lane + ch * 16
                row.append((cc >> 3) * (_PB * 8 * _LANES)
                           + (cc & 7) * _LANES + blo)
            iv_cb.append(row)
        window = (d // 8 - 1) * (_PB * 8 * _LANES) + 7 * _LANES + 8 + 16

        def transpose(b):
            def lbody(bl8, carry):
                base = bl8 * 8
                for j2 in range(_PB):
                    off = j2 * (8 * _LANES) + base
                    dst = obufs[b].at[pl.ds(off, window)]
                    for ch in range(d // 16):
                        vecs = [row_bufs[b][j2 * _LANES + base + blo,
                                            pl.ds(ch * 16, 16)]
                                for blo in range(8)]
                        for blo in range(8):
                            plsc.store_scatter(dst, [iv_cb[ch][blo]],
                                               vecs[blo])
                return carry
            plsc.parallel_loop(0, _LANES // 8, carry=jnp.int32(0))(lbody)

        idx_start(0, 0)
        idx_start(1, 1)
        idx_wait(0)
        gather_start(0)

        def outer_body(o, carry):
            for b in range(2):
                s = o * 2 + b
                nb = 1 - b

                @pl.when(s + 1 < n_stages)
                def _():
                    idx_wait(nb)
                    gather_start(nb)

                gather_wait(b)

                @pl.when(s >= 2)
                def _():
                    out_wait(b)

                transpose(b)
                out_start(s, b)

                @pl.when(s + 2 < n_stages)
                def _():
                    idx_start(s + 2, b)
            return carry

        lax.fori_loop(0, n_stages // 2, outer_body, 0)
        out_wait(0)
        out_wait(1)

    return k(idx_flat, table)


def kernel(tokens, embeddings):
    bsz, hist = tokens.shape
    v, d = embeddings.shape
    n_pairs = hist * (bsz // _LANES)
    idx_flat = jnp.transpose(tokens).reshape(bsz * hist).astype(jnp.int32)
    out_lin = _gather_sc(idx_flat, embeddings, n_pairs, d)
    out = out_lin.reshape(hist, _CG, bsz // _LANES, 8, _LANES)
    out = out.transpose(2, 4, 0, 1, 3).reshape(bsz, hist, d)
    return out

# --- scband reference (transcript-rebuilt; emitter-appended) ---
"""Pipeline reference for scband-embedding-44770739093829 (READ-ONLY COPY).

The authoritative reference and input builder live on the scoring server;
editing this copy changes nothing except your own understanding.
"""

import jax, jax.numpy as jnp
import numpy as np

NUM_EMBEDDINGS = 1000000
EMBEDDING_DIM = 32
BATCH = 16384
HIST_LEN = 50

def setup_inputs(seed: int = 0) -> dict:
    key = jax.random.key(seed)
    k_tok, k_emb = jax.random.split(key)
    tokens = jax.random.randint(k_tok, (BATCH, HIST_LEN), 0, NUM_EMBEDDINGS, dtype=jnp.int64 if jax.config.jax_enable_x64 else jnp.int32)
    # trunc_normal_(mean=0, std=1, a=-3, b=3)
    embeddings = jax.random.truncated_normal(k_emb, -3.0, 3.0, (NUM_EMBEDDINGS, EMBEDDING_DIM), dtype=jnp.float32)
    return {"tokens": tokens, "embeddings": embeddings}

def reference(tokens, embeddings):
    # self.embeddings[tokens] -> gather rows along axis 0
    return jnp.take(embeddings, tokens, axis=0)

if __name__ == "__main__":
    import jax
    _d = setup_inputs()
    print(jax.jit(kernel)(*tuple(_d.values())))

</pallas_src>

<mosaic_0001>
#map = affine_map<(d0, d1) -> (0)>
#map1 = affine_map<(d0, d1) -> (0, 0)>
#map2 = affine_map<(d0, d1) -> (0, 0, 0)>
module attributes {stable_mosaic.version = 14 : i64} {
  func.func @k(%arg0: i32, %arg1: i32, %arg2: memref<819200xi32, #tpu.memory_space<hbm>>, %arg3: memref<1000000x32xf32, #tpu.memory_space<hbm>>, %arg4: memref<50x4x131072xf32, #tpu.memory_space<hbm>>, %arg5: memref<512xi32, #tpu.memory_space<vmem>>, %arg6: memref<512xi32, #tpu.memory_space<vmem>>, %arg7: memref<512x32xf32, #tpu.memory_space<vmem>>, %arg8: memref<512x32xf32, #tpu.memory_space<vmem>>, %arg9: memref<16528xf32, #tpu.memory_space<vmem>>, %arg10: memref<16528xf32, #tpu.memory_space<vmem>>, %arg11: memref<!tpu.dma_semaphore, #tpu.memory_space<semaphore_mem>>, %arg12: memref<!tpu.dma_semaphore, #tpu.memory_space<semaphore_mem>>, %arg13: memref<!tpu.dma_semaphore, #tpu.memory_space<semaphore_mem>>, %arg14: memref<!tpu.dma_semaphore, #tpu.memory_space<semaphore_mem>>, %arg15: memref<!tpu.dma_semaphore, #tpu.memory_space<semaphore_mem>>, %arg16: memref<!tpu.dma_semaphore, #tpu.memory_space<semaphore_mem>>) attributes {dimension_semantics = [#tpu.dimension_semantics<core_parallel>, #tpu.dimension_semantics<subcore_parallel>], iteration_bounds = array<i64: 2, 16>, scalar_prefetch = 0 : i64, scratch_operands = 12 : i64, tpu.core_type = #tpu.core_type<sc_vector_subcore>, window_params = [{transform_indices = #map}, {transform_indices = #map1}, {transform_indices = #map2}]} {
    %mul3A = arith.constant 2 : i32
    %mul3A_0 = arith.muli %arg1, %mul3A : i32
    %add3A = arith.addi %mul3A_0, %arg0 : i32
    %mul3A_1 = arith.constant 200 : i32
    %mul3A_2 = arith.muli %add3A, %mul3A_1 : i32
    %iota3A = tpu.iota {dimensions = array<i32: 0>} : vector<16xi32>
    %add3A_3 = arith.constant 0 : i32
    %add3A_4 = vector.broadcast %add3A_3 : i32 to vector<16xi32>
    %add3A_5 = arith.addi %iota3A, %add3A_4 : vector<16xi32>
    %shift_right_arithmetic3A = arith.constant 3 : i32
    %shift_right_arithmetic3A_6 = vector.broadcast %shift_right_arithmetic3A : i32 to vector<16xi32>
    %shift_right_arithmetic3A_7 = arith.shrsi %add3A_5, %shift_right_arithmetic3A_6 : vector<16xi32>
    %mul3A_8 = arith.constant 4096 : i32
    %mul3A_9 = vector.broadcast %mul3A_8 : i32 to vector<16xi32>
    %mul3A_10 = arith.muli %shift_right_arithmetic3A_7, %mul3A_9 : vector<16xi32>
    %and3A = arith.constant 7 : i32
    %and3A_11 = vector.broadcast %and3A : i32 to vector<16xi32>
    %and3A_12 = arith.andi %add3A_5, %and3A_11 : vector<16xi32>
    %mul3A_13 = arith.constant 128 : i32
    %mul3A_14 = vector.broadcast %mul3A_13 : i32 to vector<16xi32>
    %mul3A_15 = arith.muli %and3A_12, %mul3A_14 : vector<16xi32>
    %add3A_16 = arith.addi %mul3A_10, %mul3A_15 : vector<16xi32>
    %add3A_17 = arith.constant 0 : i32
    %add3A_18 = vector.broadcast %add3A_17 : i32 to vector<16xi32>
    %add3A_19 = arith.addi %add3A_16, %add3A_18 : vector<16xi32>
    %add3A_20 = arith.constant 0 : i32
    %add3A_21 = vector.broadcast %add3A_20 : i32 to vector<16xi32>
    %add3A_22 = arith.addi %iota3A, %add3A_21 : vector<16xi32>
    %shift_right_arithmetic3A_23 = arith.constant 3 : i32
    %shift_right_arithmetic3A_24 = vector.broadcast %shift_right_arithmetic3A_23 : i32 to vector<16xi32>
    %shift_right_arithmetic3A_25 = arith.shrsi %add3A_22, %shift_right_arithmetic3A_24 : vector<16xi32>
    %mul3A_26 = arith.constant 4096 : i32
    %mul3A_27 = vector.broadcast %mul3A_26 : i32 to vector<16xi32>
    %mul3A_28 = arith.muli %shift_right_arithmetic3A_25, %mul3A_27 : vector<16xi32>
    %and3A_29 = arith.constant 7 : i32
    %and3A_30 = vector.broadcast %and3A_29 : i32 to vector<16xi32>
    %and3A_31 = arith.andi %add3A_22, %and3A_30 : vector<16xi32>
    %mul3A_32 = arith.constant 128 : i32
    %mul3A_33 = vector.broadcast %mul3A_32 : i32 to vector<16xi32>
    %mul3A_34 = arith.muli %and3A_31, %mul3A_33 : vector<16xi32>
    %add3A_35 = arith.addi %mul3A_28, %mul3A_34 : vector<16xi32>
    %add3A_36 = arith.constant 1 : i32
    %add3A_37 = vector.broadcast %add3A_36 : i32 to vector<16xi32>
    %add3A_38 = arith.addi %add3A_35, %add3A_37 : vector<16xi32>
    %add3A_39 = arith.constant 0 : i32
    %add3A_40 = vector.broadcast %add3A_39 : i32 to vector<16xi32>
    %add3A_41 = arith.addi %iota3A, %add3A_40 : vector<16xi32>
    %shift_right_arithmetic3A_42 = arith.constant 3 : i32
    %shift_right_arithmetic3A_43 = vector.broadcast %shift_right_arithmetic3A_42 : i32 to vector<16xi32>
    %shift_right_arithmetic3A_44 = arith.shrsi %add3A_41, %shift_right_arithmetic3A_43 : vector<16xi32>
    %mul3A_45 = arith.constant 4096 : i32
    %mul3A_46 = vector.broadcast %mul3A_45 : i32 to vector<16xi32>
    %mul3A_47 = arith.muli %shift_right_arithmetic3A_44, %mul3A_46 : vector<16xi32>
    %and3A_48 = arith.constant 7 : i32
    %and3A_49 = vector.broadcast %and3A_48 : i32 to vector<16xi32>
    %and3A_50 = arith.andi %add3A_41, %and3A_49 : vector<16xi32>
    %mul3A_51 = arith.constant 128 : i32
    %mul3A_52 = vector.broadcast %mul3A_51 : i32 to vector<16xi32>
    %mul3A_53 = arith.muli %and3A_50, %mul3A_52 : vector<16xi32>
    %add3A_54 = arith.addi %mul3A_47, %mul3A_53 : vector<16xi32>
    %add3A_55 = arith.constant 2 : i32
    %add3A_56 = vector.broadcast %add3A_55 : i32 to vector<16xi32>
    %add3A_57 = arith.addi %add3A_54, %add3A_56 : vector<16xi32>
    %add3A_58 = arith.constant 0 : i32
    %add3A_59 = vector.broadcast %add3A_58 : i32 to vector<16xi32>
    %add3A_60 = arith.addi %iota3A, %add3A_59 : vector<16xi32>
    %shift_right_arithmetic3A_61 = arith.constant 3 : i32
    %shift_right_arithmetic3A_62 = vector.broadcast %shift_right_arithmetic3A_61 : i32 to vector<16xi32>
    %shift_right_arithmetic3A_63 = arith.shrsi %add3A_60, %shift_right_arithmetic3A_62 : vector<16xi32>
    %mul3A_64 = arith.constant 4096 : i32
    %mul3A_65 = vector.broadcast %mul3A_64 : i32 to vector<16xi32>
    %mul3A_66 = arith.muli %shift_right_arithmetic3A_63, %mul3A_65 : vector<16xi32>
    %and3A_67 = arith.constant 7 : i32
    %and3A_68 = vector.broadcast %and3A_67 : i32 to vector<16xi32>
    %and3A_69 = arith.andi %add3A_60, %and3A_68 : vector<16xi32>
    %mul3A_70 = arith.constant 128 : i32
    %mul3A_71 = vector.broadcast %mul3A_70 : i32 to vector<16xi32>
    %mul3A_72 = arith.muli %and3A_69, %mul3A_71 : vector<16xi32>
    %add3A_73 = arith.addi %mul3A_66, %mul3A_72 : vector<16xi32>
    %add3A_74 = arith.constant 3 : i32
    %add3A_75 = vector.broadcast %add3A_74 : i32 to vector<16xi32>
    %add3A_76 = arith.addi %add3A_73, %add3A_75 : vector<16xi32>
    %add3A_77 = arith.constant 0 : i32
    %add3A_78 = vector.broadcast %add3A_77 : i32 to vector<16xi32>
    %add3A_79 = arith.addi %iota3A, %add3A_78 : vector<16xi32>
    %shift_right_arithmetic3A_80 = arith.constant 3 : i32
    %shift_right_arithmetic3A_81 = vector.broadcast %shift_right_arithmetic3A_80 : i32 to vector<16xi32>
    %shift_right_arithmetic3A_82 = arith.shrsi %add3A_79, %shift_right_arithmetic3A_81 : vector<16xi32>
    %mul3A_83 = arith.constant 4096 : i32
    %mul3A_84 = vector.broadcast %mul3A_83 : i32 to vector<16xi32>
    %mul3A_85 = arith.muli %shift_right_arithmetic3A_82, %mul3A_84 : vector<16xi32>
    %and3A_86 = arith.constant 7 : i32
    %and3A_87 = vector.broadcast %and3A_86 : i32 to vector<16xi32>
    %and3A_88 = arith.andi %add3A_79, %and3A_87 : vector<16xi32>
    %mul3A_89 = arith.constant 128 : i32
    %mul3A_90 = vector.broadcast %mul3A_89 : i32 to vector<16xi32>
    %mul3A_91 = arith.muli %and3A_88, %mul3A_90 : vector<16xi32>
    %add3A_92 = arith.addi %mul3A_85, %mul3A_91 : vector<16xi32>
    %add3A_93 = arith.constant 4 : i32
    %add3A_94 = vector.broadcast %add3A_93 : i32 to vector<16xi32>
    %add3A_95 = arith.addi %add3A_92, %add3A_94 : vector<16xi32>
    %add3A_96 = arith.constant 0 : i32
    %add3A_97 = vector.broadcast %add3A_96 : i32 to vector<16xi32>
    %add3A_98 = arith.addi %iota3A, %add3A_97 : vector<16xi32>
    %shift_right_arithmetic3A_99 = arith.constant 3 : i32
    %shift_right_arithmetic3A_100 = vector.broadcast %shift_right_arithmetic3A_99 : i32 to vector<16xi32>
    %shift_right_arithmetic3A_101 = arith.shrsi %add3A_98, %shift_right_arithmetic3A_100 : vector<16xi32>
    %mul3A_102 = arith.constant 4096 : i32
    %mul3A_103 = vector.broadcast %mul3A_102 : i32 to vector<16xi32>
    %mul3A_104 = arith.muli %shift_right_arithmetic3A_101, %mul3A_103 : vector<16xi32>
    %and3A_105 = arith.constant 7 : i32
    %and3A_106 = vector.broadcast %and3A_105 : i32 to vector<16xi32>
    %and3A_107 = arith.andi %add3A_98, %and3A_106 : vector<16xi32>
    %mul3A_108 = arith.constant 128 : i32
    %mul3A_109 = vector.broadcast %mul3A_108 : i32 to vector<16xi32>
    %mul3A_110 = arith.muli %and3A_107, %mul3A_109 : vector<16xi32>
    %add3A_111 = arith.addi %mul3A_104, %mul3A_110 : vector<16xi32>
    %add3A_112 = arith.constant 5 : i32
    %add3A_113 = vector.broadcast %add3A_112 : i32 to vector<16xi32>
    %add3A_114 = arith.addi %add3A_111, %add3A_113 : vector<16xi32>
    %add3A_115 = arith.constant 0 : i32
    %add3A_116 = vector.broadcast %add3A_115 : i32 to vector<16xi32>
    %add3A_117 = arith.addi %iota3A, %add3A_116 : vector<16xi32>
    %shift_right_arithmetic3A_118 = arith.constant 3 : i32
    %shift_right_arithmetic3A_119 = vector.broadcast %shift_right_arithmetic3A_118 : i32 to vector<16xi32>
    %shift_right_arithmetic3A_120 = arith.shrsi %add3A_117, %shift_right_arithmetic3A_119 : vector<16xi32>
    %mul3A_121 = arith.constant 4096 : i32
    %mul3A_122 = vector.broadcast %mul3A_121 : i32 to vector<16xi32>
    %mul3A_123 = arith.muli %shift_right_arithmetic3A_120, %mul3A_122 : vector<16xi32>
    %and3A_124 = arith.constant 7 : i32
    %and3A_125 = vector.broadcast %and3A_124 : i32 to vector<16xi32>
    %and3A_126 = arith.andi %add3A_117, %and3A_125 : vector<16xi32>
    %mul3A_127 = arith.constant 128 : i32
    %mul3A_128 = vector.broadcast %mul3A_127 : i32 to vector<16xi32>
    %mul3A_129 = arith.muli %and3A_126, %mul3A_128 : vector<16xi32>
    %add3A_130 = arith.addi %mul3A_123, %mul3A_129 : vector<16xi32>
    %add3A_131 = arith.constant 6 : i32
    %add3A_132 = vector.broadcast %add3A_131 : i32 to vector<16xi32>
    %add3A_133 = arith.addi %add3A_130, %add3A_132 : vector<16xi32>
    %add3A_134 = arith.constant 0 : i32
    %add3A_135 = vector.broadcast %add3A_134 : i32 to vector<16xi32>
    %add3A_136 = arith.addi %iota3A, %add3A_135 : vector<16xi32>
    %shift_right_arithmetic3A_137 = arith.constant 3 : i32
    %shift_right_arithmetic3A_138 = vector.broadcast %shift_right_arithmetic3A_137 : i32 to vector<16xi32>
    %shift_right_arithmetic3A_139 = arith.shrsi %add3A_136, %shift_right_arithmetic3A_138 : vector<16xi32>
    %mul3A_140 = arith.constant 4096 : i32
    %mul3A_141 = vector.broadcast %mul3A_140 : i32 to vector<16xi32>
    %mul3A_142 = arith.muli %shift_right_arithmetic3A_139, %mul3A_141 : vector<16xi32>
    %and3A_143 = arith.constant 7 : i32
    %and3A_144 = vector.broadcast %and3A_143 : i32 to vector<16xi32>
    %and3A_145 = arith.andi %add3A_136, %and3A_144 : vector<16xi32>
    %mul3A_146 = arith.constant 128 : i32
    %mul3A_147 = vector.broadcast %mul3A_146 : i32 to vector<16xi32>
    %mul3A_148 = arith.muli %and3A_145, %mul3A_147 : vector<16xi32>
    %add3A_149 = arith.addi %mul3A_142, %mul3A_148 : vector<16xi32>
    %add3A_150 = arith.constant 7 : i32
    %add3A_151 = vector.broadcast %add3A_150 : i32 to vector<16xi32>
    %add3A_152 = arith.addi %add3A_149, %add3A_151 : vector<16xi32>
    %add3A_153 = arith.constant 16 : i32
    %add3A_154 = vector.broadcast %add3A_153 : i32 to vector<16xi32>
    %add3A_155 = arith.addi %iota3A, %add3A_154 : vector<16xi32>
    %shift_right_arithmetic3A_156 = arith.constant 3 : i32
    %shift_right_arithmetic3A_157 = vector.broadcast %shift_right_arithmetic3A_156 : i32 to vector<16xi32>
    %shift_right_arithmetic3A_158 = arith.shrsi %add3A_155, %shift_right_arithmetic3A_157 : vector<16xi32>
    %mul3A_159 = arith.constant 4096 : i32
    %mul3A_160 = vector.broadcast %mul3A_159 : i32 to vector<16xi32>
    %mul3A_161 = arith.muli %shift_right_arithmetic3A_158, %mul3A_160 : vector<16xi32>
    %and3A_162 = arith.constant 7 : i32
    %and3A_163 = vector.broadcast %and3A_162 : i32 to vector<16xi32>
    %and3A_164 = arith.andi %add3A_155, %and3A_163 : vector<16xi32>
    %mul3A_165 = arith.constant 128 : i32
    %mul3A_166 = vector.broadcast %mul3A_165 : i32 to vector<16xi32>
    %mul3A_167 = arith.muli %and3A_164, %mul3A_166 : vector<16xi32>
    %add3A_168 = arith.addi %mul3A_161, %mul3A_167 : vector<16xi32>
    %add3A_169 = arith.constant 0 : i32
    %add3A_170 = vector.broadcast %add3A_169 : i32 to vector<16xi32>
    %add3A_171 = arith.addi %add3A_168, %add3A_170 : vector<16xi32>
    %add3A_172 = arith.constant 16 : i32
    %add3A_173 = vector.broadcast %add3A_172 : i32 to vector<16xi32>
    %add3A_174 = arith.addi %iota3A, %add3A_173 : vector<16xi32>
    %shift_right_arithmetic3A_175 = arith.constant 3 : i32
    %shift_right_arithmetic3A_176 = vector.broadcast %shift_right_arithmetic3A_175 : i32 to vector<16xi32>
    %shift_right_arithmetic3A_177 = arith.shrsi %add3A_174, %shift_right_arithmetic3A_176 : vector<16xi32>
    %mul3A_178 = arith.constant 4096 : i32
    %mul3A_179 = vector.broadcast %mul3A_178 : i32 to vector<16xi32>
    %mul3A_180 = arith.muli %shift_right_arithmetic3A_177, %mul3A_179 : vector<16xi32>
    %and3A_181 = arith.constant 7 : i32
    %and3A_182 = vector.broadcast %and3A_181 : i32 to vector<16xi32>
    %and3A_183 = arith.andi %add3A_174, %and3A_182 : vector<16xi32>
    %mul3A_184 = arith.constant 128 : i32
    %mul3A_185 = vector.broadcast %mul3A_184 : i32 to vector<16xi32>
    %mul3A_186 = arith.muli %and3A_183, %mul3A_185 : vector<16xi32>
    %add3A_187 = arith.addi %mul3A_180, %mul3A_186 : vector<16xi32>
    %add3A_188 = arith.constant 1 : i32
    %add3A_189 = vector.broadcast %add3A_188 : i32 to vector<16xi32>
    %add3A_190 = arith.addi %add3A_187, %add3A_189 : vector<16xi32>
    %add3A_191 = arith.constant 16 : i32
    %add3A_192 = vector.broadcast %add3A_191 : i32 to vector<16xi32>
    %add3A_193 = arith.addi %iota3A, %add3A_192 : vector<16xi32>
    %shift_right_arithmetic3A_194 = arith.constant 3 : i32
    %shift_right_arithmetic3A_195 = vector.broadcast %shift_right_arithmetic3A_194 : i32 to vector<16xi32>
    %shift_right_arithmetic3A_196 = arith.shrsi %add3A_193, %shift_right_arithmetic3A_195 : vector<16xi32>
    %mul3A_197 = arith.constant 4096 : i32
    %mul3A_198 = vector.broadcast %mul3A_197 : i32 to vector<16xi32>
    %mul3A_199 = arith.muli %shift_right_arithmetic3A_196, %mul3A_198 : vector<16xi32>
    %and3A_200 = arith.constant 7 : i32
    %and3A_201 = vector.broadcast %and3A_200 : i32 to vector<16xi32>
    %and3A_202 = arith.andi %add3A_193, %and3A_201 : vector<16xi32>
    %mul3A_203 = arith.constant 128 : i32
    %mul3A_204 = vector.broadcast %mul3A_203 : i32 to vector<16xi32>
    %mul3A_205 = arith.muli %and3A_202, %mul3A_204 : vector<16xi32>
    %add3A_206 = arith.addi %mul3A_199, %mul3A_205 : vector<16xi32>
    %add3A_207 = arith.constant 2 : i32
    %add3A_208 = vector.broadcast %add3A_207 : i32 to vector<16xi32>
    %add3A_209 = arith.addi %add3A_206, %add3A_208 : vector<16xi32>
    %add3A_210 = arith.constant 16 : i32
    %add3A_211 = vector.broadcast %add3A_210 : i32 to vector<16xi32>
    %add3A_212 = arith.addi %iota3A, %add3A_211 : vector<16xi32>
    %shift_right_arithmetic3A_213 = arith.constant 3 : i32
    %shift_right_arithmetic3A_214 = vector.broadcast %shift_right_arithmetic3A_213 : i32 to vector<16xi32>
    %shift_right_arithmetic3A_215 = arith.shrsi %add3A_212, %shift_right_arithmetic3A_214 : vector<16xi32>
    %mul3A_216 = arith.constant 4096 : i32
    %mul3A_217 = vector.broadcast %mul3A_216 : i32 to vector<16xi32>
    %mul3A_218 = arith.muli %shift_right_arithmetic3A_215, %mul3A_217 : vector<16xi32>
    %and3A_219 = arith.constant 7 : i32
    %and3A_220 = vector.broadcast %and3A_219 : i32 to vector<16xi32>
    %and3A_221 = arith.andi %add3A_212, %and3A_220 : vector<16xi32>
    %mul3A_222 = arith.constant 128 : i32
    %mul3A_223 = vector.broadcast %mul3A_222 : i32 to vector<16xi32>
    %mul3A_224 = arith.muli %and3A_221, %mul3A_223 : vector<16xi32>
    %add3A_225 = arith.addi %mul3A_218, %mul3A_224 : vector<16xi32>
    %add3A_226 = arith.constant 3 : i32
    %add3A_227 = vector.broadcast %add3A_226 : i32 to vector<16xi32>
    %add3A_228 = arith.addi %add3A_225, %add3A_227 : vector<16xi32>
    %add3A_229 = arith.constant 16 : i32
    %add3A_230 = vector.broadcast %add3A_229 : i32 to vector<16xi32>
    %add3A_231 = arith.addi %iota3A, %add3A_230 : vector<16xi32>
    %shift_right_arithmetic3A_232 = arith.constant 3 : i32
    %shift_right_arithmetic3A_233 = vector.broadcast %shift_right_arithmetic3A_232 : i32 to vector<16xi32>
    %shift_right_arithmetic3A_234 = arith.shrsi %add3A_231, %shift_right_arithmetic3A_233 : vector<16xi32>
    %mul3A_235 = arith.constant 4096 : i32
    %mul3A_236 = vector.broadcast %mul3A_235 : i32 to vector<16xi32>
    %mul3A_237 = arith.muli %shift_right_arithmetic3A_234, %mul3A_236 : vector<16xi32>
    %and3A_238 = arith.constant 7 : i32
    %and3A_239 = vector.broadcast %and3A_238 : i32 to vector<16xi32>
    %and3A_240 = arith.andi %add3A_231, %and3A_239 : vector<16xi32>
    %mul3A_241 = arith.constant 128 : i32
    %mul3A_242 = vector.broadcast %mul3A_241 : i32 to vector<16xi32>
    %mul3A_243 = arith.muli %and3A_240, %mul3A_242 : vector<16xi32>
    %add3A_244 = arith.addi %mul3A_237, %mul3A_243 : vector<16xi32>
    %add3A_245 = arith.constant 4 : i32
    %add3A_246 = vector.broadcast %add3A_245 : i32 to vector<16xi32>
    %add3A_247 = arith.addi %add3A_244, %add3A_246 : vector<16xi32>
    %add3A_248 = arith.constant 16 : i32
    %add3A_249 = vector.broadcast %add3A_248 : i32 to vector<16xi32>
    %add3A_250 = arith.addi %iota3A, %add3A_249 : vector<16xi32>
    %shift_right_arithmetic3A_251 = arith.constant 3 : i32
    %shift_right_arithmetic3A_252 = vector.broadcast %shift_right_arithmetic3A_251 : i32 to vector<16xi32>
    %shift_right_arithmetic3A_253 = arith.shrsi %add3A_250, %shift_right_arithmetic3A_252 : vector<16xi32>
    %mul3A_254 = arith.constant 4096 : i32
    %mul3A_255 = vector.broadcast %mul3A_254 : i32 to vector<16xi32>
    %mul3A_256 = arith.muli %shift_right_arithmetic3A_253, %mul3A_255 : vector<16xi32>
    %and3A_257 = arith.constant 7 : i32
    %and3A_258 = vector.broadcast %and3A_257 : i32 to vector<16xi32>
    %and3A_259 = arith.andi %add3A_250, %and3A_258 : vector<16xi32>
    %mul3A_260 = arith.constant 128 : i32
    %mul3A_261 = vector.broadcast %mul3A_260 : i32 to vector<16xi32>
    %mul3A_262 = arith.muli %and3A_259, %mul3A_261 : vector<16xi32>
    %add3A_263 = arith.addi %mul3A_256, %mul3A_262 : vector<16xi32>
    %add3A_264 = arith.constant 5 : i32
    %add3A_265 = vector.broadcast %add3A_264 : i32 to vector<16xi32>
    %add3A_266 = arith.addi %add3A_263, %add3A_265 : vector<16xi32>
    %add3A_267 = arith.constant 16 : i32
    %add3A_268 = vector.broadcast %add3A_267 : i32 to vector<16xi32>
    %add3A_269 = arith.addi %iota3A, %add3A_268 : vector<16xi32>
    %shift_right_arithmetic3A_270 = arith.constant 3 : i32
    %shift_right_arithmetic3A_271 = vector.broadcast %shift_right_arithmetic3A_270 : i32 to vector<16xi32>
    %shift_right_arithmetic3A_272 = arith.shrsi %add3A_269, %shift_right_arithmetic3A_271 : vector<16xi32>
    %mul3A_273 = arith.constant 4096 : i32
    %mul3A_274 = vector.broadcast %mul3A_273 : i32 to vector<16xi32>
    %mul3A_275 = arith.muli %shift_right_arithmetic3A_272, %mul3A_274 : vector<16xi32>
    %and3A_276 = arith.constant 7 : i32
    %and3A_277 = vector.broadcast %and3A_276 : i32 to vector<16xi32>
    %and3A_278 = arith.andi %add3A_269, %and3A_277 : vector<16xi32>
    %mul3A_279 = arith.constant 128 : i32
    %mul3A_280 = vector.broadcast %mul3A_279 : i32 to vector<16xi32>
    %mul3A_281 = arith.muli %and3A_278, %mul3A_280 : vector<16xi32>
    %add3A_282 = arith.addi %mul3A_275, %mul3A_281 : vector<16xi32>
    %add3A_283 = arith.constant 6 : i32
    %add3A_284 = vector.broadcast %add3A_283 : i32 to vector<16xi32>
    %add3A_285 = arith.addi %add3A_282, %add3A_284 : vector<16xi32>
    %add3A_286 = arith.constant 16 : i32
    %add3A_287 = vector.broadcast %add3A_286 : i32 to vector<16xi32>
    %add3A_288 = arith.addi %iota3A, %add3A_287 : vector<16xi32>
    %shift_right_arithmetic3A_289 = arith.constant 3 : i32
    %shift_right_arithmetic3A_290 = vector.broadcast %shift_right_arithmetic3A_289 : i32 to vector<16xi32>
    %shift_right_arithmetic3A_291 = arith.shrsi %add3A_288, %shift_right_arithmetic3A_290 : vector<16xi32>
    %mul3A_292 = arith.constant 4096 : i32
    %mul3A_293 = vector.broadcast %mul3A_292 : i32 to vector<16xi32>
    %mul3A_294 = arith.muli %shift_right_arithmetic3A_291, %mul3A_293 : vector<16xi32>
    %and3A_295 = arith.constant 7 : i32
    %and3A_296 = vector.broadcast %and3A_295 : i32 to vector<16xi32>
    %and3A_297 = arith.andi %add3A_288, %and3A_296 : vector<16xi32>
    %mul3A_298 = arith.constant 128 : i32
    %mul3A_299 = vector.broadcast %mul3A_298 : i32 to vector<16xi32>
    %mul3A_300 = arith.muli %and3A_297, %mul3A_299 : vector<16xi32>
    %add3A_301 = arith.addi %mul3A_294, %mul3A_300 : vector<16xi32>
    %add3A_302 = arith.constant 7 : i32
    %add3A_303 = vector.broadcast %add3A_302 : i32 to vector<16xi32>
    %add3A_304 = arith.addi %add3A_301, %add3A_303 : vector<16xi32>
    %add3A_305 = arith.constant 0 : i32
    %add3A_306 = arith.addi %mul3A_2, %add3A_305 : i32
    %mul3A_307 = arith.constant 128 : i32
    %mul3A_308 = arith.muli %add3A_306, %mul3A_307 : i32
    %dma_start3A = tpu.memref_slice %arg2[%mul3A_308] : memref<819200xi32, #tpu.memory_space<hbm>> -> memref<512xi32, #tpu.memory_space<hbm>>
    %dma_start3A_309 = tpu.memref_slice %arg2[%mul3A_308] : memref<819200xi32, #tpu.memory_space<hbm>> -> memref<512xi32, #tpu.memory_space<hbm>>
    tpu.enqueue_dma source(%dma_start3A_309 : memref<512xi32, #tpu.memory_space<hbm>>) target(%arg5 : memref<512xi32, #tpu.memory_space<vmem>>) target_semaphore(%arg11 : memref<!tpu.dma_semaphore, #tpu.memory_space<semaphore_mem>>)
    %add3A_310 = arith.constant 4 : i32
    %add3A_311 = arith.addi %mul3A_2, %add3A_310 : i32
    %mul3A_312 = arith.constant 128 : i32
    %mul3A_313 = arith.muli %add3A_311, %mul3A_312 : i32
    %dma_start3A_314 = tpu.memref_slice %arg2[%mul3A_313] : memref<819200xi32, #tpu.memory_space<hbm>> -> memref<512xi32, #tpu.memory_space<hbm>>
    %dma_start3A_315 = tpu.memref_slice %arg2[%mul3A_313] : memref<819200xi32, #tpu.memory_space<hbm>> -> memref<512xi32, #tpu.memory_space<hbm>>
    tpu.enqueue_dma source(%dma_start3A_315 : memref<512xi32, #tpu.memory_space<hbm>>) target(%arg6 : memref<512xi32, #tpu.memory_space<vmem>>) target_semaphore(%arg12 : memref<!tpu.dma_semaphore, #tpu.memory_space<semaphore_mem>>)
    %dma_wait3A = arith.constant 0 : i32
    %dma_wait3A_316 = tpu.memref_slice %arg2[%dma_wait3A] : memref<819200xi32, #tpu.memory_space<hbm>> -> memref<512xi32, #tpu.memory_space<hbm>>
    %dma_wait3A_317 = arith.constant 0 : i32
    %dma_wait3A_318 = tpu.memref_slice %arg2[%dma_wait3A_317] : memref<819200xi32, #tpu.memory_space<hbm>> -> memref<512xi32, #tpu.memory_space<hbm>>
    tpu.wait_dma2 semaphore(%arg11 : memref<!tpu.dma_semaphore, #tpu.memory_space<semaphore_mem>>) src(%dma_wait3A_318 : memref<512xi32, #tpu.memory_space<hbm>>) dst(%arg5 : memref<512xi32, #tpu.memory_space<vmem>>)
    %dma_start3A_319 = arith.constant 0 : i32
    %dma_start3A_320 = arith.constant 0 : i32
    %dma_start3A_321 = tpu.memref_slice %arg3[%dma_start3A_319, %dma_start3A_320] : memref<1000000x32xf32, #tpu.memory_space<hbm>> -> memref<1000000x32xf32, #tpu.memory_space<hbm>>
    tpu.enqueue_indirect_dma source(%dma_start3A_321 : memref<1000000x32xf32, #tpu.memory_space<hbm>>) target(%arg7 : memref<512x32xf32, #tpu.memory_space<vmem>>) offsets(%arg5 : memref<512xi32, #tpu.memory_space<vmem>>) semaphore(%arg13 : memref<!tpu.dma_semaphore, #tpu.memory_space<semaphore_mem>>)
    %scan3A = arith.constant 0 : i32
    %scan3A_322 = arith.constant 0 : i32
    %scan3A_323 = arith.constant 25 : i32
    %scan3A_324 = arith.addi %scan3A_322, %scan3A_323 : i32
    %scan3A_325 = arith.constant 1 : i32
    scf.for %scan3A_423 = %scan3A_322 to %scan3A_324 step %scan3A_325  : i32 {
      %mul3A_424 = arith.constant 2 : i32
      %mul3A_425 = arith.muli %scan3A_423, %mul3A_424 : i32
      %add3A_426 = arith.constant 0 : i32
      %add3A_427 = arith.addi %mul3A_425, %add3A_426 : i32
      %add3A_428 = arith.constant 1 : i32
      %add3A_429 = arith.addi %add3A_427, %add3A_428 : i32
      %lt3A = arith.constant 50 : i32
      %lt3A_430 = arith.cmpi slt, %add3A_429, %lt3A : i32
      %convert_element_type3A = arith.extui %lt3A_430 : i1 to i32
      %cond3A = arith.constant 0 : i32
      %cond3A_431 = arith.cmpi ne, %convert_element_type3A, %cond3A : i32
      scf.if %cond3A_431 {
        %dma_wait3A_663 = arith.constant 0 : i32
        %dma_wait3A_664 = tpu.memref_slice %arg2[%dma_wait3A_663] : memref<819200xi32, #tpu.memory_space<hbm>> -> memref<512xi32, #tpu.memory_space<hbm>>
        %dma_wait3A_665 = arith.constant 0 : i32
        %dma_wait3A_666 = tpu.memref_slice %arg2[%dma_wait3A_665] : memref<819200xi32, #tpu.memory_space<hbm>> -> memref<512xi32, #tpu.memory_space<hbm>>
        tpu.wait_dma2 semaphore(%arg12 : memref<!tpu.dma_semaphore, #tpu.memory_space<semaphore_mem>>) src(%dma_wait3A_666 : memref<512xi32, #tpu.memory_space<hbm>>) dst(%arg6 : memref<512xi32, #tpu.memory_space<vmem>>)
        %dma_start3A_667 = arith.constant 0 : i32
        %dma_start3A_668 = arith.constant 0 : i32
        %dma_start3A_669 = tpu.memref_slice %arg3[%dma_start3A_667, %dma_start3A_668] : memref<1000000x32xf32, #tpu.memory_space<hbm>> -> memref<1000000x32xf32, #tpu.memory_space<hbm>>
        tpu.enqueue_indirect_dma source(%dma_start3A_669 : memref<1000000x32xf32, #tpu.memory_space<hbm>>) target(%arg8 : memref<512x32xf32, #tpu.memory_space<vmem>>) offsets(%arg6 : memref<512xi32, #tpu.memory_space<vmem>>) semaphore(%arg14 : memref<!tpu.dma_semaphore, #tpu.memory_space<semaphore_mem>>)
      } else {
      }
      %dma_wait3A_432 = arith.constant 0 : i32
      %dma_wait3A_433 = arith.constant 0 : i32
      %dma_wait3A_434 = tpu.memref_slice %arg3[%dma_wait3A_432, %dma_wait3A_433] : memref<1000000x32xf32, #tpu.memory_space<hbm>> -> memref<1000000x32xf32, #tpu.memory_space<hbm>>
      tpu.wait_indirect_dma semaphore(%arg13 : memref<!tpu.dma_semaphore, #tpu.memory_space<semaphore_mem>>) src(%dma_wait3A_434 : memref<1000000x32xf32, #tpu.memory_space<hbm>>) dst(%arg7 : memref<512x32xf32, #tpu.memory_space<vmem>>)
      %ge3A = arith.constant 2 : i32
      %ge3A_435 = arith.cmpi sge, %add3A_427, %ge3A : i32
      %convert_element_type3A_436 = arith.extui %ge3A_435 : i1 to i32
      %cond3A_437 = arith.constant 0 : i32
      %cond3A_438 = arith.cmpi ne, %convert_element_type3A_436, %cond3A_437 : i32
      scf.if %cond3A_438 {
        %dma_wait3A_663 = arith.constant 0 : i32
        %dma_wait3A_664 = arith.constant 0 : i32
        %dma_wait3A_665 = arith.constant 0 : i32
        %dma_wait3A_666 = tpu.memref_slice %arg9[%dma_wait3A_665] : memref<16528xf32, #tpu.memory_space<vmem>> -> memref<4096xf32, #tpu.memory_space<vmem>>
        %dma_wait3A_667 = arith.constant 0 : i32
        %dma_wait3A_668 = tpu.memref_slice %arg4[%dma_wait3A_663, %dma_wait3A_664, %dma_wait3A_667] : memref<50x4x131072xf32, #tpu.memory_space<hbm>> -> memref<1x1x4096xf32, #tpu.memory_space<hbm>>
        %dma_wait3A_669 = tpu.memref_squeeze %dma_wait3A_668 : memref<1x1x4096xf32, #tpu.memory_space<hbm>> -> memref<4096xf32, #tpu.memory_space<hbm>>
        %dma_wait3A_670 = arith.constant 0 : i32
        %dma_wait3A_671 = tpu.memref_slice %arg4[%dma_wait3A_663, %dma_wait3A_664, %dma_wait3A_670] : memref<50x4x131072xf32, #tpu.memory_space<hbm>> -> memref<1x1x4096xf32, #tpu.memory_space<hbm>>
        %dma_wait3A_672 = tpu.memref_squeeze %dma_wait3A_671 : memref<1x1x4096xf32, #tpu.memory_space<hbm>> -> memref<4096xf32, #tpu.memory_space<hbm>>
        %dma_wait3A_673 = arith.constant 0 : i32
        %dma_wait3A_674 = tpu.memref_slice %arg9[%dma_wait3A_673] : memref<16528xf32, #tpu.memory_space<vmem>> -> memref<4096xf32, #tpu.memory_space<vmem>>
        tpu.wait_dma2 semaphore(%arg15 : memref<!tpu.dma_semaphore, #tpu.memory_space<semaphore_mem>>) src(%dma_wait3A_674 : memref<4096xf32, #tpu.memory_space<vmem>>) dst(%dma_wait3A_672 : memref<4096xf32, #tpu.memory_space<hbm>>)
        %dma_wait3A_675 = arith.constant 0 : i32
        %dma_wait3A_676 = arith.constant 0 : i32
        %dma_wait3A_677 = arith.constant 0 : i32
        %dma_wait3A_678 = tpu.memref_slice %arg9[%dma_wait3A_677] : memref<16528xf32, #tpu.memory_space<vmem>> -> memref<4096xf32, #tpu.memory_space<vmem>>
        %dma_wait3A_679 = arith.constant 0 : i32
        %dma_wait3A_680 = tpu.memref_slice %arg4[%dma_wait3A_675, %dma_wait3A_676, %dma_wait3A_679] : memref<50x4x131072xf32, #tpu.memory_space<hbm>> -> memref<1x1x4096xf32, #tpu.memory_space<hbm>>
        %dma_wait3A_681 = tpu.memref_squeeze %dma_wait3A_680 : memref<1x1x4096xf32, #tpu.memory_space<hbm>> -> memref<4096xf32, #tpu.memory_space<hbm>>
        %dma_wait3A_682 = arith.constant 0 : i32
        %dma_wait3A_683 = tpu.memref_slice %arg4[%dma_wait3A_675, %dma_wait3A_676, %dma_wait3A_682] : memref<50x4x131072xf32, #tpu.memory_space<hbm>> -> memref<1x1x4096xf32, #tpu.memory_space<hbm>>
        %dma_wait3A_684 = tpu.memref_squeeze %dma_wait3A_683 : memref<1x1x4096xf32, #tpu.memory_space<hbm>> -> memref<4096xf32, #tpu.memory_space<hbm>>
        %dma_wait3A_685 = arith.constant 0 : i32
        %dma_wait3A_686 = tpu.memref_slice %arg9[%dma_wait3A_685] : memref<16528xf32, #tpu.memory_space<vmem>> -> memref<4096xf32, #tpu.memory_space<vmem>>
        tpu.wait_dma2 semaphore(%arg15 : memref<!tpu.dma_semaphore, #tpu.memory_space<semaphore_mem>>) src(%dma_wait3A_686 : memref<4096xf32, #tpu.memory_space<vmem>>) dst(%dma_wait3A_684 : memref<4096xf32, #tpu.memory_space<hbm>>)
        %dma_wait3A_687 = arith.constant 0 : i32
        %dma_wait3A_688 = arith.constant 0 : i32
        %dma_wait3A_689 = arith.constant 0 : i32
        %dma_wait3A_690 = tpu.memref_slice %arg9[%dma_wait3A_689] : memref<16528xf32, #tpu.memory_space<vmem>> -> memref<4096xf32, #tpu.memory_space<vmem>>
        %dma_wait3A_691 = arith.constant 0 : i32
        %dma_wait3A_692 = tpu.memref_slice %arg4[%dma_wait3A_687, %dma_wait3A_688, %dma_wait3A_691] : memref<50x4x131072xf32, #tpu.memory_space<hbm>> -> memref<1x1x4096xf32, #tpu.memory_space<hbm>>
        %dma_wait3A_693 = tpu.memref_squeeze %dma_wait3A_692 : memref<1x1x4096xf32, #tpu.memory_space<hbm>> -> memref<4096xf32, #tpu.memory_space<hbm>>
        %dma_wait3A_694 = arith.constant 0 : i32
        %dma_wait3A_695 = tpu.memref_slice %arg4[%dma_wait3A_687, %dma_wait3A_688, %dma_wait3A_694] : memref<50x4x131072xf32, #tpu.memory_space<hbm>> -> memref<1x1x4096xf32, #tpu.memory_space<hbm>>
        %dma_wait3A_696 = tpu.memref_squeeze %dma_wait3A_695 : memref<1x1x4096xf32, #tpu.memory_space<hbm>> -> memref<4096xf32, #tpu.memory_space<hbm>>
        %dma_wait3A_697 = arith.constant 0 : i32
        %dma_wait3A_698 = tpu.memref_slice %arg9[%dma_wait3A_697] : memref<16528xf32, #tpu.memory_space<vmem>> -> memref<4096xf32, #tpu.memory_space<vmem>>
        tpu.wait_dma2 semaphore(%arg15 : memref<!tpu.dma_semaphore, #tpu.memory_space<semaphore_mem>>) src(%dma_wait3A_698 : memref<4096xf32, #tpu.memory_space<vmem>>) dst(%dma_wait3A_696 : memref<4096xf32, #tpu.memory_space<hbm>>)
        %dma_wait3A_699 = arith.constant 0 : i32
        %dma_wait3A_700 = arith.constant 0 : i32
        %dma_wait3A_701 = arith.constant 0 : i32
        %dma_wait3A_702 = tpu.memref_slice %arg9[%dma_wait3A_701] : memref<16528xf32, #tpu.memory_space<vmem>> -> memref<4096xf32, #tpu.memory_space<vmem>>
        %dma_wait3A_703 = arith.constant 0 : i32
        %dma_wait3A_704 = tpu.memref_slice %arg4[%dma_wait3A_699, %dma_wait3A_700, %dma_wait3A_703] : memref<50x4x131072xf32, #tpu.memory_space<hbm>> -> memref<1x1x4096xf32, #tpu.memory_space<hbm>>
        %dma_wait3A_705 = tpu.memref_squeeze %dma_wait3A_704 : memref<1x1x4096xf32, #tpu.memory_space<hbm>> -> memref<4096xf32, #tpu.memory_space<hbm>>
        %dma_wait3A_706 = arith.constant 0 : i32
        %dma_wait3A_707 = tpu.memref_slice %arg4[%dma_wait3A_699, %dma_wait3A_700, %dma_wait3A_706] : memref<50x4x131072xf32, #tpu.memory_space<hbm>> -> memref<1x1x4096xf32, #tpu.memory_space<hbm>>
        %dma_wait3A_708 = tpu.memref_squeeze %dma_wait3A_707 : memref<1x1x4096xf32, #tpu.memory_space<hbm>> -> memref<4096xf32, #tpu.memory_space<hbm>>
        %dma_wait3A_709 = arith.constant 0 : i32
        %dma_wait3A_710 = tpu.memref_slice %arg9[%dma_wait3A_709] : memref<16528xf32, #tpu.memory_space<vmem>> -> memref<4096xf32, #tpu.memory_space<vmem>>
        tpu.wait_dma2 semaphore(%arg15 : memref<!tpu.dma_semaphore, #tpu.memory_space<semaphore_mem>>) src(%dma_wait3A_710 : memref<4096xf32, #tpu.memory_space<vmem>>) dst(%dma_wait3A_708 : memref<4096xf32, #tpu.memory_space<hbm>>)
      } else {
      }
      %parallel_loop3A = arith.constant 0 : i32
      %parallel_loop3A_439 = arith.constant 16 : i32
      %parallel_loop3A_440 = arith.constant 1 : i32
      %parallel_loop3A_441 = arith.constant 0 : i32
      %parallel_loop3A_442 = scf.for %parallel_loop3A_663 = %parallel_loop3A to %parallel_loop3A_439 step %parallel_loop3A_440 iter_args(%parallel_loop3A_664 = %parallel_loop3A_441) -> (i32)  : i32 {
        %parallel_loop3A_665 = arith.constant 8 : i32
        %parallel_loop3A_666 = arith.muli %parallel_loop3A_663, %parallel_loop3A_665 : i32
        %parallel_loop3A_667 = arith.constant 0 : i32
        %parallel_loop3A_668 = arith.addi %parallel_loop3A_667, %parallel_loop3A_666 : i32
        %parallel_loop3A_669 = arith.constant 0 : i32
        %parallel_loop3A_670 = arith.addi %parallel_loop3A_669, %parallel_loop3A_666 : i32
        %parallel_loop3A_671 = arith.constant 0 : i32
        %parallel_loop3A_672 = arith.addi %parallel_loop3A_670, %parallel_loop3A_671 : i32
        %parallel_loop3A_673 = arith.index_cast %parallel_loop3A_672 : i32 to index
        %parallel_loop3A_674 = arith.constant 0 : index
        %parallel_loop3A_675 = tpu.vector_load %arg7[%parallel_loop3A_673, %parallel_loop3A_674] {strides = array<i32>} : memref<512x32xf32, #tpu.memory_space<vmem>>, vector<16xf32>,
        %parallel_loop3A_676 = arith.constant 0 : i32
        %parallel_loop3A_677 = arith.addi %parallel_loop3A_676, %parallel_loop3A_666 : i32
        %parallel_loop3A_678 = arith.constant 1 : i32
        %parallel_loop3A_679 = arith.addi %parallel_loop3A_677, %parallel_loop3A_678 : i32
        %parallel_loop3A_680 = arith.index_cast %parallel_loop3A_679 : i32 to index
        %parallel_loop3A_681 = arith.constant 0 : index
        %parallel_loop3A_682 = tpu.vector_load %arg7[%parallel_loop3A_680, %parallel_loop3A_681] {strides = array<i32>} : memref<512x32xf32, #tpu.memory_space<vmem>>, vector<16xf32>,
        %parallel_loop3A_683 = arith.constant 0 : i32
        %parallel_loop3A_684 = arith.addi %parallel_loop3A_683, %parallel_loop3A_666 : i32
        %parallel_loop3A_685 = arith.constant 2 : i32
        %parallel_loop3A_686 = arith.addi %parallel_loop3A_684, %parallel_loop3A_685 : i32
        %parallel_loop3A_687 = arith.index_cast %parallel_loop3A_686 : i32 to index
        %parallel_loop3A_688 = arith.constant 0 : index
        %parallel_loop3A_689 = tpu.vector_load %arg7[%parallel_loop3A_687, %parallel_loop3A_688] {strides = array<i32>} : memref<512x32xf32, #tpu.memory_space<vmem>>, vector<16xf32>,
        %parallel_loop3A_690 = arith.constant 0 : i32
        %parallel_loop3A_691 = arith.addi %parallel_loop3A_690, %parallel_loop3A_666 : i32
        %parallel_loop3A_692 = arith.constant 3 : i32
        %parallel_loop3A_693 = arith.addi %parallel_loop3A_691, %parallel_loop3A_692 : i32
        %parallel_loop3A_694 = arith.index_cast %parallel_loop3A_693 : i32 to index
        %parallel_loop3A_695 = arith.constant 0 : index
        %parallel_loop3A_696 = tpu.vector_load %arg7[%parallel_loop3A_694, %parallel_loop3A_695] {strides = array<i32>} : memref<512x32xf32, #tpu.memory_space<vmem>>, vector<16xf32>,
        %parallel_loop3A_697 = arith.constant 0 : i32
        %parallel_loop3A_698 = arith.addi %parallel_loop3A_697, %parallel_loop3A_666 : i32
        %parallel_loop3A_699 = arith.constant 4 : i32
        %parallel_loop3A_700 = arith.addi %parallel_loop3A_698, %parallel_loop3A_699 : i32
        %parallel_loop3A_701 = arith.index_cast %parallel_loop3A_700 : i32 to index
        %parallel_loop3A_702 = arith.constant 0 : index
        %parallel_loop3A_703 = tpu.vector_load %arg7[%parallel_loop3A_701, %parallel_loop3A_702] {strides = array<i32>} : memref<512x32xf32, #tpu.memory_space<vmem>>, vector<16xf32>,
        %parallel_loop3A_704 = arith.constant 0 : i32
        %parallel_loop3A_705 = arith.addi %parallel_loop3A_704, %parallel_loop3A_666 : i32
        %parallel_loop3A_706 = arith.constant 5 : i32
        %parallel_loop3A_707 = arith.addi %parallel_loop3A_705, %parallel_loop3A_706 : i32
        %parallel_loop3A_708 = arith.index_cast %parallel_loop3A_707 : i32 to index
        %parallel_loop3A_709 = arith.constant 0 : index
        %parallel_loop3A_710 = tpu.vector_load %arg7[%parallel_loop3A_708, %parallel_loop3A_709] {strides = array<i32>} : memref<512x32xf32, #tpu.memory_space<vmem>>, vector<16xf32>,
        %parallel_loop3A_711 = arith.constant 0 : i32
        %parallel_loop3A_712 = arith.addi %parallel_loop3A_711, %parallel_loop3A_666 : i32
        %parallel_loop3A_713 = arith.constant 6 : i32
        %parallel_loop3A_714 = arith.addi %parallel_loop3A_712, %parallel_loop3A_713 : i32
        %parallel_loop3A_715 = arith.index_cast %parallel_loop3A_714 : i32 to index
        %parallel_loop3A_716 = arith.constant 0 : index
        %parallel_loop3A_717 = tpu.vector_load %arg7[%parallel_loop3A_715, %parallel_loop3A_716] {strides = array<i32>} : memref<512x32xf32, #tpu.memory_space<vmem>>, vector<16xf32>,
        %parallel_loop3A_718 = arith.constant 0 : i32
        %parallel_loop3A_719 = arith.addi %parallel_loop3A_718, %parallel_loop3A_666 : i32
        %parallel_loop3A_720 = arith.constant 7 : i32
        %parallel_loop3A_721 = arith.addi %parallel_loop3A_719, %parallel_loop3A_720 : i32
        %parallel_loop3A_722 = arith.index_cast %parallel_loop3A_721 : i32 to index
        %parallel_loop3A_723 = arith.constant 0 : index
        %parallel_loop3A_724 = tpu.vector_load %arg7[%parallel_loop3A_722, %parallel_loop3A_723] {strides = array<i32>} : memref<512x32xf32, #tpu.memory_space<vmem>>, vector<16xf32>,
        %parallel_loop3A_725 = tpu.memref_slice %arg9[%parallel_loop3A_668] : memref<16528xf32, #tpu.memory_space<vmem>> -> memref<13208xf32, #tpu.memory_space<vmem>>
        tpu.vector_store_idx %parallel_loop3A_725[%add3A_19], %parallel_loop3A_675 : memref<13208xf32, #tpu.memory_space<vmem>>[vector<16xi32>], vector<16xf32>,
        %parallel_loop3A_726 = tpu.memref_slice %arg9[%parallel_loop3A_668] : memref<16528xf32, #tpu.memory_space<vmem>> -> memref<13208xf32, #tpu.memory_space<vmem>>
        tpu.vector_store_idx %parallel_loop3A_726[%add3A_38], %parallel_loop3A_682 : memref<13208xf32, #tpu.memory_space<vmem>>[vector<16xi32>], vector<16xf32>,
        %parallel_loop3A_727 = tpu.memref_slice %arg9[%parallel_loop3A_668] : memref<16528xf32, #tpu.memory_space<vmem>> -> memref<13208xf32, #tpu.memory_space<vmem>>
        tpu.vector_store_idx %parallel_loop3A_727[%add3A_57], %parallel_loop3A_689 : memref<13208xf32, #tpu.memory_space<vmem>>[vector<16xi32>], vector<16xf32>,
        %parallel_loop3A_728 = tpu.memref_slice %arg9[%parallel_loop3A_668] : memref<16528xf32, #tpu.memory_space<vmem>> -> memref<13208xf32, #tpu.memory_space<vmem>>
        tpu.vector_store_idx %parallel_loop3A_728[%add3A_76], %parallel_loop3A_696 : memref<13208xf32, #tpu.memory_space<vmem>>[vector<16xi32>], vector<16xf32>,
        %parallel_loop3A_729 = tpu.memref_slice %arg9[%parallel_loop3A_668] : memref<16528xf32, #tpu.memory_space<vmem>> -> memref<13208xf32, #tpu.memory_space<vmem>>
        tpu.vector_store_idx %parallel_loop3A_729[%add3A_95], %parallel_loop3A_703 : memref<13208xf32, #tpu.memory_space<vmem>>[vector<16xi32>], vector<16xf32>,
        %parallel_loop3A_730 = tpu.memref_slice %arg9[%parallel_loop3A_668] : memref<16528xf32, #tpu.memory_space<vmem>> -> memref<13208xf32, #tpu.memory_space<vmem>>
        tpu.vector_store_idx %parallel_loop3A_730[%add3A_114], %parallel_loop3A_710 : memref<13208xf32, #tpu.memory_space<vmem>>[vector<16xi32>], vector<16xf32>,
        %parallel_loop3A_731 = tpu.memref_slice %arg9[%parallel_loop3A_668] : memref<16528xf32, #tpu.memory_space<vmem>> -> memref<13208xf32, #tpu.memory_space<vmem>>
        tpu.vector_store_idx %parallel_loop3A_731[%add3A_133], %parallel_loop3A_717 : memref<13208xf32, #tpu.memory_space<vmem>>[vector<16xi32>], vector<16xf32>,
        %parallel_loop3A_732 = tpu.memref_slice %arg9[%parallel_loop3A_668] : memref<16528xf32, #tpu.memory_space<vmem>> -> memref<13208xf32, #tpu.memory_space<vmem>>
        tpu.vector_store_idx %parallel_loop3A_732[%add3A_152], %parallel_loop3A_724 : memref<13208xf32, #tpu.memory_space<vmem>>[vector<16xi32>], vector<16xf32>,
        %parallel_loop3A_733 = arith.constant 0 : i32
        %parallel_loop3A_734 = arith.addi %parallel_loop3A_733, %parallel_loop3A_666 : i32
        %parallel_loop3A_735 = arith.constant 0 : i32
        %parallel_loop3A_736 = arith.addi %parallel_loop3A_734, %parallel_loop3A_735 : i32
        %parallel_loop3A_737 = arith.index_cast %parallel_loop3A_736 : i32 to index
        %parallel_loop3A_738 = arith.constant 16 : index
        %parallel_loop3A_739 = tpu.vector_load %arg7[%parallel_loop3A_737, %parallel_loop3A_738] {strides = array<i32>} : memref<512x32xf32, #tpu.memory_space<vmem>>, vector<16xf32>,
        %parallel_loop3A_740 = arith.constant 0 : i32
        %parallel_loop3A_741 = arith.addi %parallel_loop3A_740, %parallel_loop3A_666 : i32
        %parallel_loop3A_742 = arith.constant 1 : i32
        %parallel_loop3A_743 = arith.addi %parallel_loop3A_741, %parallel_loop3A_742 : i32
        %parallel_loop3A_744 = arith.index_cast %parallel_loop3A_743 : i32 to index
        %parallel_loop3A_745 = arith.constant 16 : index
        %parallel_loop3A_746 = tpu.vector_load %arg7[%parallel_loop3A_744, %parallel_loop3A_745] {strides = array<i32>} : memref<512x32xf32, #tpu.memory_space<vmem>>, vector<16xf32>,
        %parallel_loop3A_747 = arith.constant 0 : i32
        %parallel_loop3A_748 = arith.addi %parallel_loop3A_747, %parallel_loop3A_666 : i32
        %parallel_loop3A_749 = arith.constant 2 : i32
        %parallel_loop3A_750 = arith.addi %parallel_loop3A_748, %parallel_loop3A_749 : i32
        %parallel_loop3A_751 = arith.index_cast %parallel_loop3A_750 : i32 to index
        %parallel_loop3A_752 = arith.constant 16 : index
        %parallel_loop3A_753 = tpu.vector_load %arg7[%parallel_loop3A_751, %parallel_loop3A_752] {strides = array<i32>} : memref<512x32xf32, #tpu.memory_space<vmem>>, vector<16xf32>,
        %parallel_loop3A_754 = arith.constant 0 : i32
        %parallel_loop3A_755 = arith.addi %parallel_loop3A_754, %parallel_loop3A_666 : i32
        %parallel_loop3A_756 = arith.constant 3 : i32
        %parallel_loop3A_757 = arith.addi %parallel_loop3A_755, %parallel_loop3A_756 : i32
        %parallel_loop3A_758 = arith.index_cast %parallel_loop3A_757 : i32 to index
        %parallel_loop3A_759 = arith.constant 16 : index
        %parallel_loop3A_760 = tpu.vector_load %arg7[%parallel_loop3A_758, %parallel_loop3A_759] {strides = array<i32>} : memref<512x32xf32, #tpu.memory_space<vmem>>, vector<16xf32>,
        %parallel_loop3A_761 = arith.constant 0 : i32
        %parallel_loop3A_762 = arith.addi %parallel_loop3A_761, %parallel_loop3A_666 : i32
        %parallel_loop3A_763 = arith.constant 4 : i32
        %parallel_loop3A_764 = arith.addi %parallel_loop3A_762, %parallel_loop3A_763 : i32
        %parallel_loop3A_765 = arith.index_cast %parallel_loop3A_764 : i32 to index
        %parallel_loop3A_766 = arith.constant 16 : index
        %parallel_loop3A_767 = tpu.vector_load %arg7[%parallel_loop3A_765, %parallel_loop3A_766] {strides = array<i32>} : memref<512x32xf32, #tpu.memory_space<vmem>>, vector<16xf32>,
        %parallel_loop3A_768 = arith.constant 0 : i32
        %parallel_loop3A_769 = arith.addi %parallel_loop3A_768, %parallel_loop3A_666 : i32
        %parallel_loop3A_770 = arith.constant 5 : i32
        %parallel_loop3A_771 = arith.addi %parallel_loop3A_769, %parallel_loop3A_770 : i32
        %parallel_loop3A_772 = arith.index_cast %parallel_loop3A_771 : i32 to index
        %parallel_loop3A_773 = arith.constant 16 : index
        %parallel_loop3A_774 = tpu.vector_load %arg7[%parallel_loop3A_772, %parallel_loop3A_773] {strides = array<i32>} : memref<512x32xf32, #tpu.memory_space<vmem>>, vector<16xf32>,
        %parallel_loop3A_775 = arith.constant 0 : i32
        %parallel_loop3A_776 = arith.addi %parallel_loop3A_775, %parallel_loop3A_666 : i32
        %parallel_loop3A_777 = arith.constant 6 : i32
        %parallel_loop3A_778 = arith.addi %parallel_loop3A_776, %parallel_loop3A_777 : i32
        %parallel_loop3A_779 = arith.index_cast %parallel_loop3A_778 : i32 to index
        %parallel_loop3A_780 = arith.constant 16 : index
        %parallel_loop3A_781 = tpu.vector_load %arg7[%parallel_loop3A_779, %parallel_loop3A_780] {strides = array<i32>} : memref<512x32xf32, #tpu.memory_space<vmem>>, vector<16xf32>,
        %parallel_loop3A_782 = arith.constant 0 : i32
        %parallel_loop3A_783 = arith.addi %parallel_loop3A_782, %parallel_loop3A_666 : i32
        %parallel_loop3A_784 = arith.constant 7 : i32
        %parallel_loop3A_785 = arith.addi %parallel_loop3A_783, %parallel_loop3A_784 : i32
        %parallel_loop3A_786 = arith.index_cast %parallel_loop3A_785 : i32 to index
        %parallel_loop3A_787 = arith.constant 16 : index
        %parallel_loop3A_788 = tpu.vector_load %arg7[%parallel_loop3A_786, %parallel_loop3A_787] {strides = array<i32>} : memref<512x32xf32, #tpu.memory_space<vmem>>, vector<16xf32>,
        %parallel_loop3A_789 = tpu.memref_slice %arg9[%parallel_loop3A_668] : memref<16528xf32, #tpu.memory_space<vmem>> -> memref<13208xf32, #tpu.memory_space<vmem>>
        tpu.vector_store_idx %parallel_loop3A_789[%add3A_171], %parallel_loop3A_739 : memref<13208xf32, #tpu.memory_space<vmem>>[vector<16xi32>], vector<16xf32>,
        %parallel_loop3A_790 = tpu.memref_slice %arg9[%parallel_loop3A_668] : memref<16528xf32, #tpu.memory_space<vmem>> -> memref<13208xf32, #tpu.memory_space<vmem>>
        tpu.vector_store_idx %parallel_loop3A_790[%add3A_190], %parallel_loop3A_746 : memref<13208xf32, #tpu.memory_space<vmem>>[vector<16xi32>], vector<16xf32>,
        %parallel_loop3A_791 = tpu.memref_slice %arg9[%parallel_loop3A_668] : memref<16528xf32, #tpu.memory_space<vmem>> -> memref<13208xf32, #tpu.memory_space<vmem>>
        tpu.vector_store_idx %parallel_loop3A_791[%add3A_209], %parallel_loop3A_753 : memref<13208xf32, #tpu.memory_space<vmem>>[vector<16xi32>], vector<16xf32>,
        %parallel_loop3A_792 = tpu.memref_slice %arg9[%parallel_loop3A_668] : memref<16528xf32, #tpu.memory_space<vmem>> -> memref<13208xf32, #tpu.memory_space<vmem>>
        tpu.vector_store_idx %parallel_loop3A_792[%add3A_228], %parallel_loop3A_760 : memref<13208xf32, #tpu.memory_space<vmem>>[vector<16xi32>], vector<16xf32>,
        %parallel_loop3A_793 = tpu.memref_slice %arg9[%parallel_loop3A_668] : memref<16528xf32, #tpu.memory_space<vmem>> -> memref<13208xf32, #tpu.memory_space<vmem>>
        tpu.vector_store_idx %parallel_loop3A_793[%add3A_247], %parallel_loop3A_767 : memref<13208xf32, #tpu.memory_space<vmem>>[vector<16xi32>], vector<16xf32>,
        %parallel_loop3A_794 = tpu.memref_slice %arg9[%parallel_loop3A_668] : memref<16528xf32, #tpu.memory_space<vmem>> -> memref<13208xf32, #tpu.memory_space<vmem>>
        tpu.vector_store_idx %parallel_loop3A_794[%add3A_266], %parallel_loop3A_774 : memref<13208xf32, #tpu.memory_space<vmem>>[vector<16xi32>], vector<16xf32>,
        %parallel_loop3A_795 = tpu.memref_slice %arg9[%parallel_loop3A_668] : memref<16528xf32, #tpu.memory_space<vmem>> -> memref<13208xf32, #tpu.memory_space<vmem>>
        tpu.vector_store_idx %parallel_loop3A_795[%add3A_285], %parallel_loop3A_781 : memref<13208xf32, #tpu.memory_space<vmem>>[vector<16xi32>], vector<16xf32>,
        %parallel_loop3A_796 = tpu.memref_slice %arg9[%parallel_loop3A_668] : memref<16528xf32, #tpu.memory_space<vmem>> -> memref<13208xf32, #tpu.memory_space<vmem>>
        tpu.vector_store_idx %parallel_loop3A_796[%add3A_304], %parallel_loop3A_788 : memref<13208xf32, #tpu.memory_space<vmem>>[vector<16xi32>], vector<16xf32>,
        %parallel_loop3A_797 = arith.constant 1024 : i32
        %parallel_loop3A_798 = arith.addi %parallel_loop3A_797, %parallel_loop3A_666 : i32
        %parallel_loop3A_799 = arith.constant 128 : i32
        %parallel_loop3A_800 = arith.addi %parallel_loop3A_799, %parallel_loop3A_666 : i32
        %parallel_loop3A_801 = arith.constant 0 : i32
        %parallel_loop3A_802 = arith.addi %parallel_loop3A_800, %parallel_loop3A_801 : i32
        %parallel_loop3A_803 = arith.index_cast %parallel_loop3A_802 : i32 to index
        %parallel_loop3A_804 = arith.constant 0 : index
        %parallel_loop3A_805 = tpu.vector_load %arg7[%parallel_loop3A_803, %parallel_loop3A_804] {strides = array<i32>} : memref<512x32xf32, #tpu.memory_space<vmem>>, vector<16xf32>,
        %parallel_loop3A_806 = arith.constant 128 : i32
        %parallel_loop3A_807 = arith.addi %parallel_loop3A_806, %parallel_loop3A_666 : i32
        %parallel_loop3A_808 = arith.constant 1 : i32
        %parallel_loop3A_809 = arith.addi %parallel_loop3A_807, %parallel_loop3A_808 : i32
        %parallel_loop3A_810 = arith.index_cast %parallel_loop3A_809 : i32 to index
        %parallel_loop3A_811 = arith.constant 0 : index
        %parallel_loop3A_812 = tpu.vector_load %arg7[%parallel_loop3A_810, %parallel_loop3A_811] {strides = array<i32>} : memref<512x32xf32, #tpu.memory_space<vmem>>, vector<16xf32>,
        %parallel_loop3A_813 = arith.constant 128 : i32
        %parallel_loop3A_814 = arith.addi %parallel_loop3A_813, %parallel_loop3A_666 : i32
        %parallel_loop3A_815 = arith.constant 2 : i32
        %parallel_loop3A_816 = arith.addi %parallel_loop3A_814, %parallel_loop3A_815 : i32
        %parallel_loop3A_817 = arith.index_cast %parallel_loop3A_816 : i32 to index
        %parallel_loop3A_818 = arith.constant 0 : index
        %parallel_loop3A_819 = tpu.vector_load %arg7[%parallel_loop3A_817, %parallel_loop3A_818] {strides = array<i32>} : memref<512x32xf32, #tpu.memory_space<vmem>>, vector<16xf32>,
        %parallel_loop3A_820 = arith.constant 128 : i32
        %parallel_loop3A_821 = arith.addi %parallel_loop3A_820, %parallel_loop3A_666 : i32
        %parallel_loop3A_822 = arith.constant 3 : i32
        %parallel_loop3A_823 = arith.addi %parallel_loop3A_821, %parallel_loop3A_822 : i32
        %parallel_loop3A_824 = arith.index_cast %parallel_loop3A_823 : i32 to index
        %parallel_loop3A_825 = arith.constant 0 : index
        %parallel_loop3A_826 = tpu.vector_load %arg7[%parallel_loop3A_824, %parallel_loop3A_825] {strides = array<i32>} : memref<512x32xf32, #tpu.memory_space<vmem>>, vector<16xf32>,
        %parallel_loop3A_827 = arith.constant 128 : i32
        %parallel_loop3A_828 = arith.addi %parallel_loop3A_827, %parallel_loop3A_666 : i32
        %parallel_loop3A_829 = arith.constant 4 : i32
        %parallel_loop3A_830 = arith.addi %parallel_loop3A_828, %parallel_loop3A_829 : i32
        %parallel_loop3A_831 = arith.index_cast %parallel_loop3A_830 : i32 to index
        %parallel_loop3A_832 = arith.constant 0 : index
        %parallel_loop3A_833 = tpu.vector_load %arg7[%parallel_loop3A_831, %parallel_loop3A_832] {strides = array<i32>} : memref<512x32xf32, #tpu.memory_space<vmem>>, vector<16xf32>,
        %parallel_loop3A_834 = arith.constant 128 : i32
        %parallel_loop3A_835 = arith.addi %parallel_loop3A_834, %parallel_loop3A_666 : i32
        %parallel_loop3A_836 = arith.constant 5 : i32
        %parallel_loop3A_837 = arith.addi %parallel_loop3A_835, %parallel_loop3A_836 : i32
        %parallel_loop3A_838 = arith.index_cast %parallel_loop3A_837 : i32 to index
        %parallel_loop3A_839 = arith.constant 0 : index
        %parallel_loop3A_840 = tpu.vector_load %arg7[%parallel_loop3A_838, %parallel_loop3A_839] {strides = array<i32>} : memref<512x32xf32, #tpu.memory_space<vmem>>, vector<16xf32>,
        %parallel_loop3A_841 = arith.constant 128 : i32
        %parallel_loop3A_842 = arith.addi %parallel_loop3A_841, %parallel_loop3A_666 : i32
        %parallel_loop3A_843 = arith.constant 6 : i32
        %parallel_loop3A_844 = arith.addi %parallel_loop3A_842, %parallel_loop3A_843 : i32
        %parallel_loop3A_845 = arith.index_cast %parallel_loop3A_844 : i32 to index
        %parallel_loop3A_846 = arith.constant 0 : index
        %parallel_loop3A_847 = tpu.vector_load %arg7[%parallel_loop3A_845, %parallel_loop3A_846] {strides = array<i32>} : memref<512x32xf32, #tpu.memory_space<vmem>>, vector<16xf32>,
        %parallel_loop3A_848 = arith.constant 128 : i32
        %parallel_loop3A_849 = arith.addi %parallel_loop3A_848, %parallel_loop3A_666 : i32
        %parallel_loop3A_850 = arith.constant 7 : i32
        %parallel_loop3A_851 = arith.addi %parallel_loop3A_849, %parallel_loop3A_850 : i32
        %parallel_loop3A_852 = arith.index_cast %parallel_loop3A_851 : i32 to index
        %parallel_loop3A_853 = arith.constant 0 : index
        %parallel_loop3A_854 = tpu.vector_load %arg7[%parallel_loop3A_852, %parallel_loop3A_853] {strides = array<i32>} : memref<512x32xf32, #tpu.memory_space<vmem>>, vector<16xf32>,
        %parallel_loop3A_855 = tpu.memref_slice %arg9[%parallel_loop3A_798] : memref<16528xf32, #tpu.memory_space<vmem>> -> memref<13208xf32, #tpu.memory_space<vmem>>
        tpu.vector_store_idx %parallel_loop3A_855[%add3A_19], %parallel_loop3A_805 : memref<13208xf32, #tpu.memory_space<vmem>>[vector<16xi32>], vector<16xf32>,
        %parallel_loop3A_856 = tpu.memref_slice %arg9[%parallel_loop3A_798] : memref<16528xf32, #tpu.memory_space<vmem>> -> memref<13208xf32, #tpu.memory_space<vmem>>
        tpu.vector_store_idx %parallel_loop3A_856[%add3A_38], %parallel_loop3A_812 : memref<13208xf32, #tpu.memory_space<vmem>>[vector<16xi32>], vector<16xf32>,
        %parallel_loop3A_857 = tpu.memref_slice %arg9[%parallel_loop3A_798] : memref<16528xf32, #tpu.memory_space<vmem>> -> memref<13208xf32, #tpu.memory_space<vmem>>
        tpu.vector_store_idx %parallel_loop3A_857[%add3A_57], %parallel_loop3A_819 : memref<13208xf32, #tpu.memory_space<vmem>>[vector<16xi32>], vector<16xf32>,
        %parallel_loop3A_858 = tpu.memref_slice %arg9[%parallel_loop3A_798] : memref<16528xf32, #tpu.memory_space<vmem>> -> memref<13208xf32, #tpu.memory_space<vmem>>
        tpu.vector_store_idx %parallel_loop3A_858[%add3A_76], %parallel_loop3A_826 : memref<13208xf32, #tpu.memory_space<vmem>>[vector<16xi32>], vector<16xf32>,
        %parallel_loop3A_859 = tpu.memref_slice %arg9[%parallel_loop3A_798] : memref<16528xf32, #tpu.memory_space<vmem>> -> memref<13208xf32, #tpu.memory_space<vmem>>
        tpu.vector_store_idx %parallel_loop3A_859[%add3A_95], %parallel_loop3A_833 : memref<13208xf32, #tpu.memory_space<vmem>>[vector<16xi32>], vector<16xf32>,
        %parallel_loop3A_860 = tpu.memref_slice %arg9[%parallel_loop3A_798] : memref<16528xf32, #tpu.memory_space<vmem>> -> memref<13208xf32, #tpu.memory_space<vmem>>
        tpu.vector_store_idx %parallel_loop3A_860[%add3A_114], %parallel_loop3A_840 : memref<13208xf32, #tpu.memory_space<vmem>>[vector<16xi32>], vector<16xf32>,
        %parallel_loop3A_861 = tpu.memref_slice %arg9[%parallel_loop3A_798] : memref<16528xf32, #tpu.memory_space<vmem>> -> memref<13208xf32, #tpu.memory_space<vmem>>
        tpu.vector_store_idx %parallel_loop3A_861[%add3A_133], %parallel_loop3A_847 : memref<13208xf32, #tpu.memory_space<vmem>>[vector<16xi32>], vector<16xf32>,
        %parallel_loop3A_862 = tpu.memref_slice %arg9[%parallel_loop3A_798] : memref<16528xf32, #tpu.memory_space<vmem>> -> memref<13208xf32, #tpu.memory_space<vmem>>
        tpu.vector_store_idx %parallel_loop3A_862[%add3A_152], %parallel_loop3A_854 : memref<13208xf32, #tpu.memory_space<vmem>>[vector<16xi32>], vector<16xf32>,
        %parallel_loop3A_863 = arith.constant 128 : i32
        %parallel_loop3A_864 = arith.addi %parallel_loop3A_863, %parallel_loop3A_666 : i32
        %parallel_loop3A_865 = arith.constant 0 : i32
        %parallel_loop3A_866 = arith.addi %parallel_loop3A_864, %parallel_loop3A_865 : i32
        %parallel_loop3A_867 = arith.index_cast %parallel_loop3A_866 : i32 to index
        %parallel_loop3A_868 = arith.constant 16 : index
        %parallel_loop3A_869 = tpu.vector_load %arg7[%parallel_loop3A_867, %parallel_loop3A_868] {strides = array<i32>} : memref<512x32xf32, #tpu.memory_space<vmem>>, vector<16xf32>,
        %parallel_loop3A_870 = arith.constant 128 : i32
        %parallel_loop3A_871 = arith.addi %parallel_loop3A_870, %parallel_loop3A_666 : i32
        %parallel_loop3A_872 = arith.constant 1 : i32
        %parallel_loop3A_873 = arith.addi %parallel_loop3A_871, %parallel_loop3A_872 : i32
        %parallel_loop3A_874 = arith.index_cast %parallel_loop3A_873 : i32 to index
        %parallel_loop3A_875 = arith.constant 16 : index
        %parallel_loop3A_876 = tpu.vector_load %arg7[%parallel_loop3A_874, %parallel_loop3A_875] {strides = array<i32>} : memref<512x32xf32, #tpu.memory_space<vmem>>, vector<16xf32>,
        %parallel_loop3A_877 = arith.constant 128 : i32
        %parallel_loop3A_878 = arith.addi %parallel_loop3A_877, %parallel_loop3A_666 : i32
        %parallel_loop3A_879 = arith.constant 2 : i32
        %parallel_loop3A_880 = arith.addi %parallel_loop3A_878, %parallel_loop3A_879 : i32
        %parallel_loop3A_881 = arith.index_cast %parallel_loop3A_880 : i32 to index
        %parallel_loop3A_882 = arith.constant 16 : index
        %parallel_loop3A_883 = tpu.vector_load %arg7[%parallel_loop3A_881, %parallel_loop3A_882] {strides = array<i32>} : memref<512x32xf32, #tpu.memory_space<vmem>>, vector<16xf32>,
        %parallel_loop3A_884 = arith.constant 128 : i32
        %parallel_loop3A_885 = arith.addi %parallel_loop3A_884, %parallel_loop3A_666 : i32
        %parallel_loop3A_886 = arith.constant 3 : i32
        %parallel_loop3A_887 = arith.addi %parallel_loop3A_885, %parallel_loop3A_886 : i32
        %parallel_loop3A_888 = arith.index_cast %parallel_loop3A_887 : i32 to index
        %parallel_loop3A_889 = arith.constant 16 : index
        %parallel_loop3A_890 = tpu.vector_load %arg7[%parallel_loop3A_888, %parallel_loop3A_889] {strides = array<i32>} : memref<512x32xf32, #tpu.memory_space<vmem>>, vector<16xf32>,
        %parallel_loop3A_891 = arith.constant 128 : i32
        %parallel_loop3A_892 = arith.addi %parallel_loop3A_891, %parallel_loop3A_666 : i32
        %parallel_loop3A_893 = arith.constant 4 : i32
        %parallel_loop3A_894 = arith.addi %parallel_loop3A_892, %parallel_loop3A_893 : i32
        %parallel_loop3A_895 = arith.index_cast %parallel_loop3A_894 : i32 to index
        %parallel_loop3A_896 = arith.constant 16 : index
        %parallel_loop3A_897 = tpu.vector_load %arg7[%parallel_loop3A_895, %parallel_loop3A_896] {strides = array<i32>} : memref<512x32xf32, #tpu.memory_space<vmem>>, vector<16xf32>,
        %parallel_loop3A_898 = arith.constant 128 : i32
        %parallel_loop3A_899 = arith.addi %parallel_loop3A_898, %parallel_loop3A_666 : i32
        %parallel_loop3A_900 = arith.constant 5 : i32
        %parallel_loop3A_901 = arith.addi %parallel_loop3A_899, %parallel_loop3A_900 : i32
        %parallel_loop3A_902 = arith.index_cast %parallel_loop3A_901 : i32 to index
        %parallel_loop3A_903 = arith.constant 16 : index
        %parallel_loop3A_904 = tpu.vector_load %arg7[%parallel_loop3A_902, %parallel_loop3A_903] {strides = array<i32>} : memref<512x32xf32, #tpu.memory_space<vmem>>, vector<16xf32>,
        %parallel_loop3A_905 = arith.constant 128 : i32
        %parallel_loop3A_906 = arith.addi %parallel_loop3A_905, %parallel_loop3A_666 : i32
        %parallel_loop3A_907 = arith.constant 6 : i32
        %parallel_loop3A_908 = arith.addi %parallel_loop3A_906, %parallel_loop3A_907 : i32
        %parallel_loop3A_909 = arith.index_cast %parallel_loop3A_908 : i32 to index
        %parallel_loop3A_910 = arith.constant 16 : index
        %parallel_loop3A_911 = tpu.vector_load %arg7[%parallel_loop3A_909, %parallel_loop3A_910] {strides = array<i32>} : memref<512x32xf32, #tpu.memory_space<vmem>>, vector<16xf32>,
        %parallel_loop3A_912 = arith.constant 128 : i32
        %parallel_loop3A_913 = arith.addi %parallel_loop3A_912, %parallel_loop3A_666 : i32
        %parallel_loop3A_914 = arith.constant 7 : i32
        %parallel_loop3A_915 = arith.addi %parallel_loop3A_913, %parallel_loop3A_914 : i32
        %parallel_loop3A_916 = arith.index_cast %parallel_loop3A_915 : i32 to index
        %parallel_loop3A_917 = arith.constant 16 : index
        %parallel_loop3A_918 = tpu.vector_load %arg7[%parallel_loop3A_916, %parallel_loop3A_917] {strides = array<i32>} : memref<512x32xf32, #tpu.memory_space<vmem>>, vector<16xf32>,
        %parallel_loop3A_919 = tpu.memref_slice %arg9[%parallel_loop3A_798] : memref<16528xf32, #tpu.memory_space<vmem>> -> memref<13208xf32, #tpu.memory_space<vmem>>
        tpu.vector_store_idx %parallel_loop3A_919[%add3A_171], %parallel_loop3A_869 : memref<13208xf32, #tpu.memory_space<vmem>>[vector<16xi32>], vector<16xf32>,
        %parallel_loop3A_920 = tpu.memref_slice %arg9[%parallel_loop3A_798] : memref<16528xf32, #tpu.memory_space<vmem>> -> memref<13208xf32, #tpu.memory_space<vmem>>
        tpu.vector_store_idx %parallel_loop3A_920[%add3A_190], %parallel_loop3A_876 : memref<13208xf32, #tpu.memory_space<vmem>>[vector<16xi32>], vector<16xf32>,
        %parallel_loop3A_921 = tpu.memref_slice %arg9[%parallel_loop3A_798] : memref<16528xf32, #tpu.memory_space<vmem>> -> memref<13208xf32, #tpu.memory_space<vmem>>
        tpu.vector_store_idx %parallel_loop3A_921[%add3A_209], %parallel_loop3A_883 : memref<13208xf32, #tpu.memory_space<vmem>>[vector<16xi32>], vector<16xf32>,
        %parallel_loop3A_922 = tpu.memref_slice %arg9[%parallel_loop3A_798] : memref<16528xf32, #tpu.memory_space<vmem>> -> memref<13208xf32, #tpu.memory_space<vmem>>
        tpu.vector_store_idx %parallel_loop3A_922[%add3A_228], %parallel_loop3A_890 : memref<13208xf32, #tpu.memory_space<vmem>>[vector<16xi32>], vector<16xf32>,
        %parallel_loop3A_923 = tpu.memref_slice %arg9[%parallel_loop3A_798] : memref<16528xf32, #tpu.memory_space<vmem>> -> memref<13208xf32, #tpu.memory_space<vmem>>
        tpu.vector_store_idx %parallel_loop3A_923[%add3A_247], %parallel_loop3A_897 : memref<13208xf32, #tpu.memory_space<vmem>>[vector<16xi32>], vector<16xf32>,
        %parallel_loop3A_924 = tpu.memref_slice %arg9[%parallel_loop3A_798] : memref<16528xf32, #tpu.memory_space<vmem>> -> memref<13208xf32, #tpu.memory_space<vmem>>
        tpu.vector_store_idx %parallel_loop3A_924[%add3A_266], %parallel_loop3A_904 : memref<13208xf32, #tpu.memory_space<vmem>>[vector<16xi32>], vector<16xf32>,
        %parallel_loop3A_925 = tpu.memref_slice %arg9[%parallel_loop3A_798] : memref<16528xf32, #tpu.memory_space<vmem>> -> memref<13208xf32, #tpu.memory_space<vmem>>
        tpu.vector_store_idx %parallel_loop3A_925[%add3A_285], %parallel_loop3A_911 : memref<13208xf32, #tpu.memory_space<vmem>>[vector<16xi32>], vector<16xf32>,
        %parallel_loop3A_926 = tpu.memref_slice %arg9[%parallel_loop3A_798] : memref<16528xf32, #tpu.memory_space<vmem>> -> memref<13208xf32, #tpu.memory_space<vmem>>
        tpu.vector_store_idx %parallel_loop3A_926[%add3A_304], %parallel_loop3A_918 : memref<13208xf32, #tpu.memory_space<vmem>>[vector<16xi32>], vector<16xf32>,
        %parallel_loop3A_927 = arith.constant 2048 : i32
        %parallel_loop3A_928 = arith.addi %parallel_loop3A_927, %parallel_loop3A_666 : i32
        %parallel_loop3A_929 = arith.constant 256 : i32
        %parallel_loop3A_930 = arith.addi %parallel_loop3A_929, %parallel_loop3A_666 : i32
        %parallel_loop3A_931 = arith.constant 0 : i32
        %parallel_loop3A_932 = arith.addi %parallel_loop3A_930, %parallel_loop3A_931 : i32
        %parallel_loop3A_933 = arith.index_cast %parallel_loop3A_932 : i32 to index
        %parallel_loop3A_934 = arith.constant 0 : index
        %parallel_loop3A_935 = tpu.vector_load %arg7[%parallel_loop3A_933, %parallel_loop3A_934] {strides = array<i32>} : memref<512x32xf32, #tpu.memory_space<vmem>>, vector<16xf32>,
        %parallel_loop3A_936 = arith.constant 256 : i32
        %parallel_loop3A_937 = arith.addi %parallel_loop3A_936, %parallel_loop3A_666 : i32
        %parallel_loop3A_938 = arith.constant 1 : i32
        %parallel_loop3A_939 = arith.addi %parallel_loop3A_937, %parallel_loop3A_938 : i32
        %parallel_loop3A_940 = arith.index_cast %parallel_loop3A_939 : i32 to index
        %parallel_loop3A_941 = arith.constant 0 : index
        %parallel_loop3A_942 = tpu.vector_load %arg7[%parallel_loop3A_940, %parallel_loop3A_941] {strides = array<i32>} : memref<512x32xf32, #tpu.memory_space<vmem>>, vector<16xf32>,
        %parallel_loop3A_943 = arith.constant 256 : i32
        %parallel_loop3A_944 = arith.addi %parallel_loop3A_943, %parallel_loop3A_666 : i32
        %parallel_loop3A_945 = arith.constant 2 : i32
        %parallel_loop3A_946 = arith.addi %parallel_loop3A_944, %parallel_loop3A_945 : i32
        %parallel_loop3A_947 = arith.index_cast %parallel_loop3A_946 : i32 to index
        %parallel_loop3A_948 = arith.constant 0 : index
        %parallel_loop3A_949 = tpu.vector_load %arg7[%parallel_loop3A_947, %parallel_loop3A_948] {strides = array<i32>} : memref<512x32xf32, #tpu.memory_space<vmem>>, vector<16xf32>,
        %parallel_loop3A_950 = arith.constant 256 : i32
        %parallel_loop3A_951 = arith.addi %parallel_loop3A_950, %parallel_loop3A_666 : i32
        %parallel_loop3A_952 = arith.constant 3 : i32
        %parallel_loop3A_953 = arith.addi %parallel_loop3A_951, %parallel_loop3A_952 : i32
        %parallel_loop3A_954 = arith.index_cast %parallel_loop3A_953 : i32 to index
        %parallel_loop3A_955 = arith.constant 0 : index
        %parallel_loop3A_956 = tpu.vector_load %arg7[%parallel_loop3A_954, %parallel_loop3A_955] {strides = array<i32>} : memref<512x32xf32, #tpu.memory_space<vmem>>, vector<16xf32>,
        %parallel_loop3A_957 = arith.constant 256 : i32
        %parallel_loop3A_958 = arith.addi %parallel_loop3A_957, %parallel_loop3A_666 : i32
        %parallel_loop3A_959 = arith.constant 4 : i32
        %parallel_loop3A_960 = arith.addi %parallel_loop3A_958, %parallel_loop3A_959 : i32
        %parallel_loop3A_961 = arith.index_cast %parallel_loop3A_960 : i32 to index
        %parallel_loop3A_962 = arith.constant 0 : index
        %parallel_loop3A_963 = tpu.vector_load %arg7[%parallel_loop3A_961, %parallel_loop3A_962] {strides = array<i32>} : memref<512x32xf32, #tpu.memory_space<vmem>>, vector<16xf32>,
        %parallel_loop3A_964 = arith.constant 256 : i32
        %parallel_loop3A_965 = arith.addi %parallel_loop3A_964, %parallel_loop3A_666 : i32
        %parallel_loop3A_966 = arith.constant 5 : i32
        %parallel_loop3A_967 = arith.addi %parallel_loop3A_965, %parallel_loop3A_966 : i32
        %parallel_loop3A_968 = arith.index_cast %parallel_loop3A_967 : i32 to index
        %parallel_loop3A_969 = arith.constant 0 : index
        %parallel_loop3A_970 = tpu.vector_load %arg7[%parallel_loop3A_968, %parallel_loop3A_969] {strides = array<i32>} : memref<512x32xf32, #tpu.memory_space<vmem>>, vector<16xf32>,
        %parallel_loop3A_971 = arith.constant 256 : i32
        %parallel_loop3A_972 = arith.addi %parallel_loop3A_971, %parallel_loop3A_666 : i32
        %parallel_loop3A_973 = arith.constant 6 : i32
        %parallel_loop3A_974 = arith.addi %parallel_loop3A_972, %parallel_loop3A_973 : i32
        %parallel_loop3A_975 = arith.index_cast %parallel_loop3A_974 : i32 to index
        %parallel_loop3A_976 = arith.constant 0 : index
        %parallel_loop3A_977 = tpu.vector_load %arg7[%parallel_loop3A_975, %parallel_loop3A_976] {strides = array<i32>} : memref<512x32xf32, #tpu.memory_space<vmem>>, vector<16xf32>,
        %parallel_loop3A_978 = arith.constant 256 : i32
        %parallel_loop3A_979 = arith.addi %parallel_loop3A_978, %parallel_loop3A_666 : i32
        %parallel_loop3A_980 = arith.constant 7 : i32
        %parallel_loop3A_981 = arith.addi %parallel_loop3A_979, %parallel_loop3A_980 : i32
        %parallel_loop3A_982 = arith.index_cast %parallel_loop3A_981 : i32 to index
        %parallel_loop3A_983 = arith.constant 0 : index
        %parallel_loop3A_984 = tpu.vector_load %arg7[%parallel_loop3A_982, %parallel_loop3A_983] {strides = array<i32>} : memref<512x32xf32, #tpu.memory_space<vmem>>, vector<16xf32>,
        %parallel_loop3A_985 = tpu.memref_slice %arg9[%parallel_loop3A_928] : memref<16528xf32, #tpu.memory_space<vmem>> -> memref<13208xf32, #tpu.memory_space<vmem>>
        tpu.vector_store_idx %parallel_loop3A_985[%add3A_19], %parallel_loop3A_935 : memref<13208xf32, #tpu.memory_space<vmem>>[vector<16xi32>], vector<16xf32>,
        %parallel_loop3A_986 = tpu.memref_slice %arg9[%parallel_loop3A_928] : memref<16528xf32, #tpu.memory_space<vmem>> -> memref<13208xf32, #tpu.memory_space<vmem>>
        tpu.vector_store_idx %parallel_loop3A_986[%add3A_38], %parallel_loop3A_942 : memref<13208xf32, #tpu.memory_space<vmem>>[vector<16xi32>], vector<16xf32>,
        %parallel_loop3A_987 = tpu.memref_slice %arg9[%parallel_loop3A_928] : memref<16528xf32, #tpu.memory_space<vmem>> -> memref<13208xf32, #tpu.memory_space<vmem>>
        tpu.vector_store_idx %parallel_loop3A_987[%add3A_57], %parallel_loop3A_949 : memref<13208xf32, #tpu.memory_space<vmem>>[vector<16xi32>], vector<16xf32>,
        %parallel_loop3A_988 = tpu.memref_slice %arg9[%parallel_loop3A_928] : memref<16528xf32, #tpu.memory_space<vmem>> -> memref<13208xf32, #tpu.memory_space<vmem>>
        tpu.vector_store_idx %parallel_loop3A_988[%add3A_76], %parallel_loop3A_956 : memref<13208xf32, #tpu.memory_space<vmem>>[vector<16xi32>], vector<16xf32>,
        %parallel_loop3A_989 = tpu.memref_slice %arg9[%parallel_loop3A_928] : memref<16528xf32, #tpu.memory_space<vmem>> -> memref<13208xf32, #tpu.memory_space<vmem>>
        tpu.vector_store_idx %parallel_loop3A_989[%add3A_95], %parallel_loop3A_963 : memref<13208xf32, #tpu.memory_space<vmem>>[vector<16xi32>], vector<16xf32>,
        %parallel_loop3A_990 = tpu.memref_slice %arg9[%parallel_loop3A_928] : memref<16528xf32, #tpu.memory_space<vmem>> -> memref<13208xf32, #tpu.memory_space<vmem>>
        tpu.vector_store_idx %parallel_loop3A_990[%add3A_114], %parallel_loop3A_970 : memref<13208xf32, #tpu.memory_space<vmem>>[vector<16xi32>], vector<16xf32>,
        %parallel_loop3A_991 = tpu.memref_slice %arg9[%parallel_loop3A_928] : memref<16528xf32, #tpu.memory_space<vmem>> -> memref<13208xf32, #tpu.memory_space<vmem>>
        tpu.vector_store_idx %parallel_loop3A_991[%add3A_133], %parallel_loop3A_977 : memref<13208xf32, #tpu.memory_space<vmem>>[vector<16xi32>], vector<16xf32>,
        %parallel_loop3A_992 = tpu.memref_slice %arg9[%parallel_loop3A_928] : memref<16528xf32, #tpu.memory_space<vmem>> -> memref<13208xf32, #tpu.memory_space<vmem>>
        tpu.vector_store_idx %parallel_loop3A_992[%add3A_152], %parallel_loop3A_984 : memref<13208xf32, #tpu.memory_space<vmem>>[vector<16xi32>], vector<16xf32>,
        %parallel_loop3A_993 = arith.constant 256 : i32
        %parallel_loop3A_994 = arith.addi %parallel_loop3A_993, %parallel_loop3A_666 : i32
        %parallel_loop3A_995 = arith.constant 0 : i32
        %parallel_loop3A_996 = arith.addi %parallel_loop3A_994, %parallel_loop3A_995 : i32
        %parallel_loop3A_997 = arith.index_cast %parallel_loop3A_996 : i32 to index
        %parallel_loop3A_998 = arith.constant 16 : index
        %parallel_loop3A_999 = tpu.vector_load %arg7[%parallel_loop3A_997, %parallel_loop3A_998] {strides = array<i32>} : memref<512x32xf32, #tpu.memory_space<vmem>>, vector<16xf32>,
        %parallel_loop3A_1000 = arith.constant 256 : i32
        %parallel_loop3A_1001 = arith.addi %parallel_loop3A_1000, %parallel_loop3A_666 : i32
        %parallel_loop3A_1002 = arith.constant 1 : i32
        %parallel_loop3A_1003 = arith.addi %parallel_loop3A_1001, %parallel_loop3A_1002 : i32
        %parallel_loop3A_1004 = arith.index_cast %parallel_loop3A_1003 : i32 to index
        %parallel_loop3A_1005 = arith.constant 16 : index
        %parallel_loop3A_1006 = tpu.vector_load %arg7[%parallel_loop3A_1004, %parallel_loop3A_1005] {strides = array<i32>} : memref<512x32xf32, #tpu.memory_space<vmem>>, vector<16xf32>,
        %parallel_loop3A_1007 = arith.constant 256 : i32
        %parallel_loop3A_1008 = arith.addi %parallel_loop3A_1007, %parallel_loop3A_666 : i32
        %parallel_loop3A_1009 = arith.constant 2 : i32
        %parallel_loop3A_1010 = arith.addi %parallel_loop3A_1008, %parallel_loop3A_1009 : i32
        %parallel_loop3A_1011 = arith.index_cast %parallel_loop3A_1010 : i32 to index
        %parallel_loop3A_1012 = arith.constant 16 : index
        %parallel_loop3A_1013 = tpu.vector_load %arg7[%parallel_loop3A_1011, %parallel_loop3A_1012] {strides = array<i32>} : memref<512x32xf32, #tpu.memory_space<vmem>>, vector<16xf32>,
        %parallel_loop3A_1014 = arith.constant 256 : i32
        %parallel_loop3A_1015 = arith.addi %parallel_loop3A_1014, %parallel_loop3A_666 : i32
        %parallel_loop3A_1016 = arith.constant 3 : i32
        %parallel_loop3A_1017 = arith.addi %parallel_loop3A_1015, %parallel_loop3A_1016 : i32
        %parallel_loop3A_1018 = arith.index_cast %parallel_loop3A_1017 : i32 to index
        %parallel_loop3A_1019 = arith.constant 16 : index
        %parallel_loop3A_1020 = tpu.vector_load %arg7[%parallel_loop3A_1018, %parallel_loop3A_1019] {strides = array<i32>} : memref<512x32xf32, #tpu.memory_space<vmem>>, vector<16xf32>,
        %parallel_loop3A_1021 = arith.constant 256 : i32
        %parallel_loop3A_1022 = arith.addi %parallel_loop3A_1021, %parallel_loop3A_666 : i32
        %parallel_loop3A_1023 = arith.constant 4 : i32
        %parallel_loop3A_1024 = arith.addi %parallel_loop3A_1022, %parallel_loop3A_1023 : i32
        %parallel_loop3A_1025 = arith.index_cast %parallel_loop3A_1024 : i32 to index
        %parallel_loop3A_1026 = arith.constant 16 : index
        %parallel_loop3A_1027 = tpu.vector_load %arg7[%parallel_loop3A_1025, %parallel_loop3A_1026] {strides = array<i32>} : memref<512x32xf32, #tpu.memory_space<vmem>>, vector<16xf32>,
        %parallel_loop3A_1028 = arith.constant 256 : i32
        %parallel_loop3A_1029 = arith.addi %parallel_loop3A_1028, %parallel_loop3A_666 : i32
        %parallel_loop3A_1030 = arith.constant 5 : i32
        %parallel_loop3A_1031 = arith.addi %parallel_loop3A_1029, %parallel_loop3A_1030 : i32
        %parallel_loop3A_1032 = arith.index_cast %parallel_loop3A_1031 : i32 to index
        %parallel_loop3A_1033 = arith.constant 16 : index
        %parallel_loop3A_1034 = tpu.vector_load %arg7[%parallel_loop3A_1032, %parallel_loop3A_1033] {strides = array<i32>} : memref<512x32xf32, #tpu.memory_space<vmem>>, vector<16xf32>,
        %parallel_loop3A_1035 = arith.constant 256 : i32
        %parallel_loop3A_1036 = arith.addi %parallel_loop3A_1035, %parallel_loop3A_666 : i32
        %parallel_loop3A_1037 = arith.constant 6 : i32
        %parallel_loop3A_1038 = arith.addi %parallel_loop3A_1036, %parallel_loop3A_1037 : i32
        %parallel_loop3A_1039 = arith.index_cast %parallel_loop3A_1038 : i32 to index
        %parallel_loop3A_1040 = arith.constant 16 : index
        %parallel_loop3A_1041 = tpu.vector_load %arg7[%parallel_loop3A_1039, %parallel_loop3A_1040] {strides = array<i32>} : memref<512x32xf32, #tpu.memory_space<vmem>>, vector<16xf32>,
        %parallel_loop3A_1042 = arith.constant 256 : i32
        %parallel_loop3A_1043 = arith.addi %parallel_loop3A_1042, %parallel_loop3A_666 : i32
        %parallel_loop3A_1044 = arith.constant 7 : i32
        %parallel_loop3A_1045 = arith.addi %parallel_loop3A_1043, %parallel_loop3A_1044 : i32
        %parallel_loop3A_1046 = arith.index_cast %parallel_loop3A_1045 : i32 to index
        %parallel_loop3A_1047 = arith.constant 16 : index
        %parallel_loop3A_1048 = tpu.vector_load %arg7[%parallel_loop3A_1046, %parallel_loop3A_1047] {strides = array<i32>} : memref<512x32xf32, #tpu.memory_space<vmem>>, vector<16xf32>,
        %parallel_loop3A_1049 = tpu.memref_slice %arg9[%parallel_loop3A_928] : memref<16528xf32, #tpu.memory_space<vmem>> -> memref<13208xf32, #tpu.memory_space<vmem>>
        tpu.vector_store_idx %parallel_loop3A_1049[%add3A_171], %parallel_loop3A_999 : memref<13208xf32, #tpu.memory_space<vmem>>[vector<16xi32>], vector<16xf32>,
        %parallel_loop3A_1050 = tpu.memref_slice %arg9[%parallel_loop3A_928] : memref<16528xf32, #tpu.memory_space<vmem>> -> memref<13208xf32, #tpu.memory_space<vmem>>
        tpu.vector_store_idx %parallel_loop3A_1050[%add3A_190], %parallel_loop3A_1006 : memref<13208xf32, #tpu.memory_space<vmem>>[vector<16xi32>], vector<16xf32>,
        %parallel_loop3A_1051 = tpu.memref_slice %arg9[%parallel_loop3A_928] : memref<16528xf32, #tpu.memory_space<vmem>> -> memref<13208xf32, #tpu.memory_space<vmem>>
        tpu.vector_store_idx %parallel_loop3A_1051[%add3A_209], %parallel_loop3A_1013 : memref<13208xf32, #tpu.memory_space<vmem>>[vector<16xi32>], vector<16xf32>,
        %parallel_loop3A_1052 = tpu.memref_slice %arg9[%parallel_loop3A_928] : memref<16528xf32, #tpu.memory_space<vmem>> -> memref<13208xf32, #tpu.memory_space<vmem>>
        tpu.vector_store_idx %parallel_loop3A_1052[%add3A_228], %parallel_loop3A_1020 : memref<13208xf32, #tpu.memory_space<vmem>>[vector<16xi32>], vector<16xf32>,
        %parallel_loop3A_1053 = tpu.memref_slice %arg9[%parallel_loop3A_928] : memref<16528xf32, #tpu.memory_space<vmem>> -> memref<13208xf32, #tpu.memory_space<vmem>>
        tpu.vector_store_idx %parallel_loop3A_1053[%add3A_247], %parallel_loop3A_1027 : memref<13208xf32, #tpu.memory_space<vmem>>[vector<16xi32>], vector<16xf32>,
        %parallel_loop3A_1054 = tpu.memref_slice %arg9[%parallel_loop3A_928] : memref<16528xf32, #tpu.memory_space<vmem>> -> memref<13208xf32, #tpu.memory_space<vmem>>
        tpu.vector_store_idx %parallel_loop3A_1054[%add3A_266], %parallel_loop3A_1034 : memref<13208xf32, #tpu.memory_space<vmem>>[vector<16xi32>], vector<16xf32>,
        %parallel_loop3A_1055 = tpu.memref_slice %arg9[%parallel_loop3A_928] : memref<16528xf32, #tpu.memory_space<vmem>> -> memref<13208xf32, #tpu.memory_space<vmem>>
        tpu.vector_store_idx %parallel_loop3A_1055[%add3A_285], %parallel_loop3A_1041 : memref<13208xf32, #tpu.memory_space<vmem>>[vector<16xi32>], vector<16xf32>,
        %parallel_loop3A_1056 = tpu.memref_slice %arg9[%parallel_loop3A_928] : memref<16528xf32, #tpu.memory_space<vmem>> -> memref<13208xf32, #tpu.memory_space<vmem>>
        tpu.vector_store_idx %parallel_loop3A_1056[%add3A_304], %parallel_loop3A_1048 : memref<13208xf32, #tpu.memory_space<vmem>>[vector<16xi32>], vector<16xf32>,
        %parallel_loop3A_1057 = arith.constant 3072 : i32
        %parallel_loop3A_1058 = arith.addi %parallel_loop3A_1057, %parallel_loop3A_666 : i32
        %parallel_loop3A_1059 = arith.constant 384 : i32
        %parallel_loop3A_1060 = arith.addi %parallel_loop3A_1059, %parallel_loop3A_666 : i32
        %parallel_loop3A_1061 = arith.constant 0 : i32
        %parallel_loop3A_1062 = arith.addi %parallel_loop3A_1060, %parallel_loop3A_1061 : i32
        %parallel_loop3A_1063 = arith.index_cast %parallel_loop3A_1062 : i32 to index
        %parallel_loop3A_1064 = arith.constant 0 : index
        %parallel_loop3A_1065 = tpu.vector_load %arg7[%parallel_loop3A_1063, %parallel_loop3A_1064] {strides = array<i32>} : memref<512x32xf32, #tpu.memory_space<vmem>>, vector<16xf32>,
        %parallel_loop3A_1066 = arith.constant 384 : i32
        %parallel_loop3A_1067 = arith.addi %parallel_loop3A_1066, %parallel_loop3A_666 : i32
        %parallel_loop3A_1068 = arith.constant 1 : i32
        %parallel_loop3A_1069 = arith.addi %parallel_loop3A_1067, %parallel_loop3A_1068 : i32
        %parallel_loop3A_1070 = arith.index_cast %parallel_loop3A_1069 : i32 to index
        %parallel_loop3A_1071 = arith.constant 0 : index
        %parallel_loop3A_1072 = tpu.vector_load %arg7[%parallel_loop3A_1070, %parallel_loop3A_1071] {strides = array<i32>} : memref<512x32xf32, #tpu.memory_space<vmem>>, vector<16xf32>,
        %parallel_loop3A_1073 = arith.constant 384 : i32
        %parallel_loop3A_1074 = arith.addi %parallel_loop3A_1073, %parallel_loop3A_666 : i32
        %parallel_loop3A_1075 = arith.constant 2 : i32
        %parallel_loop3A_1076 = arith.addi %parallel_loop3A_1074, %parallel_loop3A_1075 : i32
        %parallel_loop3A_1077 = arith.index_cast %parallel_loop3A_1076 : i32 to index
        %parallel_loop3A_1078 = arith.constant 0 : index
        %parallel_loop3A_1079 = tpu.vector_load %arg7[%parallel_loop3A_1077, %parallel_loop3A_1078] {strides = array<i32>} : memref<512x32xf32, #tpu.memory_space<vmem>>, vector<16xf32>,
        %parallel_loop3A_1080 = arith.constant 384 : i32
        %parallel_loop3A_1081 = arith.addi %parallel_loop3A_1080, %parallel_loop3A_666 : i32
        %parallel_loop3A_1082 = arith.constant 3 : i32
        %parallel_loop3A_1083 = arith.addi %parallel_loop3A_1081, %parallel_loop3A_1082 : i32
        %parallel_loop3A_1084 = arith.index_cast %parallel_loop3A_1083 : i32 to index
        %parallel_loop3A_1085 = arith.constant 0 : index
        %parallel_loop3A_1086 = tpu.vector_load %arg7[%parallel_loop3A_1084, %parallel_loop3A_1085] {strides = array<i32>} : memref<512x32xf32, #tpu.memory_space<vmem>>, vector<16xf32>,
        %parallel_loop3A_1087 = arith.constant 384 : i32
        %parallel_loop3A_1088 = arith.addi %parallel_loop3A_1087, %parallel_loop3A_666 : i32
        %parallel_loop3A_1089 = arith.constant 4 : i32
        %parallel_loop3A_1090 = arith.addi %parallel_loop3A_1088, %parallel_loop3A_1089 : i32
        %parallel_loop3A_1091 = arith.index_cast %parallel_loop3A_1090 : i32 to index
        %parallel_loop3A_1092 = arith.constant 0 : index
        %parallel_loop3A_1093 = tpu.vector_load %arg7[%parallel_loop3A_1091, %parallel_loop3A_1092] {strides = array<i32>} : memref<512x32xf32, #tpu.memory_space<vmem>>, vector<16xf32>,
        %parallel_loop3A_1094 = arith.constant 384 : i32
        %parallel_loop3A_1095 = arith.addi %parallel_loop3A_1094, %parallel_loop3A_666 : i32
        %parallel_loop3A_1096 = arith.constant 5 : i32
        %parallel_loop3A_1097 = arith.addi %parallel_loop3A_1095, %parallel_loop3A_1096 : i32
        %parallel_loop3A_1098 = arith.index_cast %parallel_loop3A_1097 : i32 to index
        %parallel_loop3A_1099 = arith.constant 0 : index
        %parallel_loop3A_1100 = tpu.vector_load %arg7[%parallel_loop3A_1098, %parallel_loop3A_1099] {strides = array<i32>} : memref<512x32xf32, #tpu.memory_space<vmem>>, vector<16xf32>,
        %parallel_loop3A_1101 = arith.constant 384 : i32
        %parallel_loop3A_1102 = arith.addi %parallel_loop3A_1101, %parallel_loop3A_666 : i32
        %parallel_loop3A_1103 = arith.constant 6 : i32
        %parallel_loop3A_1104 = arith.addi %parallel_loop3A_1102, %parallel_loop3A_1103 : i32
        %parallel_loop3A_1105 = arith.index_cast %parallel_loop3A_1104 : i32 to index
        %parallel_loop3A_1106 = arith.constant 0 : index
        %parallel_loop3A_1107 = tpu.vector_load %arg7[%parallel_loop3A_1105, %parallel_loop3A_1106] {strides = array<i32>} : memref<512x32xf32, #tpu.memory_space<vmem>>, vector<16xf32>,
        %parallel_loop3A_1108 = arith.constant 384 : i32
        %parallel_loop3A_1109 = arith.addi %parallel_loop3A_1108, %parallel_loop3A_666 : i32
        %parallel_loop3A_1110 = arith.constant 7 : i32
        %parallel_loop3A_1111 = arith.addi %parallel_loop3A_1109, %parallel_loop3A_1110 : i32
        %parallel_loop3A_1112 = arith.index_cast %parallel_loop3A_1111 : i32 to index
        %parallel_loop3A_1113 = arith.constant 0 : index
        %parallel_loop3A_1114 = tpu.vector_load %arg7[%parallel_loop3A_1112, %parallel_loop3A_1113] {strides = array<i32>} : memref<512x32xf32, #tpu.memory_space<vmem>>, vector<16xf32>,
        %parallel_loop3A_1115 = tpu.memref_slice %arg9[%parallel_loop3A_1058] : memref<16528xf32, #tpu.memory_space<vmem>> -> memref<13208xf32, #tpu.memory_space<vmem>>
        tpu.vector_store_idx %parallel_loop3A_1115[%add3A_19], %parallel_loop3A_1065 : memref<13208xf32, #tpu.memory_space<vmem>>[vector<16xi32>], vector<16xf32>,
        %parallel_loop3A_1116 = tpu.memref_slice %arg9[%parallel_loop3A_1058] : memref<16528xf32, #tpu.memory_space<vmem>> -> memref<13208xf32, #tpu.memory_space<vmem>>
        tpu.vector_store_idx %parallel_loop3A_1116[%add3A_38], %parallel_loop3A_1072 : memref<13208xf32, #tpu.memory_space<vmem>>[vector<16xi32>], vector<16xf32>,
        %parallel_loop3A_1117 = tpu.memref_slice %arg9[%parallel_loop3A_1058] : memref<16528xf32, #tpu.memory_space<vmem>> -> memref<13208xf32, #tpu.memory_space<vmem>>
        tpu.vector_store_idx %parallel_loop3A_1117[%add3A_57], %parallel_loop3A_1079 : memref<13208xf32, #tpu.memory_space<vmem>>[vector<16xi32>], vector<16xf32>,
        %parallel_loop3A_1118 = tpu.memref_slice %arg9[%parallel_loop3A_1058] : memref<16528xf32, #tpu.memory_space<vmem>> -> memref<13208xf32, #tpu.memory_space<vmem>>
        tpu.vector_store_idx %parallel_loop3A_1118[%add3A_76], %parallel_loop3A_1086 : memref<13208xf32, #tpu.memory_space<vmem>>[vector<16xi32>], vector<16xf32>,
        %parallel_loop3A_1119 = tpu.memref_slice %arg9[%parallel_loop3A_1058] : memref<16528xf32, #tpu.memory_space<vmem>> -> memref<13208xf32, #tpu.memory_space<vmem>>
        tpu.vector_store_idx %parallel_loop3A_1119[%add3A_95], %parallel_loop3A_1093 : memref<13208xf32, #tpu.memory_space<vmem>>[vector<16xi32>], vector<16xf32>,
        %parallel_loop3A_1120 = tpu.memref_slice %arg9[%parallel_loop3A_1058] : memref<16528xf32, #tpu.memory_space<vmem>> -> memref<13208xf32, #tpu.memory_space<vmem>>
        tpu.vector_store_idx %parallel_loop3A_1120[%add3A_114], %parallel_loop3A_1100 : memref<13208xf32, #tpu.memory_space<vmem>>[vector<16xi32>], vector<16xf32>,
        %parallel_loop3A_1121 = tpu.memref_slice %arg9[%parallel_loop3A_1058] : memref<16528xf32, #tpu.memory_space<vmem>> -> memref<13208xf32, #tpu.memory_space<vmem>>
        tpu.vector_store_idx %parallel_loop3A_1121[%add3A_133], %parallel_loop3A_1107 : memref<13208xf32, #tpu.memory_space<vmem>>[vector<16xi32>], vector<16xf32>,
        %parallel_loop3A_1122 = tpu.memref_slice %arg9[%parallel_loop3A_1058] : memref<16528xf32, #tpu.memory_space<vmem>> -> memref<13208xf32, #tpu.memory_space<vmem>>
        tpu.vector_store_idx %parallel_loop3A_1122[%add3A_152], %parallel_loop3A_1114 : memref<13208xf32, #tpu.memory_space<vmem>>[vector<16xi32>], vector<16xf32>,
        %parallel_loop3A_1123 = arith.constant 384 : i32
        %parallel_loop3A_1124 = arith.addi %parallel_loop3A_1123, %parallel_loop3A_666 : i32
        %parallel_loop3A_1125 = arith.constant 0 : i32
        %parallel_loop3A_1126 = arith.addi %parallel_loop3A_1124, %parallel_loop3A_1125 : i32
        %parallel_loop3A_1127 = arith.index_cast %parallel_loop3A_1126 : i32 to index
        %parallel_loop3A_1128 = arith.constant 16 : index
        %parallel_loop3A_1129 = tpu.vector_load %arg7[%parallel_loop3A_1127, %parallel_loop3A_1128] {strides = array<i32>} : memref<512x32xf32, #tpu.memory_space<vmem>>, vector<16xf32>,
        %parallel_loop3A_1130 = arith.constant 384 : i32
        %parallel_loop3A_1131 = arith.addi %parallel_loop3A_1130, %parallel_loop3A_666 : i32
        %parallel_loop3A_1132 = arith.constant 1 : i32
        %parallel_loop3A_1133 = arith.addi %parallel_loop3A_1131, %parallel_loop3A_1132 : i32
        %parallel_loop3A_1134 = arith.index_cast %parallel_loop3A_1133 : i32 to index
        %parallel_loop3A_1135 = arith.constant 16 : index
        %parallel_loop3A_1136 = tpu.vector_load %arg7[%parallel_loop3A_1134, %parallel_loop3A_1135] {strides = array<i32>} : memref<512x32xf32, #tpu.memory_space<vmem>>, vector<16xf32>,
        %parallel_loop3A_1137 = arith.constant 384 : i32
        %parallel_loop3A_1138 = arith.addi %parallel_loop3A_1137, %parallel_loop3A_666 : i32
        %parallel_loop3A_1139 = arith.constant 2 : i32
        %parallel_loop3A_1140 = arith.addi %parallel_loop3A_1138, %parallel_loop3A_1139 : i32
        %parallel_loop3A_1141 = arith.index_cast %parallel_loop3A_1140 : i32 to index
        %parallel_loop3A_1142 = arith.constant 16 : index
        %parallel_loop3A_1143 = tpu.vector_load %arg7[%parallel_loop3A_1141, %parallel_loop3A_1142] {strides = array<i32>} : memref<512x32xf32, #tpu.memory_space<vmem>>, vector<16xf32>,
        %parallel_loop3A_1144 = arith.constant 384 : i32
        %parallel_loop3A_1145 = arith.addi %parallel_loop3A_1144, %parallel_loop3A_666 : i32
        %parallel_loop3A_1146 = arith.constant 3 : i32
        %parallel_loop3A_1147 = arith.addi %parallel_loop3A_1145, %parallel_loop3A_1146 : i32
        %parallel_loop3A_1148 = arith.index_cast %parallel_loop3A_1147 : i32 to index
        %parallel_loop3A_1149 = arith.constant 16 : index
        %parallel_loop3A_1150 = tpu.vector_load %arg7[%parallel_loop3A_1148, %parallel_loop3A_1149] {strides = array<i32>} : memref<512x32xf32, #tpu.memory_space<vmem>>, vector<16xf32>,
        %parallel_loop3A_1151 = arith.constant 384 : i32
        %parallel_loop3A_1152 = arith.addi %parallel_loop3A_1151, %parallel_loop3A_666 : i32
        %parallel_loop3A_1153 = arith.constant 4 : i32
        %parallel_loop3A_1154 = arith.addi %parallel_loop3A_1152, %parallel_loop3A_1153 : i32
        %parallel_loop3A_1155 = arith.index_cast %parallel_loop3A_1154 : i32 to index
        %parallel_loop3A_1156 = arith.constant 16 : index
        %parallel_loop3A_1157 = tpu.vector_load %arg7[%parallel_loop3A_1155, %parallel_loop3A_1156] {strides = array<i32>} : memref<512x32xf32, #tpu.memory_space<vmem>>, vector<16xf32>,
        %parallel_loop3A_1158 = arith.constant 384 : i32
        %parallel_loop3A_1159 = arith.addi %parallel_loop3A_1158, %parallel_loop3A_666 : i32
        %parallel_loop3A_1160 = arith.constant 5 : i32
        %parallel_loop3A_1161 = arith.addi %parallel_loop3A_1159, %parallel_loop3A_1160 : i32
        %parallel_loop3A_1162 = arith.index_cast %parallel_loop3A_1161 : i32 to index
        %parallel_loop3A_1163 = arith.constant 16 : index
        %parallel_loop3A_1164 = tpu.vector_load %arg7[%parallel_loop3A_1162, %parallel_loop3A_1163] {strides = array<i32>} : memref<512x32xf32, #tpu.memory_space<vmem>>, vector<16xf32>,
        %parallel_loop3A_1165 = arith.constant 384 : i32
        %parallel_loop3A_1166 = arith.addi %parallel_loop3A_1165, %parallel_loop3A_666 : i32
        %parallel_loop3A_1167 = arith.constant 6 : i32
        %parallel_loop3A_1168 = arith.addi %parallel_loop3A_1166, %parallel_loop3A_1167 : i32
        %parallel_loop3A_1169 = arith.index_cast %parallel_loop3A_1168 : i32 to index
        %parallel_loop3A_1170 = arith.constant 16 : index
        %parallel_loop3A_1171 = tpu.vector_load %arg7[%parallel_loop3A_1169, %parallel_loop3A_1170] {strides = array<i32>} : memref<512x32xf32, #tpu.memory_space<vmem>>, vector<16xf32>,
        %parallel_loop3A_1172 = arith.constant 384 : i32
        %parallel_loop3A_1173 = arith.addi %parallel_loop3A_1172, %parallel_loop3A_666 : i32
        %parallel_loop3A_1174 = arith.constant 7 : i32
        %parallel_loop3A_1175 = arith.addi %parallel_loop3A_1173, %parallel_loop3A_1174 : i32
        %parallel_loop3A_1176 = arith.index_cast %parallel_loop3A_1175 : i32 to index
        %parallel_loop3A_1177 = arith.constant 16 : index
        %parallel_loop3A_1178 = tpu.vector_load %arg7[%parallel_loop3A_1176, %parallel_loop3A_1177] {strides = array<i32>} : memref<512x32xf32, #tpu.memory_space<vmem>>, vector<16xf32>,
        %parallel_loop3A_1179 = tpu.memref_slice %arg9[%parallel_loop3A_1058] : memref<16528xf32, #tpu.memory_space<vmem>> -> memref<13208xf32, #tpu.memory_space<vmem>>
        tpu.vector_store_idx %parallel_loop3A_1179[%add3A_171], %parallel_loop3A_1129 : memref<13208xf32, #tpu.memory_space<vmem>>[vector<16xi32>], vector<16xf32>,
        %parallel_loop3A_1180 = tpu.memref_slice %arg9[%parallel_loop3A_1058] : memref<16528xf32, #tpu.memory_space<vmem>> -> memref<13208xf32, #tpu.memory_space<vmem>>
        tpu.vector_store_idx %parallel_loop3A_1180[%add3A_190], %parallel_loop3A_1136 : memref<13208xf32, #tpu.memory_space<vmem>>[vector<16xi32>], vector<16xf32>,
        %parallel_loop3A_1181 = tpu.memref_slice %arg9[%parallel_loop3A_1058] : memref<16528xf32, #tpu.memory_space<vmem>> -> memref<13208xf32, #tpu.memory_space<vmem>>
        tpu.vector_store_idx %parallel_loop3A_1181[%add3A_209], %parallel_loop3A_1143 : memref<13208xf32, #tpu.memory_space<vmem>>[vector<16xi32>], vector<16xf32>,
        %parallel_loop3A_1182 = tpu.memref_slice %arg9[%parallel_loop3A_1058] : memref<16528xf32, #tpu.memory_space<vmem>> -> memref<13208xf32, #tpu.memory_space<vmem>>
        tpu.vector_store_idx %parallel_loop3A_1182[%add3A_228], %parallel_loop3A_1150 : memref<13208xf32, #tpu.memory_space<vmem>>[vector<16xi32>], vector<16xf32>,
        %parallel_loop3A_1183 = tpu.memref_slice %arg9[%parallel_loop3A_1058] : memref<16528xf32, #tpu.memory_space<vmem>> -> memref<13208xf32, #tpu.memory_space<vmem>>
        tpu.vector_store_idx %parallel_loop3A_1183[%add3A_247], %parallel_loop3A_1157 : memref<13208xf32, #tpu.memory_space<vmem>>[vector<16xi32>], vector<16xf32>,
        %parallel_loop3A_1184 = tpu.memref_slice %arg9[%parallel_loop3A_1058] : memref<16528xf32, #tpu.memory_space<vmem>> -> memref<13208xf32, #tpu.memory_space<vmem>>
        tpu.vector_store_idx %parallel_loop3A_1184[%add3A_266], %parallel_loop3A_1164 : memref<13208xf32, #tpu.memory_space<vmem>>[vector<16xi32>], vector<16xf32>,
        %parallel_loop3A_1185 = tpu.memref_slice %arg9[%parallel_loop3A_1058] : memref<16528xf32, #tpu.memory_space<vmem>> -> memref<13208xf32, #tpu.memory_space<vmem>>
        tpu.vector_store_idx %parallel_loop3A_1185[%add3A_285], %parallel_loop3A_1171 : memref<13208xf32, #tpu.memory_space<vmem>>[vector<16xi32>], vector<16xf32>,
        %parallel_loop3A_1186 = tpu.memref_slice %arg9[%parallel_loop3A_1058] : memref<16528xf32, #tpu.memory_space<vmem>> -> memref<13208xf32, #tpu.memory_space<vmem>>
        tpu.vector_store_idx %parallel_loop3A_1186[%add3A_304], %parallel_loop3A_1178 : memref<13208xf32, #tpu.memory_space<vmem>>[vector<16xi32>], vector<16xf32>,
        scf.yield %parallel_loop3A_664 : i32
      } {sc.loop_unroll_factor = 1 : i64, sc.parallel_access}
      %mul3A_443 = arith.constant 4 : i32
      %mul3A_444 = arith.muli %add3A_427, %mul3A_443 : i32
      %add3A_445 = arith.addi %mul3A_2, %mul3A_444 : i32
      %jit3A = arith.constant 128 : i32
      %div3A = arith.divsi %add3A_445, %jit3A : i32
      %sign3A = arith.constant 0 : i32
      %sign3A_446 = arith.cmpi sgt, %add3A_445, %sign3A : i32
      %sign3A_447 = arith.extui %sign3A_446 : i1 to i32
      %sign3A_448 = arith.constant 0 : i32
      %sign3A_449 = arith.cmpi slt, %add3A_445, %sign3A_448 : i32
      %sign3A_450 = arith.extui %sign3A_449 : i1 to i32
      %sign3A_451 = arith.subi %sign3A_447, %sign3A_450 : i32
      %sign3A_452 = arith.constant 0 : i32
      %sign3A_453 = arith.cmpi sgt, %jit3A, %sign3A_452 : i32
      %sign3A_454 = arith.extui %sign3A_453 : i1 to i32
      %sign3A_455 = arith.constant 0 : i32
      %sign3A_456 = arith.cmpi slt, %jit3A, %sign3A_455 : i32
      %sign3A_457 = arith.extui %sign3A_456 : i1 to i32
      %sign3A_458 = arith.subi %sign3A_454, %sign3A_457 : i32
      %ne3A = arith.cmpi ne, %sign3A_451, %sign3A_458 : i32
      %rem3A = arith.remsi %add3A_445, %jit3A : i32
      %ne3A_459 = arith.constant 0 : i32
      %ne3A_460 = arith.cmpi ne, %rem3A, %ne3A_459 : i32
      %and3A_461 = arith.andi %ne3A, %ne3A_460 : i1
      %sub3A = arith.constant 1 : i32
      %sub3A_462 = arith.subi %div3A, %sub3A : i32
      %select_n3A = arith.select %and3A_461, %sub3A_462, %div3A : i32
      %jit3A_463 = arith.constant 128 : i32
      %eq3A = arith.constant 0 : i32
      %eq3A_464 = arith.cmpi eq, %jit3A_463, %eq3A : i32
      %jit3A_465 = arith.constant 1 : i32
      %select_n3A_466 = arith.select %eq3A_464, %jit3A_465, %jit3A_463 : i32
      %rem3A_467 = arith.remsi %add3A_445, %select_n3A_466 : i32
      %ne3A_468 = arith.constant 0 : i32
      %ne3A_469 = arith.cmpi ne, %rem3A_467, %ne3A_468 : i32
      %lt3A_470 = arith.constant 0 : i32
      %lt3A_471 = arith.cmpi slt, %rem3A_467, %lt3A_470 : i32
      %lt3A_472 = arith.constant 0 : i32
      %lt3A_473 = arith.cmpi slt, %select_n3A_466, %lt3A_472 : i32
      %ne3A_474 = arith.xori %lt3A_471, %lt3A_473 : i1
      %and3A_475 = arith.andi %ne3A_474, %ne3A_469 : i1
      %add3A_476 = arith.addi %rem3A_467, %select_n3A_466 : i32
      %select_n3A_477 = arith.select %and3A_475, %add3A_476, %rem3A_467 : i32
      %mul3A_478 = arith.constant 8 : i32
      %mul3A_479 = arith.muli %select_n3A_477, %mul3A_478 : i32
      %mul3A_480 = arith.constant 128 : i32
      %mul3A_481 = arith.muli %mul3A_479, %mul3A_480 : i32
      %dma_start3A_482 = arith.constant 0 : i32
      %dma_start3A_483 = arith.constant 0 : i32
      %dma_start3A_484 = tpu.memref_slice %arg9[%dma_start3A_483] : memref<16528xf32, #tpu.memory_space<vmem>> -> memref<4096xf32, #tpu.memory_space<vmem>>
      %dma_start3A_485 = tpu.memref_slice %arg4[%select_n3A, %dma_start3A_482, %mul3A_481] : memref<50x4x131072xf32, #tpu.memory_space<hbm>> -> memref<1x1x4096xf32, #tpu.memory_space<hbm>>
      %dma_start3A_486 = tpu.memref_squeeze %dma_start3A_485 : memref<1x1x4096xf32, #tpu.memory_space<hbm>> -> memref<4096xf32, #tpu.memory_space<hbm>>
      %dma_start3A_487 = tpu.memref_slice %arg4[%select_n3A, %dma_start3A_482, %mul3A_481] : memref<50x4x131072xf32, #tpu.memory_space<hbm>> -> memref<1x1x4096xf32, #tpu.memory_space<hbm>>
      %dma_start3A_488 = tpu.memref_squeeze %dma_start3A_487 : memref<1x1x4096xf32, #tpu.memory_space<hbm>> -> memref<4096xf32, #tpu.memory_space<hbm>>
      %dma_start3A_489 = arith.constant 0 : i32
      %dma_start3A_490 = tpu.memref_slice %arg9[%dma_start3A_489] : memref<16528xf32, #tpu.memory_space<vmem>> -> memref<4096xf32, #tpu.memory_space<vmem>>
      tpu.enqueue_dma source(%dma_start3A_490 : memref<4096xf32, #tpu.memory_space<vmem>>) target(%dma_start3A_488 : memref<4096xf32, #tpu.memory_space<hbm>>) target_semaphore(%arg15 : memref<!tpu.dma_semaphore, #tpu.memory_space<semaphore_mem>>)
      %mul3A_491 = arith.constant 8 : i32
      %mul3A_492 = arith.muli %select_n3A_477, %mul3A_491 : i32
      %mul3A_493 = arith.constant 128 : i32
      %mul3A_494 = arith.muli %mul3A_492, %mul3A_493 : i32
      %dma_start3A_495 = arith.constant 1 : i32
      %dma_start3A_496 = arith.constant 4096 : i32
      %dma_start3A_497 = tpu.memref_slice %arg9[%dma_start3A_496] : memref<16528xf32, #tpu.memory_space<vmem>> -> memref<4096xf32, #tpu.memory_space<vmem>>
      %dma_start3A_498 = tpu.memref_slice %arg4[%select_n3A, %dma_start3A_495, %mul3A_494] : memref<50x4x131072xf32, #tpu.memory_space<hbm>> -> memref<1x1x4096xf32, #tpu.memory_space<hbm>>
      %dma_start3A_499 = tpu.memref_squeeze %dma_start3A_498 : memref<1x1x4096xf32, #tpu.memory_space<hbm>> -> memref<4096xf32, #tpu.memory_space<hbm>>
      %dma_start3A_500 = tpu.memref_slice %arg4[%select_n3A, %dma_start3A_495, %mul3A_494] : memref<50x4x131072xf32, #tpu.memory_space<hbm>> -> memref<1x1x4096xf32, #tpu.memory_space<hbm>>
      %dma_start3A_501 = tpu.memref_squeeze %dma_start3A_500 : memref<1x1x4096xf32, #tpu.memory_space<hbm>> -> memref<4096xf32, #tpu.memory_space<hbm>>
      %dma_start3A_502 = arith.constant 4096 : i32
      %dma_start3A_503 = tpu.memref_slice %arg9[%dma_start3A_502] : memref<16528xf32, #tpu.memory_space<vmem>> -> memref<4096xf32, #tpu.memory_space<vmem>>
      tpu.enqueue_dma source(%dma_start3A_503 : memref<4096xf32, #tpu.memory_space<vmem>>) target(%dma_start3A_501 : memref<4096xf32, #tpu.memory_space<hbm>>) target_semaphore(%arg15 : memref<!tpu.dma_semaphore, #tpu.memory_space<semaphore_mem>>)
      %mul3A_504 = arith.constant 8 : i32
      %mul3A_505 = arith.muli %select_n3A_477, %mul3A_504 : i32
      %mul3A_506 = arith.constant 128 : i32
      %mul3A_507 = arith.muli %mul3A_505, %mul3A_506 : i32
      %dma_start3A_508 = arith.constant 2 : i32
      %dma_start3A_509 = arith.constant 8192 : i32
      %dma_start3A_510 = tpu.memref_slice %arg9[%dma_start3A_509] : memref<16528xf32, #tpu.memory_space<vmem>> -> memref<4096xf32, #tpu.memory_space<vmem>>
      %dma_start3A_511 = tpu.memref_slice %arg4[%select_n3A, %dma_start3A_508, %mul3A_507] : memref<50x4x131072xf32, #tpu.memory_space<hbm>> -> memref<1x1x4096xf32, #tpu.memory_space<hbm>>
      %dma_start3A_512 = tpu.memref_squeeze %dma_start3A_511 : memref<1x1x4096xf32, #tpu.memory_space<hbm>> -> memref<4096xf32, #tpu.memory_space<hbm>>
      %dma_start3A_513 = tpu.memref_slice %arg4[%select_n3A, %dma_start3A_508, %mul3A_507] : memref<50x4x131072xf32, #tpu.memory_space<hbm>> -> memref<1x1x4096xf32, #tpu.memory_space<hbm>>
      %dma_start3A_514 = tpu.memref_squeeze %dma_start3A_513 : memref<1x1x4096xf32, #tpu.memory_space<hbm>> -> memref<4096xf32, #tpu.memory_space<hbm>>
      %dma_start3A_515 = arith.constant 8192 : i32
      %dma_start3A_516 = tpu.memref_slice %arg9[%dma_start3A_515] : memref<16528xf32, #tpu.memory_space<vmem>> -> memref<4096xf32, #tpu.memory_space<vmem>>
      tpu.enqueue_dma source(%dma_start3A_516 : memref<4096xf32, #tpu.memory_space<vmem>>) target(%dma_start3A_514 : memref<4096xf32, #tpu.memory_space<hbm>>) target_semaphore(%arg15 : memref<!tpu.dma_semaphore, #tpu.memory_space<semaphore_mem>>)
      %mul3A_517 = arith.constant 8 : i32
      %mul3A_518 = arith.muli %select_n3A_477, %mul3A_517 : i32
      %mul3A_519 = arith.constant 128 : i32
      %mul3A_520 = arith.muli %mul3A_518, %mul3A_519 : i32
      %dma_start3A_521 = arith.constant 3 : i32
      %dma_start3A_522 = arith.constant 12288 : i32
      %dma_start3A_523 = tpu.memref_slice %arg9[%dma_start3A_522] : memref<16528xf32, #tpu.memory_space<vmem>> -> memref<4096xf32, #tpu.memory_space<vmem>>
      %dma_start3A_524 = tpu.memref_slice %arg4[%select_n3A, %dma_start3A_521, %mul3A_520] : memref<50x4x131072xf32, #tpu.memory_space<hbm>> -> memref<1x1x4096xf32, #tpu.memory_space<hbm>>
      %dma_start3A_525 = tpu.memref_squeeze %dma_start3A_524 : memref<1x1x4096xf32, #tpu.memory_space<hbm>> -> memref<4096xf32, #tpu.memory_space<hbm>>
      %dma_start3A_526 = tpu.memref_slice %arg4[%select_n3A, %dma_start3A_521, %mul3A_520] : memref<50x4x131072xf32, #tpu.memory_space<hbm>> -> memref<1x1x4096xf32, #tpu.memory_space<hbm>>
      %dma_start3A_527 = tpu.memref_squeeze %dma_start3A_526 : memref<1x1x4096xf32, #tpu.memory_space<hbm>> -> memref<4096xf32, #tpu.memory_space<hbm>>
      %dma_start3A_528 = arith.constant 12288 : i32
      %dma_start3A_529 = tpu.memref_slice %arg9[%dma_start3A_528] : memref<16528xf32, #tpu.memory_space<vmem>> -> memref<4096xf32, #tpu.memory_space<vmem>>
      tpu.enqueue_dma source(%dma_start3A_529 : memref<4096xf32, #tpu.memory_space<vmem>>) target(%dma_start3A_527 : memref<4096xf32, #tpu.memory_space<hbm>>) target_semaphore(%arg15 : memref<!tpu.dma_semaphore, #tpu.memory_space<semaphore_mem>>)
      %add3A_530 = arith.constant 2 : i32
      %add3A_531 = arith.addi %add3A_427, %add3A_530 : i32
      %lt3A_532 = arith.constant 50 : i32
      %lt3A_533 = arith.cmpi slt, %add3A_531, %lt3A_532 : i32
      %convert_element_type3A_534 = arith.extui %lt3A_533 : i1 to i32
      %cond3A_535 = arith.constant 0 : i32
      %cond3A_536 = arith.cmpi ne, %convert_element_type3A_534, %cond3A_535 : i32
      scf.if %cond3A_536 {
        %add3A_663 = arith.constant 2 : i32
        %add3A_664 = arith.addi %add3A_427, %add3A_663 : i32
        %mul3A_665 = arith.constant 4 : i32
        %mul3A_666 = arith.muli %add3A_664, %mul3A_665 : i32
        %add3A_667 = arith.addi %mul3A_2, %mul3A_666 : i32
        %mul3A_668 = arith.constant 128 : i32
        %mul3A_669 = arith.muli %add3A_667, %mul3A_668 : i32
        %dma_start3A_670 = tpu.memref_slice %arg2[%mul3A_669] : memref<819200xi32, #tpu.memory_space<hbm>> -> memref<512xi32, #tpu.memory_space<hbm>>
        %dma_start3A_671 = tpu.memref_slice %arg2[%mul3A_669] : memref<819200xi32, #tpu.memory_space<hbm>> -> memref<512xi32, #tpu.memory_space<hbm>>
        tpu.enqueue_dma source(%dma_start3A_671 : memref<512xi32, #tpu.memory_space<hbm>>) target(%arg5 : memref<512xi32, #tpu.memory_space<vmem>>) target_semaphore(%arg11 : memref<!tpu.dma_semaphore, #tpu.memory_space<semaphore_mem>>)
      } else {
      }
      %mul3A_537 = arith.constant 2 : i32
      %mul3A_538 = arith.muli %scan3A_423, %mul3A_537 : i32
      %add3A_539 = arith.constant 1 : i32
      %add3A_540 = arith.addi %mul3A_538, %add3A_539 : i32
      %add3A_541 = arith.constant 1 : i32
      %add3A_542 = arith.addi %add3A_540, %add3A_541 : i32
      %lt3A_543 = arith.constant 50 : i32
      %lt3A_544 = arith.cmpi slt, %add3A_542, %lt3A_543 : i32
      %convert_element_type3A_545 = arith.extui %lt3A_544 : i1 to i32
      %cond3A_546 = arith.constant 0 : i32
      %cond3A_547 = arith.cmpi ne, %convert_element_type3A_545, %cond3A_546 : i32
      scf.if %cond3A_547 {
        %dma_wait3A_663 = arith.constant 0 : i32
        %dma_wait3A_664 = tpu.memref_slice %arg2[%dma_wait3A_663] : memref<819200xi32, #tpu.memory_space<hbm>> -> memref<512xi32, #tpu.memory_space<hbm>>
        %dma_wait3A_665 = arith.constant 0 : i32
        %dma_wait3A_666 = tpu.memref_slice %arg2[%dma_wait3A_665] : memref<819200xi32, #tpu.memory_space<hbm>> -> memref<512xi32, #tpu.memory_space<hbm>>
        tpu.wait_dma2 semaphore(%arg11 : memref<!tpu.dma_semaphore, #tpu.memory_space<semaphore_mem>>) src(%dma_wait3A_666 : memref<512xi32, #tpu.memory_space<hbm>>) dst(%arg5 : memref<512xi32, #tpu.memory_space<vmem>>)
        %dma_start3A_667 = arith.constant 0 : i32
        %dma_start3A_668 = arith.constant 0 : i32
        %dma_start3A_669 = tpu.memref_slice %arg3[%dma_start3A_667, %dma_start3A_668] : memref<1000000x32xf32, #tpu.memory_space<hbm>> -> memref<1000000x32xf32, #tpu.memory_space<hbm>>
        tpu.enqueue_indirect_dma source(%dma_start3A_669 : memref<1000000x32xf32, #tpu.memory_space<hbm>>) target(%arg7 : memref<512x32xf32, #tpu.memory_space<vmem>>) offsets(%arg5 : memref<512xi32, #tpu.memory_space<vmem>>) semaphore(%arg13 : memref<!tpu.dma_semaphore, #tpu.memory_space<semaphore_mem>>)
      } else {
      }
      %dma_wait3A_548 = arith.constant 0 : i32
      %dma_wait3A_549 = arith.constant 0 : i32
      %dma_wait3A_550 = tpu.memref_slice %arg3[%dma_wait3A_548, %dma_wait3A_549] : memref<1000000x32xf32, #tpu.memory_space<hbm>> -> memref<1000000x32xf32, #tpu.memory_space<hbm>>
      tpu.wait_indirect_dma semaphore(%arg14 : memref<!tpu.dma_semaphore, #tpu.memory_space<semaphore_mem>>) src(%dma_wait3A_550 : memref<1000000x32xf32, #tpu.memory_space<hbm>>) dst(%arg8 : memref<512x32xf32, #tpu.memory_space<vmem>>)
      %ge3A_551 = arith.constant 2 : i32
      %ge3A_552 = arith.cmpi sge, %add3A_540, %ge3A_551 : i32
      %convert_element_type3A_553 = arith.extui %ge3A_552 : i1 to i32
      %cond3A_554 = arith.constant 0 : i32
      %cond3A_555 = arith.cmpi ne, %convert_element_type3A_553, %cond3A_554 : i32
      scf.if %cond3A_555 {
        %dma_wait3A_663 = arith.constant 0 : i32
        %dma_wait3A_664 = arith.constant 0 : i32
        %dma_wait3A_665 = arith.constant 0 : i32
        %dma_wait3A_666 = tpu.memref_slice %arg10[%dma_wait3A_665] : memref<16528xf32, #tpu.memory_space<vmem>> -> memref<4096xf32, #tpu.memory_space<vmem>>
        %dma_wait3A_667 = arith.constant 0 : i32
        %dma_wait3A_668 = tpu.memref_slice %arg4[%dma_wait3A_663, %dma_wait3A_664, %dma_wait3A_667] : memref<50x4x131072xf32, #tpu.memory_space<hbm>> -> memref<1x1x4096xf32, #tpu.memory_space<hbm>>
        %dma_wait3A_669 = tpu.memref_squeeze %dma_wait3A_668 : memref<1x1x4096xf32, #tpu.memory_space<hbm>> -> memref<4096xf32, #tpu.memory_space<hbm>>
        %dma_wait3A_670 = arith.constant 0 : i32
        %dma_wait3A_671 = tpu.memref_slice %arg4[%dma_wait3A_663, %dma_wait3A_664, %dma_wait3A_670] : memref<50x4x131072xf32, #tpu.memory_space<hbm>> -> memref<1x1x4096xf32, #tpu.memory_space<hbm>>
        %dma_wait3A_672 = tpu.memref_squeeze %dma_wait3A_671 : memref<1x1x4096xf32, #tpu.memory_space<hbm>> -> memref<4096xf32, #tpu.memory_space<hbm>>
        %dma_wait3A_673 = arith.constant 0 : i32
        %dma_wait3A_674 = tpu.memref_slice %arg10[%dma_wait3A_673] : memref<16528xf32, #tpu.memory_space<vmem>> -> memref<4096xf32, #tpu.memory_space<vmem>>
        tpu.wait_dma2 semaphore(%arg16 : memref<!tpu.dma_semaphore, #tpu.memory_space<semaphore_mem>>) src(%dma_wait3A_674 : memref<4096xf32, #tpu.memory_space<vmem>>) dst(%dma_wait3A_672 : memref<4096xf32, #tpu.memory_space<hbm>>)
        %dma_wait3A_675 = arith.constant 0 : i32
        %dma_wait3A_676 = arith.constant 0 : i32
        %dma_wait3A_677 = arith.constant 0 : i32
        %dma_wait3A_678 = tpu.memref_slice %arg10[%dma_wait3A_677] : memref<16528xf32, #tpu.memory_space<vmem>> -> memref<4096xf32, #tpu.memory_space<vmem>>
        %dma_wait3A_679 = arith.constant 0 : i32
        %dma_wait3A_680 = tpu.memref_slice %arg4[%dma_wait3A_675, %dma_wait3A_676, %dma_wait3A_679] : memref<50x4x131072xf32, #tpu.memory_space<hbm>> -> memref<1x1x4096xf32, #tpu.memory_space<hbm>>
        %dma_wait3A_681 = tpu.memref_squeeze %dma_wait3A_680 : memref<1x1x4096xf32, #tpu.memory_space<hbm>> -> memref<4096xf32, #tpu.memory_space<hbm>>
        %dma_wait3A_682 = arith.constant 0 : i32
        %dma_wait3A_683 = tpu.memref_slice %arg4[%dma_wait3A_675, %dma_wait3A_676, %dma_wait3A_682] : memref<50x4x131072xf32, #tpu.memory_space<hbm>> -> memref<1x1x4096xf32, #tpu.memory_space<hbm>>
        %dma_wait3A_684 = tpu.memref_squeeze %dma_wait3A_683 : memref<1x1x4096xf32, #tpu.memory_space<hbm>> -> memref<4096xf32, #tpu.memory_space<hbm>>
        %dma_wait3A_685 = arith.constant 0 : i32
        %dma_wait3A_686 = tpu.memref_slice %arg10[%dma_wait3A_685] : memref<16528xf32, #tpu.memory_space<vmem>> -> memref<4096xf32, #tpu.memory_space<vmem>>
        tpu.wait_dma2 semaphore(%arg16 : memref<!tpu.dma_semaphore, #tpu.memory_space<semaphore_mem>>) src(%dma_wait3A_686 : memref<4096xf32, #tpu.memory_space<vmem>>) dst(%dma_wait3A_684 : memref<4096xf32, #tpu.memory_space<hbm>>)
        %dma_wait3A_687 = arith.constant 0 : i32
        %dma_wait3A_688 = arith.constant 0 : i32
        %dma_wait3A_689 = arith.constant 0 : i32
        %dma_wait3A_690 = tpu.memref_slice %arg10[%dma_wait3A_689] : memref<16528xf32, #tpu.memory_space<vmem>> -> memref<4096xf32, #tpu.memory_space<vmem>>
        %dma_wait3A_691 = arith.constant 0 : i32
        %dma_wait3A_692 = tpu.memref_slice %arg4[%dma_wait3A_687, %dma_wait3A_688, %dma_wait3A_691] : memref<50x4x131072xf32, #tpu.memory_space<hbm>> -> memref<1x1x4096xf32, #tpu.memory_space<hbm>>
        %dma_wait3A_693 = tpu.memref_squeeze %dma_wait3A_692 : memref<1x1x4096xf32, #tpu.memory_space<hbm>> -> memref<4096xf32, #tpu.memory_space<hbm>>
        %dma_wait3A_694 = arith.constant 0 : i32
        %dma_wait3A_695 = tpu.memref_slice %arg4[%dma_wait3A_687, %dma_wait3A_688, %dma_wait3A_694] : memref<50x4x131072xf32, #tpu.memory_space<hbm>> -> memref<1x1x4096xf32, #tpu.memory_space<hbm>>
        %dma_wait3A_696 = tpu.memref_squeeze %dma_wait3A_695 : memref<1x1x4096xf32, #tpu.memory_space<hbm>> -> memref<4096xf32, #tpu.memory_space<hbm>>
        %dma_wait3A_697 = arith.constant 0 : i32
        %dma_wait3A_698 = tpu.memref_slice %arg10[%dma_wait3A_697] : memref<16528xf32, #tpu.memory_space<vmem>> -> memref<4096xf32, #tpu.memory_space<vmem>>
        tpu.wait_dma2 semaphore(%arg16 : memref<!tpu.dma_semaphore, #tpu.memory_space<semaphore_mem>>) src(%dma_wait3A_698 : memref<4096xf32, #tpu.memory_space<vmem>>) dst(%dma_wait3A_696 : memref<4096xf32, #tpu.memory_space<hbm>>)
        %dma_wait3A_699 = arith.constant 0 : i32
        %dma_wait3A_700 = arith.constant 0 : i32
        %dma_wait3A_701 = arith.constant 0 : i32
        %dma_wait3A_702 = tpu.memref_slice %arg10[%dma_wait3A_701] : memref<16528xf32, #tpu.memory_space<vmem>> -> memref<4096xf32, #tpu.memory_space<vmem>>
        %dma_wait3A_703 = arith.constant 0 : i32
        %dma_wait3A_704 = tpu.memref_slice %arg4[%dma_wait3A_699, %dma_wait3A_700, %dma_wait3A_703] : memref<50x4x131072xf32, #tpu.memory_space<hbm>> -> memref<1x1x4096xf32, #tpu.memory_space<hbm>>
        %dma_wait3A_705 = tpu.memref_squeeze %dma_wait3A_704 : memref<1x1x4096xf32, #tpu.memory_space<hbm>> -> memref<4096xf32, #tpu.memory_space<hbm>>
        %dma_wait3A_706 = arith.constant 0 : i32
        %dma_wait3A_707 = tpu.memref_slice %arg4[%dma_wait3A_699, %dma_wait3A_700, %dma_wait3A_706] : memref<50x4x131072xf32, #tpu.memory_space<hbm>> -> memref<1x1x4096xf32, #tpu.memory_space<hbm>>
        %dma_wait3A_708 = tpu.memref_squeeze %dma_wait3A_707 : memref<1x1x4096xf32, #tpu.memory_space<hbm>> -> memref<4096xf32, #tpu.memory_space<hbm>>
        %dma_wait3A_709 = arith.constant 0 : i32
        %dma_wait3A_710 = tpu.memref_slice %arg10[%dma_wait3A_709] : memref<16528xf32, #tpu.memory_space<vmem>> -> memref<4096xf32, #tpu.memory_space<vmem>>
        tpu.wait_dma2 semaphore(%arg16 : memref<!tpu.dma_semaphore, #tpu.memory_space<semaphore_mem>>) src(%dma_wait3A_710 : memref<4096xf32, #tpu.memory_space<vmem>>) dst(%dma_wait3A_708 : memref<4096xf32, #tpu.memory_space<hbm>>)
      } else {
      }
      %parallel_loop3A_556 = arith.constant 0 : i32
      %parallel_loop3A_557 = arith.constant 16 : i32
      %parallel_loop3A_558 = arith.constant 1 : i32
      %parallel_loop3A_559 = arith.constant 0 : i32
      %parallel_loop3A_560 = scf.for %parallel_loop3A_663 = %parallel_loop3A_556 to %parallel_loop3A_557 step %parallel_loop3A_558 iter_args(%parallel_loop3A_664 = %parallel_loop3A_559) -> (i32)  : i32 {
        %parallel_loop3A_665 = arith.constant 8 : i32
        %parallel_loop3A_666 = arith.muli %parallel_loop3A_663, %parallel_loop3A_665 : i32
        %parallel_loop3A_667 = arith.constant 0 : i32
        %parallel_loop3A_668 = arith.addi %parallel_loop3A_667, %parallel_loop3A_666 : i32
        %parallel_loop3A_669 = arith.constant 0 : i32
        %parallel_loop3A_670 = arith.addi %parallel_loop3A_669, %parallel_loop3A_666 : i32
        %parallel_loop3A_671 = arith.constant 0 : i32
        %parallel_loop3A_672 = arith.addi %parallel_loop3A_670, %parallel_loop3A_671 : i32
        %parallel_loop3A_673 = arith.index_cast %parallel_loop3A_672 : i32 to index
        %parallel_loop3A_674 = arith.constant 0 : index
        %parallel_loop3A_675 = tpu.vector_load %arg8[%parallel_loop3A_673, %parallel_loop3A_674] {strides = array<i32>} : memref<512x32xf32, #tpu.memory_space<vmem>>, vector<16xf32>,
        %parallel_loop3A_676 = arith.constant 0 : i32
        %parallel_loop3A_677 = arith.addi %parallel_loop3A_676, %parallel_loop3A_666 : i32
        %parallel_loop3A_678 = arith.constant 1 : i32
        %parallel_loop3A_679 = arith.addi %parallel_loop3A_677, %parallel_loop3A_678 : i32
        %parallel_loop3A_680 = arith.index_cast %parallel_loop3A_679 : i32 to index
        %parallel_loop3A_681 = arith.constant 0 : index
        %parallel_loop3A_682 = tpu.vector_load %arg8[%parallel_loop3A_680, %parallel_loop3A_681] {strides = array<i32>} : memref<512x32xf32, #tpu.memory_space<vmem>>, vector<16xf32>,
        %parallel_loop3A_683 = arith.constant 0 : i32
        %parallel_loop3A_684 = arith.addi %parallel_loop3A_683, %parallel_loop3A_666 : i32
        %parallel_loop3A_685 = arith.constant 2 : i32
        %parallel_loop3A_686 = arith.addi %parallel_loop3A_684, %parallel_loop3A_685 : i32
        %parallel_loop3A_687 = arith.index_cast %parallel_loop3A_686 : i32 to index
        %parallel_loop3A_688 = arith.constant 0 : index
        %parallel_loop3A_689 = tpu.vector_load %arg8[%parallel_loop3A_687, %parallel_loop3A_688] {strides = array<i32>} : memref<512x32xf32, #tpu.memory_space<vmem>>, vector<16xf32>,
        %parallel_loop3A_690 = arith.constant 0 : i32
        %parallel_loop3A_691 = arith.addi %parallel_loop3A_690, %parallel_loop3A_666 : i32
        %parallel_loop3A_692 = arith.constant 3 : i32
        %parallel_loop3A_693 = arith.addi %parallel_loop3A_691, %parallel_loop3A_692 : i32
        %parallel_loop3A_694 = arith.index_cast %parallel_loop3A_693 : i32 to index
        %parallel_loop3A_695 = arith.constant 0 : index
        %parallel_loop3A_696 = tpu.vector_load %arg8[%parallel_loop3A_694, %parallel_loop3A_695] {strides = array<i32>} : memref<512x32xf32, #tpu.memory_space<vmem>>, vector<16xf32>,
        %parallel_loop3A_697 = arith.constant 0 : i32
        %parallel_loop3A_698 = arith.addi %parallel_loop3A_697, %parallel_loop3A_666 : i32
        %parallel_loop3A_699 = arith.constant 4 : i32
        %parallel_loop3A_700 = arith.addi %parallel_loop3A_698, %parallel_loop3A_699 : i32
        %parallel_loop3A_701 = arith.index_cast %parallel_loop3A_700 : i32 to index
        %parallel_loop3A_702 = arith.constant 0 : index
        %parallel_loop3A_703 = tpu.vector_load %arg8[%parallel_loop3A_701, %parallel_loop3A_702] {strides = array<i32>} : memref<512x32xf32, #tpu.memory_space<vmem>>, vector<16xf32>,
        %parallel_loop3A_704 = arith.constant 0 : i32
        %parallel_loop3A_705 = arith.addi %parallel_loop3A_704, %parallel_loop3A_666 : i32
        %parallel_loop3A_706 = arith.constant 5 : i32
        %parallel_loop3A_707 = arith.addi %parallel_loop3A_705, %parallel_loop3A_706 : i32
        %parallel_loop3A_708 = arith.index_cast %parallel_loop3A_707 : i32 to index
        %parallel_loop3A_709 = arith.constant 0 : index
        %parallel_loop3A_710 = tpu.vector_load %arg8[%parallel_loop3A_708, %parallel_loop3A_709] {strides = array<i32>} : memref<512x32xf32, #tpu.memory_space<vmem>>, vector<16xf32>,
        %parallel_loop3A_711 = arith.constant 0 : i32
        %parallel_loop3A_712 = arith.addi %parallel_loop3A_711, %parallel_loop3A_666 : i32
        %parallel_loop3A_713 = arith.constant 6 : i32
        %parallel_loop3A_714 = arith.addi %parallel_loop3A_712, %parallel_loop3A_713 : i32
        %parallel_loop3A_715 = arith.index_cast %parallel_loop3A_714 : i32 to index
        %parallel_loop3A_716 = arith.constant 0 : index
        %parallel_loop3A_717 = tpu.vector_load %arg8[%parallel_loop3A_715, %parallel_loop3A_716] {strides = array<i32>} : memref<512x32xf32, #tpu.memory_space<vmem>>, vector<16xf32>,
        %parallel_loop3A_718 = arith.constant 0 : i32
        %parallel_loop3A_719 = arith.addi %parallel_loop3A_718, %parallel_loop3A_666 : i32
        %parallel_loop3A_720 = arith.constant 7 : i32
        %parallel_loop3A_721 = arith.addi %parallel_loop3A_719, %parallel_loop3A_720 : i32
        %parallel_loop3A_722 = arith.index_cast %parallel_loop3A_721 : i32 to index
        %parallel_loop3A_723 = arith.constant 0 : index
        %parallel_loop3A_724 = tpu.vector_load %arg8[%parallel_loop3A_722, %parallel_loop3A_723] {strides = array<i32>} : memref<512x32xf32, #tpu.memory_space<vmem>>, vector<16xf32>,
        %parallel_loop3A_725 = tpu.memref_slice %arg10[%parallel_loop3A_668] : memref<16528xf32, #tpu.memory_space<vmem>> -> memref<13208xf32, #tpu.memory_space<vmem>>
        tpu.vector_store_idx %parallel_loop3A_725[%add3A_19], %parallel_loop3A_675 : memref<13208xf32, #tpu.memory_space<vmem>>[vector<16xi32>], vector<16xf32>,
        %parallel_loop3A_726 = tpu.memref_slice %arg10[%parallel_loop3A_668] : memref<16528xf32, #tpu.memory_space<vmem>> -> memref<13208xf32, #tpu.memory_space<vmem>>
        tpu.vector_store_idx %parallel_loop3A_726[%add3A_38], %parallel_loop3A_682 : memref<13208xf32, #tpu.memory_space<vmem>>[vector<16xi32>], vector<16xf32>,
        %parallel_loop3A_727 = tpu.memref_slice %arg10[%parallel_loop3A_668] : memref<16528xf32, #tpu.memory_space<vmem>> -> memref<13208xf32, #tpu.memory_space<vmem>>
        tpu.vector_store_idx %parallel_loop3A_727[%add3A_57], %parallel_loop3A_689 : memref<13208xf32, #tpu.memory_space<vmem>>[vector<16xi32>], vector<16xf32>,
        %parallel_loop3A_728 = tpu.memref_slice %arg10[%parallel_loop3A_668] : memref<16528xf32, #tpu.memory_space<vmem>> -> memref<13208xf32, #tpu.memory_space<vmem>>
        tpu.vector_store_idx %parallel_loop3A_728[%add3A_76], %parallel_loop3A_696 : memref<13208xf32, #tpu.memory_space<vmem>>[vector<16xi32>], vector<16xf32>,
        %parallel_loop3A_729 = tpu.memref_slice %arg10[%parallel_loop3A_668] : memref<16528xf32, #tpu.memory_space<vmem>> -> memref<13208xf32, #tpu.memory_space<vmem>>
        tpu.vector_store_idx %parallel_loop3A_729[%add3A_95], %parallel_loop3A_703 : memref<13208xf32, #tpu.memory_space<vmem>>[vector<16xi32>], vector<16xf32>,
        %parallel_loop3A_730 = tpu.memref_slice %arg10[%parallel_loop3A_668] : memref<16528xf32, #tpu.memory_space<vmem>> -> memref<13208xf32, #tpu.memory_space<vmem>>
        tpu.vector_store_idx %parallel_loop3A_730[%add3A_114], %parallel_loop3A_710 : memref<13208xf32, #tpu.memory_space<vmem>>[vector<16xi32>], vector<16xf32>,
        %parallel_loop3A_731 = tpu.memref_slice %arg10[%parallel_loop3A_668] : memref<16528xf32, #tpu.memory_space<vmem>> -> memref<13208xf32, #tpu.memory_space<vmem>>
        tpu.vector_store_idx %parallel_loop3A_731[%add3A_133], %parallel_loop3A_717 : memref<13208xf32, #tpu.memory_space<vmem>>[vector<16xi32>], vector<16xf32>,
        %parallel_loop3A_732 = tpu.memref_slice %arg10[%parallel_loop3A_668] : memref<16528xf32, #tpu.memory_space<vmem>> -> memref<13208xf32, #tpu.memory_space<vmem>>
        tpu.vector_store_idx %parallel_loop3A_732[%add3A_152], %parallel_loop3A_724 : memref<13208xf32, #tpu.memory_space<vmem>>[vector<16xi32>], vector<16xf32>,
        %parallel_loop3A_733 = arith.constant 0 : i32
        %parallel_loop3A_734 = arith.addi %parallel_loop3A_733, %parallel_loop3A_666 : i32
        %parallel_loop3A_735 = arith.constant 0 : i32
        %parallel_loop3A_736 = arith.addi %parallel_loop3A_734, %parallel_loop3A_735 : i32
        %parallel_loop3A_737 = arith.index_cast %parallel_loop3A_736 : i32 to index
        %parallel_loop3A_738 = arith.constant 16 : index
        %parallel_loop3A_739 = tpu.vector_load %arg8[%parallel_loop3A_737, %parallel_loop3A_738] {strides = array<i32>} : memref<512x32xf32, #tpu.memory_space<vmem>>, vector<16xf32>,
        %parallel_loop3A_740 = arith.constant 0 : i32
        %parallel_loop3A_741 = arith.addi %parallel_loop3A_740, %parallel_loop3A_666 : i32
        %parallel_loop3A_742 = arith.constant 1 : i32
        %parallel_loop3A_743 = arith.addi %parallel_loop3A_741, %parallel_loop3A_742 : i32
        %parallel_loop3A_744 = arith.index_cast %parallel_loop3A_743 : i32 to index
        %parallel_loop3A_745 = arith.constant 16 : index
        %parallel_loop3A_746 = tpu.vector_load %arg8[%parallel_loop3A_744, %parallel_loop3A_745] {strides = array<i32>} : memref<512x32xf32, #tpu.memory_space<vmem>>, vector<16xf32>,
        %parallel_loop3A_747 = arith.constant 0 : i32
        %parallel_loop3A_748 = arith.addi %parallel_loop3A_747, %parallel_loop3A_666 : i32
        %parallel_loop3A_749 = arith.constant 2 : i32
        %parallel_loop3A_750 = arith.addi %parallel_loop3A_748, %parallel_loop3A_749 : i32
        %parallel_loop3A_751 = arith.index_cast %parallel_loop3A_750 : i32 to index
        %parallel_loop3A_752 = arith.constant 16 : index
        %parallel_loop3A_753 = tpu.vector_load %arg8[%parallel_loop3A_751, %parallel_loop3A_752] {strides = array<i32>} : memref<512x32xf32, #tpu.memory_space<vmem>>, vector<16xf32>,
        %parallel_loop3A_754 = arith.constant 0 : i32
        %parallel_loop3A_755 = arith.addi %parallel_loop3A_754, %parallel_loop3A_666 : i32
        %parallel_loop3A_756 = arith.constant 3 : i32
        %parallel_loop3A_757 = arith.addi %parallel_loop3A_755, %parallel_loop3A_756 : i32
        %parallel_loop3A_758 = arith.index_cast %parallel_loop3A_757 : i32 to index
        %parallel_loop3A_759 = arith.constant 16 : index
        %parallel_loop3A_760 = tpu.vector_load %arg8[%parallel_loop3A_758, %parallel_loop3A_759] {strides = array<i32>} : memref<512x32xf32, #tpu.memory_space<vmem>>, vector<16xf32>,
        %parallel_loop3A_761 = arith.constant 0 : i32
        %parallel_loop3A_762 = arith.addi %parallel_loop3A_761, %parallel_loop3A_666 : i32
        %parallel_loop3A_763 = arith.constant 4 : i32
        %parallel_loop3A_764 = arith.addi %parallel_loop3A_762, %parallel_loop3A_763 : i32
        %parallel_loop3A_765 = arith.index_cast %parallel_loop3A_764 : i32 to index
        %parallel_loop3A_766 = arith.constant 16 : index
        %parallel_loop3A_767 = tpu.vector_load %arg8[%parallel_loop3A_765, %parallel_loop3A_766] {strides = array<i32>} : memref<512x32xf32, #tpu.memory_space<vmem>>, vector<16xf32>,
        %parallel_loop3A_768 = arith.constant 0 : i32
        %parallel_loop3A_769 = arith.addi %parallel_loop3A_768, %parallel_loop3A_666 : i32
        %parallel_loop3A_770 = arith.constant 5 : i32
        %parallel_loop3A_771 = arith.addi %parallel_loop3A_769, %parallel_loop3A_770 : i32
        %parallel_loop3A_772 = arith.index_cast %parallel_loop3A_771 : i32 to index
        %parallel_loop3A_773 = arith.constant 16 : index
        %parallel_loop3A_774 = tpu.vector_load %arg8[%parallel_loop3A_772, %parallel_loop3A_773] {strides = array<i32>} : memref<512x32xf32, #tpu.memory_space<vmem>>, vector<16xf32>,
        %parallel_loop3A_775 = arith.constant 0 : i32
        %parallel_loop3A_776 = arith.addi %parallel_loop3A_775, %parallel_loop3A_666 : i32
        %parallel_loop3A_777 = arith.constant 6 : i32
        %parallel_loop3A_778 = arith.addi %parallel_loop3A_776, %parallel_loop3A_777 : i32
        %parallel_loop3A_779 = arith.index_cast %parallel_loop3A_778 : i32 to index
        %parallel_loop3A_780 = arith.constant 16 : index
        %parallel_loop3A_781 = tpu.vector_load %arg8[%parallel_loop3A_779, %parallel_loop3A_780] {strides = array<i32>} : memref<512x32xf32, #tpu.memory_space<vmem>>, vector<16xf32>,
        %parallel_loop3A_782 = arith.constant 0 : i32
        %parallel_loop3A_783 = arith.addi %parallel_loop3A_782, %parallel_loop3A_666 : i32
        %parallel_loop3A_784 = arith.constant 7 : i32
        %parallel_loop3A_785 = arith.addi %parallel_loop3A_783, %parallel_loop3A_784 : i32
        %parallel_loop3A_786 = arith.index_cast %parallel_loop3A_785 : i32 to index
        %parallel_loop3A_787 = arith.constant 16 : index
        %parallel_loop3A_788 = tpu.vector_load %arg8[%parallel_loop3A_786, %parallel_loop3A_787] {strides = array<i32>} : memref<512x32xf32, #tpu.memory_space<vmem>>, vector<16xf32>,
        %parallel_loop3A_789 = tpu.memref_slice %arg10[%parallel_loop3A_668] : memref<16528xf32, #tpu.memory_space<vmem>> -> memref<13208xf32, #tpu.memory_space<vmem>>
        tpu.vector_store_idx %parallel_loop3A_789[%add3A_171], %parallel_loop3A_739 : memref<13208xf32, #tpu.memory_space<vmem>>[vector<16xi32>], vector<16xf32>,
        %parallel_loop3A_790 = tpu.memref_slice %arg10[%parallel_loop3A_668] : memref<16528xf32, #tpu.memory_space<vmem>> -> memref<13208xf32, #tpu.memory_space<vmem>>
        tpu.vector_store_idx %parallel_loop3A_790[%add3A_190], %parallel_loop3A_746 : memref<13208xf32, #tpu.memory_space<vmem>>[vector<16xi32>], vector<16xf32>,
        %parallel_loop3A_791 = tpu.memref_slice %arg10[%parallel_loop3A_668] : memref<16528xf32, #tpu.memory_space<vmem>> -> memref<13208xf32, #tpu.memory_space<vmem>>
        tpu.vector_store_idx %parallel_loop3A_791[%add3A_209], %parallel_loop3A_753 : memref<13208xf32, #tpu.memory_space<vmem>>[vector<16xi32>], vector<16xf32>,
        %parallel_loop3A_792 = tpu.memref_slice %arg10[%parallel_loop3A_668] : memref<16528xf32, #tpu.memory_space<vmem>> -> memref<13208xf32, #tpu.memory_space<vmem>>
        tpu.vector_store_idx %parallel_loop3A_792[%add3A_228], %parallel_loop3A_760 : memref<13208xf32, #tpu.memory_space<vmem>>[vector<16xi32>], vector<16xf32>,
        %parallel_loop3A_793 = tpu.memref_slice %arg10[%parallel_loop3A_668] : memref<16528xf32, #tpu.memory_space<vmem>> -> memref<13208xf32, #tpu.memory_space<vmem>>
        tpu.vector_store_idx %parallel_loop3A_793[%add3A_247], %parallel_loop3A_767 : memref<13208xf32, #tpu.memory_space<vmem>>[vector<16xi32>], vector<16xf32>,
        %parallel_loop3A_794 = tpu.memref_slice %arg10[%parallel_loop3A_668] : memref<16528xf32, #tpu.memory_space<vmem>> -> memref<13208xf32, #tpu.memory_space<vmem>>
        tpu.vector_store_idx %parallel_loop3A_794[%add3A_266], %parallel_loop3A_774 : memref<13208xf32, #tpu.memory_space<vmem>>[vector<16xi32>], vector<16xf32>,
        %parallel_loop3A_795 = tpu.memref_slice %arg10[%parallel_loop3A_668] : memref<16528xf32, #tpu.memory_space<vmem>> -> memref<13208xf32, #tpu.memory_space<vmem>>
        tpu.vector_store_idx %parallel_loop3A_795[%add3A_285], %parallel_loop3A_781 : memref<13208xf32, #tpu.memory_space<vmem>>[vector<16xi32>], vector<16xf32>,
        %parallel_loop3A_796 = tpu.memref_slice %arg10[%parallel_loop3A_668] : memref<16528xf32, #tpu.memory_space<vmem>> -> memref<13208xf32, #tpu.memory_space<vmem>>
        tpu.vector_store_idx %parallel_loop3A_796[%add3A_304], %parallel_loop3A_788 : memref<13208xf32, #tpu.memory_space<vmem>>[vector<16xi32>], vector<16xf32>,
        %parallel_loop3A_797 = arith.constant 1024 : i32
        %parallel_loop3A_798 = arith.addi %parallel_loop3A_797, %parallel_loop3A_666 : i32
        %parallel_loop3A_799 = arith.constant 128 : i32
        %parallel_loop3A_800 = arith.addi %parallel_loop3A_799, %parallel_loop3A_666 : i32
        %parallel_loop3A_801 = arith.constant 0 : i32
        %parallel_loop3A_802 = arith.addi %parallel_loop3A_800, %parallel_loop3A_801 : i32
        %parallel_loop3A_803 = arith.index_cast %parallel_loop3A_802 : i32 to index
        %parallel_loop3A_804 = arith.constant 0 : index
        %parallel_loop3A_805 = tpu.vector_load %arg8[%parallel_loop3A_803, %parallel_loop3A_804] {strides = array<i32>} : memref<512x32xf32, #tpu.memory_space<vmem>>, vector<16xf32>,
        %parallel_loop3A_806 = arith.constant 128 : i32
        %parallel_loop3A_807 = arith.addi %parallel_loop3A_806, %parallel_loop3A_666 : i32
        %parallel_loop3A_808 = arith.constant 1 : i32
        %parallel_loop3A_809 = arith.addi %parallel_loop3A_807, %parallel_loop3A_808 : i32
        %parallel_loop3A_810 = arith.index_cast %parallel_loop3A_809 : i32 to index
        %parallel_loop3A_811 = arith.constant 0 : index
        %parallel_loop3A_812 = tpu.vector_load %arg8[%parallel_loop3A_810, %parallel_loop3A_811] {strides = array<i32>} : memref<512x32xf32, #tpu.memory_space<vmem>>, vector<16xf32>,
        %parallel_loop3A_813 = arith.constant 128 : i32
        %parallel_loop3A_814 = arith.addi %parallel_loop3A_813, %parallel_loop3A_666 : i32
        %parallel_loop3A_815 = arith.constant 2 : i32
        %parallel_loop3A_816 = arith.addi %parallel_loop3A_814, %parallel_loop3A_815 : i32
        %parallel_loop3A_817 = arith.index_cast %parallel_loop3A_816 : i32 to index
        %parallel_loop3A_818 = arith.constant 0 : index
        %parallel_loop3A_819 = tpu.vector_load %arg8[%parallel_loop3A_817, %parallel_loop3A_818] {strides = array<i32>} : memref<512x32xf32, #tpu.memory_space<vmem>>, vector<16xf32>,
        %parallel_loop3A_820 = arith.constant 128 : i32
        %parallel_loop3A_821 = arith.addi %parallel_loop3A_820, %parallel_loop3A_666 : i32
        %parallel_loop3A_822 = arith.constant 3 : i32
        %parallel_loop3A_823 = arith.addi %parallel_loop3A_821, %parallel_loop3A_822 : i32
        %parallel_loop3A_824 = arith.index_cast %parallel_loop3A_823 : i32 to index
        %parallel_loop3A_825 = arith.constant 0 : index
        %parallel_loop3A_826 = tpu.vector_load %arg8[%parallel_loop3A_824, %parallel_loop3A_825] {strides = array<i32>} : memref<512x32xf32, #tpu.memory_space<vmem>>, vector<16xf32>,
        %parallel_loop3A_827 = arith.constant 128 : i32
        %parallel_loop3A_828 = arith.addi %parallel_loop3A_827, %parallel_loop3A_666 : i32
        %parallel_loop3A_829 = arith.constant 4 : i32
        %parallel_loop3A_830 = arith.addi %parallel_loop3A_828, %parallel_loop3A_829 : i32
        %parallel_loop3A_831 = arith.index_cast %parallel_loop3A_830 : i32 to index
        %parallel_loop3A_832 = arith.constant 0 : index
        %parallel_loop3A_833 = tpu.vector_load %arg8[%parallel_loop3A_831, %parallel_loop3A_832] {strides = array<i32>} : memref<512x32xf32, #tpu.memory_space<vmem>>, vector<16xf32>,
        %parallel_loop3A_834 = arith.constant 128 : i32
        %parallel_loop3A_835 = arith.addi %parallel_loop3A_834, %parallel_loop3A_666 : i32
        %parallel_loop3A_836 = arith.constant 5 : i32
        %parallel_loop3A_837 = arith.addi %parallel_loop3A_835, %parallel_loop3A_836 : i32
        %parallel_loop3A_838 = arith.index_cast %parallel_loop3A_837 : i32 to index
        %parallel_loop3A_839 = arith.constant 0 : index
        %parallel_loop3A_840 = tpu.vector_load %arg8[%parallel_loop3A_838, %parallel_loop3A_839] {strides = array<i32>} : memref<512x32xf32, #tpu.memory_space<vmem>>, vector<16xf32>,
        %parallel_loop3A_841 = arith.constant 128 : i32
        %parallel_loop3A_842 = arith.addi %parallel_loop3A_841, %parallel_loop3A_666 : i32
        %parallel_loop3A_843 = arith.constant 6 : i32
        %parallel_loop3A_844 = arith.addi %parallel_loop3A_842, %parallel_loop3A_843 : i32
        %parallel_loop3A_845 = arith.index_cast %parallel_loop3A_844 : i32 to index
        %parallel_loop3A_846 = arith.constant 0 : index
        %parallel_loop3A_847 = tpu.vector_load %arg8[%parallel_loop3A_845, %parallel_loop3A_846] {strides = array<i32>} : memref<512x32xf32, #tpu.memory_space<vmem>>, vector<16xf32>,
        %parallel_loop3A_848 = arith.constant 128 : i32
        %parallel_loop3A_849 = arith.addi %parallel_loop3A_848, %parallel_loop3A_666 : i32
        %parallel_loop3A_850 = arith.constant 7 : i32
        %parallel_loop3A_851 = arith.addi %parallel_loop3A_849, %parallel_loop3A_850 : i32
        %parallel_loop3A_852 = arith.index_cast %parallel_loop3A_851 : i32 to index
        %parallel_loop3A_853 = arith.constant 0 : index
        %parallel_loop3A_854 = tpu.vector_load %arg8[%parallel_loop3A_852, %parallel_loop3A_853] {strides = array<i32>} : memref<512x32xf32, #tpu.memory_space<vmem>>, vector<16xf32>,
        %parallel_loop3A_855 = tpu.memref_slice %arg10[%parallel_loop3A_798] : memref<16528xf32, #tpu.memory_space<vmem>> -> memref<13208xf32, #tpu.memory_space<vmem>>
        tpu.vector_store_idx %parallel_loop3A_855[%add3A_19], %parallel_loop3A_805 : memref<13208xf32, #tpu.memory_space<vmem>>[vector<16xi32>], vector<16xf32>,
        %parallel_loop3A_856 = tpu.memref_slice %arg10[%parallel_loop3A_798] : memref<16528xf32, #tpu.memory_space<vmem>> -> memref<13208xf32, #tpu.memory_space<vmem>>
        tpu.vector_store_idx %parallel_loop3A_856[%add3A_38], %parallel_loop3A_812 : memref<13208xf32, #tpu.memory_space<vmem>>[vector<16xi32>], vector<16xf32>,
        %parallel_loop3A_857 = tpu.memref_slice %arg10[%parallel_loop3A_798] : memref<16528xf32, #tpu.memory_space<vmem>> -> memref<13208xf32, #tpu.memory_space<vmem>>
        tpu.vector_store_idx %parallel_loop3A_857[%add3A_57], %parallel_loop3A_819 : memref<13208xf32, #tpu.memory_space<vmem>>[vector<16xi32>], vector<16xf32>,
        %parallel_loop3A_858 = tpu.memref_slice %arg10[%parallel_loop3A_798] : memref<16528xf32, #tpu.memory_space<vmem>> -> memref<13208xf32, #tpu.memory_space<vmem>>
        tpu.vector_store_idx %parallel_loop3A_858[%add3A_76], %parallel_loop3A_826 : memref<13208xf32, #tpu.memory_space<vmem>>[vector<16xi32>], vector<16xf32>,
        %parallel_loop3A_859 = tpu.memref_slice %arg10[%parallel_loop3A_798] : memref<16528xf32, #tpu.memory_space<vmem>> -> memref<13208xf32, #tpu.memory_space<vmem>>
        tpu.vector_store_idx %parallel_loop3A_859[%add3A_95], %parallel_loop3A_833 : memref<13208xf32, #tpu.memory_space<vmem>>[vector<16xi32>], vector<16xf32>,
        %parallel_loop3A_860 = tpu.memref_slice %arg10[%parallel_loop3A_798] : memref<16528xf32, #tpu.memory_space<vmem>> -> memref<13208xf32, #tpu.memory_space<vmem>>
        tpu.vector_store_idx %parallel_loop3A_860[%add3A_114], %parallel_loop3A_840 : memref<13208xf32, #tpu.memory_space<vmem>>[vector<16xi32>], vector<16xf32>,
        %parallel_loop3A_861 = tpu.memref_slice %arg10[%parallel_loop3A_798] : memref<16528xf32, #tpu.memory_space<vmem>> -> memref<13208xf32, #tpu.memory_space<vmem>>
        tpu.vector_store_idx %parallel_loop3A_861[%add3A_133], %parallel_loop3A_847 : memref<13208xf32, #tpu.memory_space<vmem>>[vector<16xi32>], vector<16xf32>,
        %parallel_loop3A_862 = tpu.memref_slice %arg10[%parallel_loop3A_798] : memref<16528xf32, #tpu.memory_space<vmem>> -> memref<13208xf32, #tpu.memory_space<vmem>>
        tpu.vector_store_idx %parallel_loop3A_862[%add3A_152], %parallel_loop3A_854 : memref<13208xf32, #tpu.memory_space<vmem>>[vector<16xi32>], vector<16xf32>,
        %parallel_loop3A_863 = arith.constant 128 : i32
        %parallel_loop3A_864 = arith.addi %parallel_loop3A_863, %parallel_loop3A_666 : i32
        %parallel_loop3A_865 = arith.constant 0 : i32
        %parallel_loop3A_866 = arith.addi %parallel_loop3A_864, %parallel_loop3A_865 : i32
        %parallel_loop3A_867 = arith.index_cast %parallel_loop3A_866 : i32 to index
        %parallel_loop3A_868 = arith.constant 16 : index
        %parallel_loop3A_869 = tpu.vector_load %arg8[%parallel_loop3A_867, %parallel_loop3A_868] {strides = array<i32>} : memref<512x32xf32, #tpu.memory_space<vmem>>, vector<16xf32>,
        %parallel_loop3A_870 = arith.constant 128 : i32
        %parallel_loop3A_871 = arith.addi %parallel_loop3A_870, %parallel_loop3A_666 : i32
        %parallel_loop3A_872 = arith.constant 1 : i32
        %parallel_loop3A_873 = arith.addi %parallel_loop3A_871, %parallel_loop3A_872 : i32
        %parallel_loop3A_874 = arith.index_cast %parallel_loop3A_873 : i32 to index
        %parallel_loop3A_875 = arith.constant 16 : index
        %parallel_loop3A_876 = tpu.vector_load %arg8[%parallel_loop3A_874, %parallel_loop3A_875] {strides = array<i32>} : memref<512x32xf32, #tpu.memory_space<vmem>>, vector<16xf32>,
        %parallel_loop3A_877 = arith.constant 128 : i32
        %parallel_loop3A_878 = arith.addi %parallel_loop3A_877, %parallel_loop3A_666 : i32
        %parallel_loop3A_879 = arith.constant 2 : i32
        %parallel_loop3A_880 = arith.addi %parallel_loop3A_878, %parallel_loop3A_879 : i32
        %parallel_loop3A_881 = arith.index_cast %parallel_loop3A_880 : i32 to index
        %parallel_loop3A_882 = arith.constant 16 : index
        %parallel_loop3A_883 = tpu.vector_load %arg8[%parallel_loop3A_881, %parallel_loop3A_882] {strides = array<i32>} : memref<512x32xf32, #tpu.memory_space<vmem>>, vector<16xf32>,
        %parallel_loop3A_884 = arith.constant 128 : i32
        %parallel_loop3A_885 = arith.addi %parallel_loop3A_884, %parallel_loop3A_666 : i32
        %parallel_loop3A_886 = arith.constant 3 : i32
        %parallel_loop3A_887 = arith.addi %parallel_loop3A_885, %parallel_loop3A_886 : i32
        %parallel_loop3A_888 = arith.index_cast %parallel_loop3A_887 : i32 to index
        %parallel_loop3A_889 = arith.constant 16 : index
        %parallel_loop3A_890 = tpu.vector_load %arg8[%parallel_loop3A_888, %parallel_loop3A_889] {strides = array<i32>} : memref<512x32xf32, #tpu.memory_space<vmem>>, vector<16xf32>,
        %parallel_loop3A_891 = arith.constant 128 : i32
        %parallel_loop3A_892 = arith.addi %parallel_loop3A_891, %parallel_loop3A_666 : i32
        %parallel_loop3A_893 = arith.constant 4 : i32
        %parallel_loop3A_894 = arith.addi %parallel_loop3A_892, %parallel_loop3A_893 : i32
        %parallel_loop3A_895 = arith.index_cast %parallel_loop3A_894 : i32 to index
        %parallel_loop3A_896 = arith.constant 16 : index
        %parallel_loop3A_897 = tpu.vector_load %arg8[%parallel_loop3A_895, %parallel_loop3A_896] {strides = array<i32>} : memref<512x32xf32, #tpu.memory_space<vmem>>, vector<16xf32>,
        %parallel_loop3A_898 = arith.constant 128 : i32
        %parallel_loop3A_899 = arith.addi %parallel_loop3A_898, %parallel_loop3A_666 : i32
        %parallel_loop3A_900 = arith.constant 5 : i32
        %parallel_loop3A_901 = arith.addi %parallel_loop3A_899, %parallel_loop3A_900 : i32
        %parallel_loop3A_902 = arith.index_cast %parallel_loop3A_901 : i32 to index
        %parallel_loop3A_903 = arith.constant 16 : index
        %parallel_loop3A_904 = tpu.vector_load %arg8[%parallel_loop3A_902, %parallel_loop3A_903] {strides = array<i32>} : memref<512x32xf32, #tpu.memory_space<vmem>>, vector<16xf32>,
        %parallel_loop3A_905 = arith.constant 128 : i32
        %parallel_loop3A_906 = arith.addi %parallel_loop3A_905, %parallel_loop3A_666 : i32
        %parallel_loop3A_907 = arith.constant 6 : i32
        %parallel_loop3A_908 = arith.addi %parallel_loop3A_906, %parallel_loop3A_907 : i32
        %parallel_loop3A_909 = arith.index_cast %parallel_loop3A_908 : i32 to index
        %parallel_loop3A_910 = arith.constant 16 : index
        %parallel_loop3A_911 = tpu.vector_load %arg8[%parallel_loop3A_909, %parallel_loop3A_910] {strides = array<i32>} : memref<512x32xf32, #tpu.memory_space<vmem>>, vector<16xf32>,
        %parallel_loop3A_912 = arith.constant 128 : i32
        %parallel_loop3A_913 = arith.addi %parallel_loop3A_912, %parallel_loop3A_666 : i32
        %parallel_loop3A_914 = arith.constant 7 : i32
        %parallel_loop3A_915 = arith.addi %parallel_loop3A_913, %parallel_loop3A_914 : i32
        %parallel_loop3A_916 = arith.index_cast %parallel_loop3A_915 : i32 to index
        %parallel_loop3A_917 = arith.constant 16 : index
        %parallel_loop3A_918 = tpu.vector_load %arg8[%parallel_loop3A_916, %parallel_loop3A_917] {strides = array<i32>} : memref<512x32xf32, #tpu.memory_space<vmem>>, vector<16xf32>,
        %parallel_loop3A_919 = tpu.memref_slice %arg10[%parallel_loop3A_798] : memref<16528xf32, #tpu.memory_space<vmem>> -> memref<13208xf32, #tpu.memory_space<vmem>>
        tpu.vector_store_idx %parallel_loop3A_919[%add3A_171], %parallel_loop3A_869 : memref<13208xf32, #tpu.memory_space<vmem>>[vector<16xi32>], vector<16xf32>,
        %parallel_loop3A_920 = tpu.memref_slice %arg10[%parallel_loop3A_798] : memref<16528xf32, #tpu.memory_space<vmem>> -> memref<13208xf32, #tpu.memory_space<vmem>>
        tpu.vector_store_idx %parallel_loop3A_920[%add3A_190], %parallel_loop3A_876 : memref<13208xf32, #tpu.memory_space<vmem>>[vector<16xi32>], vector<16xf32>,
        %parallel_loop3A_921 = tpu.memref_slice %arg10[%parallel_loop3A_798] : memref<16528xf32, #tpu.memory_space<vmem>> -> memref<13208xf32, #tpu.memory_space<vmem>>
        tpu.vector_store_idx %parallel_loop3A_921[%add3A_209], %parallel_loop3A_883 : memref<13208xf32, #tpu.memory_space<vmem>>[vector<16xi32>], vector<16xf32>,
        %parallel_loop3A_922 = tpu.memref_slice %arg10[%parallel_loop3A_798] : memref<16528xf32, #tpu.memory_space<vmem>> -> memref<13208xf32, #tpu.memory_space<vmem>>
        tpu.vector_store_idx %parallel_loop3A_922[%add3A_228], %parallel_loop3A_890 : memref<13208xf32, #tpu.memory_space<vmem>>[vector<16xi32>], vector<16xf32>,
        %parallel_loop3A_923 = tpu.memref_slice %arg10[%parallel_loop3A_798] : memref<16528xf32, #tpu.memory_space<vmem>> -> memref<13208xf32, #tpu.memory_space<vmem>>
        tpu.vector_store_idx %parallel_loop3A_923[%add3A_247], %parallel_loop3A_897 : memref<13208xf32, #tpu.memory_space<vmem>>[vector<16xi32>], vector<16xf32>,
        %parallel_loop3A_924 = tpu.memref_slice %arg10[%parallel_loop3A_798] : memref<16528xf32, #tpu.memory_space<vmem>> -> memref<13208xf32, #tpu.memory_space<vmem>>
        tpu.vector_store_idx %parallel_loop3A_924[%add3A_266], %parallel_loop3A_904 : memref<13208xf32, #tpu.memory_space<vmem>>[vector<16xi32>], vector<16xf32>,
        %parallel_loop3A_925 = tpu.memref_slice %arg10[%parallel_loop3A_798] : memref<16528xf32, #tpu.memory_space<vmem>> -> memref<13208xf32, #tpu.memory_space<vmem>>
        tpu.vector_store_idx %parallel_loop3A_925[%add3A_285], %parallel_loop3A_911 : memref<13208xf32, #tpu.memory_space<vmem>>[vector<16xi32>], vector<16xf32>,
        %parallel_loop3A_926 = tpu.memref_slice %arg10[%parallel_loop3A_798] : memref<16528xf32, #tpu.memory_space<vmem>> -> memref<13208xf32, #tpu.memory_space<vmem>>
        tpu.vector_store_idx %parallel_loop3A_926[%add3A_304], %parallel_loop3A_918 : memref<13208xf32, #tpu.memory_space<vmem>>[vector<16xi32>], vector<16xf32>,
        %parallel_loop3A_927 = arith.constant 2048 : i32
        %parallel_loop3A_928 = arith.addi %parallel_loop3A_927, %parallel_loop3A_666 : i32
        %parallel_loop3A_929 = arith.constant 256 : i32
        %parallel_loop3A_930 = arith.addi %parallel_loop3A_929, %parallel_loop3A_666 : i32
        %parallel_loop3A_931 = arith.constant 0 : i32
        %parallel_loop3A_932 = arith.addi %parallel_loop3A_930, %parallel_loop3A_931 : i32
        %parallel_loop3A_933 = arith.index_cast %parallel_loop3A_932 : i32 to index
        %parallel_loop3A_934 = arith.constant 0 : index
        %parallel_loop3A_935 = tpu.vector_load %arg8[%parallel_loop3A_933, %parallel_loop3A_934] {strides = array<i32>} : memref<512x32xf32, #tpu.memory_space<vmem>>, vector<16xf32>,
        %parallel_loop3A_936 = arith.constant 256 : i32
        %parallel_loop3A_937 = arith.addi %parallel_loop3A_936, %parallel_loop3A_666 : i32
        %parallel_loop3A_938 = arith.constant 1 : i32
        %parallel_loop3A_939 = arith.addi %parallel_loop3A_937, %parallel_loop3A_938 : i32
        %parallel_loop3A_940 = arith.index_cast %parallel_loop3A_939 : i32 to index
        %parallel_loop3A_941 = arith.constant 0 : index
        %parallel_loop3A_942 = tpu.vector_load %arg8[%parallel_loop3A_940, %parallel_loop3A_941] {strides = array<i32>} : memref<512x32xf32, #tpu.memory_space<vmem>>, vector<16xf32>,
        %parallel_loop3A_943 = arith.constant 256 : i32
        %parallel_loop3A_944 = arith.addi %parallel_loop3A_943, %parallel_loop3A_666 : i32
        %parallel_loop3A_945 = arith.constant 2 : i32
        %parallel_loop3A_946 = arith.addi %parallel_loop3A_944, %parallel_loop3A_945 : i32
        %parallel_loop3A_947 = arith.index_cast %parallel_loop3A_946 : i32 to index
        %parallel_loop3A_948 = arith.constant 0 : index
        %parallel_loop3A_949 = tpu.vector_load %arg8[%parallel_loop3A_947, %parallel_loop3A_948] {strides = array<i32>} : memref<512x32xf32, #tpu.memory_space<vmem>>, vector<16xf32>,
        %parallel_loop3A_950 = arith.constant 256 : i32
        %parallel_loop3A_951 = arith.addi %parallel_loop3A_950, %parallel_loop3A_666 : i32
        %parallel_loop3A_952 = arith.constant 3 : i32
        %parallel_loop3A_953 = arith.addi %parallel_loop3A_951, %parallel_loop3A_952 : i32
        %parallel_loop3A_954 = arith.index_cast %parallel_loop3A_953 : i32 to index
        %parallel_loop3A_955 = arith.constant 0 : index
        %parallel_loop3A_956 = tpu.vector_load %arg8[%parallel_loop3A_954, %parallel_loop3A_955] {strides = array<i32>} : memref<512x32xf32, #tpu.memory_space<vmem>>, vector<16xf32>,
        %parallel_loop3A_957 = arith.constant 256 : i32
        %parallel_loop3A_958 = arith.addi %parallel_loop3A_957, %parallel_loop3A_666 : i32
        %parallel_loop3A_959 = arith.constant 4 : i32
        %parallel_loop3A_960 = arith.addi %parallel_loop3A_958, %parallel_loop3A_959 : i32
        %parallel_loop3A_961 = arith.index_cast %parallel_loop3A_960 : i32 to index
        %parallel_loop3A_962 = arith.constant 0 : index
        %parallel_loop3A_963 = tpu.vector_load %arg8[%parallel_loop3A_961, %parallel_loop3A_962] {strides = array<i32>} : memref<512x32xf32, #tpu.memory_space<vmem>>, vector<16xf32>,
        %parallel_loop3A_964 = arith.constant 256 : i32
        %parallel_loop3A_965 = arith.addi %parallel_loop3A_964, %parallel_loop3A_666 : i32
        %parallel_loop3A_966 = arith.constant 5 : i32
        %parallel_loop3A_967 = arith.addi %parallel_loop3A_965, %parallel_loop3A_966 : i32
        %parallel_loop3A_968 = arith.index_cast %parallel_loop3A_967 : i32 to index
        %parallel_loop3A_969 = arith.constant 0 : index
        %parallel_loop3A_970 = tpu.vector_load %arg8[%parallel_loop3A_968, %parallel_loop3A_969] {strides = array<i32>} : memref<512x32xf32, #tpu.memory_space<vmem>>, vector<16xf32>,
        %parallel_loop3A_971 = arith.constant 256 : i32
        %parallel_loop3A_972 = arith.addi %parallel_loop3A_971, %parallel_loop3A_666 : i32
        %parallel_loop3A_973 = arith.constant 6 : i32
        %parallel_loop3A_974 = arith.addi %parallel_loop3A_972, %parallel_loop3A_973 : i32
        %parallel_loop3A_975 = arith.index_cast %parallel_loop3A_974 : i32 to index
        %parallel_loop3A_976 = arith.constant 0 : index
        %parallel_loop3A_977 = tpu.vector_load %arg8[%parallel_loop3A_975, %parallel_loop3A_976] {strides = array<i32>} : memref<512x32xf32, #tpu.memory_space<vmem>>, vector<16xf32>,
        %parallel_loop3A_978 = arith.constant 256 : i32
        %parallel_loop3A_979 = arith.addi %parallel_loop3A_978, %parallel_loop3A_666 : i32
        %parallel_loop3A_980 = arith.constant 7 : i32
        %parallel_loop3A_981 = arith.addi %parallel_loop3A_979, %parallel_loop3A_980 : i32
        %parallel_loop3A_982 = arith.index_cast %parallel_loop3A_981 : i32 to index
        %parallel_loop3A_983 = arith.constant 0 : index
        %parallel_loop3A_984 = tpu.vector_load %arg8[%parallel_loop3A_982, %parallel_loop3A_983] {strides = array<i32>} : memref<512x32xf32, #tpu.memory_space<vmem>>, vector<16xf32>,
        %parallel_loop3A_985 = tpu.memref_slice %arg10[%parallel_loop3A_928] : memref<16528xf32, #tpu.memory_space<vmem>> -> memref<13208xf32, #tpu.memory_space<vmem>>
        tpu.vector_store_idx %parallel_loop3A_985[%add3A_19], %parallel_loop3A_935 : memref<13208xf32, #tpu.memory_space<vmem>>[vector<16xi32>], vector<16xf32>,
        %parallel_loop3A_986 = tpu.memref_slice %arg10[%parallel_loop3A_928] : memref<16528xf32, #tpu.memory_space<vmem>> -> memref<13208xf32, #tpu.memory_space<vmem>>
        tpu.vector_store_idx %parallel_loop3A_986[%add3A_38], %parallel_loop3A_942 : memref<13208xf32, #tpu.memory_space<vmem>>[vector<16xi32>], vector<16xf32>,
        %parallel_loop3A_987 = tpu.memref_slice %arg10[%parallel_loop3A_928] : memref<16528xf32, #tpu.memory_space<vmem>> -> memref<13208xf32, #tpu.memory_space<vmem>>
        tpu.vector_store_idx %parallel_loop3A_987[%add3A_57], %parallel_loop3A_949 : memref<13208xf32, #tpu.memory_space<vmem>>[vector<16xi32>], vector<16xf32>,
        %parallel_loop3A_988 = tpu.memref_slice %arg10[%parallel_loop3A_928] : memref<16528xf32, #tpu.memory_space<vmem>> -> memref<13208xf32, #tpu.memory_space<vmem>>
        tpu.vector_store_idx %parallel_loop3A_988[%add3A_76], %parallel_loop3A_956 : memref<13208xf32, #tpu.memory_space<vmem>>[vector<16xi32>], vector<16xf32>,
        %parallel_loop3A_989 = tpu.memref_slice %arg10[%parallel_loop3A_928] : memref<16528xf32, #tpu.memory_space<vmem>> -> memref<13208xf32, #tpu.memory_space<vmem>>
        tpu.vector_store_idx %parallel_loop3A_989[%add3A_95], %parallel_loop3A_963 : memref<13208xf32, #tpu.memory_space<vmem>>[vector<16xi32>], vector<16xf32>,
        %parallel_loop3A_990 = tpu.memref_slice %arg10[%parallel_loop3A_928] : memref<16528xf32, #tpu.memory_space<vmem>> -> memref<13208xf32, #tpu.memory_space<vmem>>
        tpu.vector_store_idx %parallel_loop3A_990[%add3A_114], %parallel_loop3A_970 : memref<13208xf32, #tpu.memory_space<vmem>>[vector<16xi32>], vector<16xf32>,
        %parallel_loop3A_991 = tpu.memref_slice %arg10[%parallel_loop3A_928] : memref<16528xf32, #tpu.memory_space<vmem>> -> memref<13208xf32, #tpu.memory_space<vmem>>
        tpu.vector_store_idx %parallel_loop3A_991[%add3A_133], %parallel_loop3A_977 : memref<13208xf32, #tpu.memory_space<vmem>>[vector<16xi32>], vector<16xf32>,
        %parallel_loop3A_992 = tpu.memref_slice %arg10[%parallel_loop3A_928] : memref<16528xf32, #tpu.memory_space<vmem>> -> memref<13208xf32, #tpu.memory_space<vmem>>
        tpu.vector_store_idx %parallel_loop3A_992[%add3A_152], %parallel_loop3A_984 : memref<13208xf32, #tpu.memory_space<vmem>>[vector<16xi32>], vector<16xf32>,
        %parallel_loop3A_993 = arith.constant 256 : i32
        %parallel_loop3A_994 = arith.addi %parallel_loop3A_993, %parallel_loop3A_666 : i32
        %parallel_loop3A_995 = arith.constant 0 : i32
        %parallel_loop3A_996 = arith.addi %parallel_loop3A_994, %parallel_loop3A_995 : i32
        %parallel_loop3A_997 = arith.index_cast %parallel_loop3A_996 : i32 to index
        %parallel_loop3A_998 = arith.constant 16 : index
        %parallel_loop3A_999 = tpu.vector_load %arg8[%parallel_loop3A_997, %parallel_loop3A_998] {strides = array<i32>} : memref<512x32xf32, #tpu.memory_space<vmem>>, vector<16xf32>,
        %parallel_loop3A_1000 = arith.constant 256 : i32
        %parallel_loop3A_1001 = arith.addi %parallel_loop3A_1000, %parallel_loop3A_666 : i32
        %parallel_loop3A_1002 = arith.constant 1 : i32
        %parallel_loop3A_1003 = arith.addi %parallel_loop3A_1001, %parallel_loop3A_1002 : i32
        %parallel_loop3A_1004 = arith.index_cast %parallel_loop3A_1003 : i32 to index
        %parallel_loop3A_1005 = arith.constant 16 : index
        %parallel_loop3A_1006 = tpu.vector_load %arg8[%parallel_loop3A_1004, %parallel_loop3A_1005] {strides = array<i32>} : memref<512x32xf32, #tpu.memory_space<vmem>>, vector<16xf32>,
        %parallel_loop3A_1007 = arith.constant 256 : i32
        %parallel_loop3A_1008 = arith.addi %parallel_loop3A_1007, %parallel_loop3A_666 : i32
        %parallel_loop3A_1009 = arith.constant 2 : i32
        %parallel_loop3A_1010 = arith.addi %parallel_loop3A_1008, %parallel_loop3A_1009 : i32
        %parallel_loop3A_1011 = arith.index_cast %parallel_loop3A_1010 : i32 to index
        %parallel_loop3A_1012 = arith.constant 16 : index
        %parallel_loop3A_1013 = tpu.vector_load %arg8[%parallel_loop3A_1011, %parallel_loop3A_1012] {strides = array<i32>} : memref<512x32xf32, #tpu.memory_space<vmem>>, vector<16xf32>,
        %parallel_loop3A_1014 = arith.constant 256 : i32
        %parallel_loop3A_1015 = arith.addi %parallel_loop3A_1014, %parallel_loop3A_666 : i32
        %parallel_loop3A_1016 = arith.constant 3 : i32
        %parallel_loop3A_1017 = arith.addi %parallel_loop3A_1015, %parallel_loop3A_1016 : i32
        %parallel_loop3A_1018 = arith.index_cast %parallel_loop3A_1017 : i32 to index
        %parallel_loop3A_1019 = arith.constant 16 : index
        %parallel_loop3A_1020 = tpu.vector_load %arg8[%parallel_loop3A_1018, %parallel_loop3A_1019] {strides = array<i32>} : memref<512x32xf32, #tpu.memory_space<vmem>>, vector<16xf32>,
        %parallel_loop3A_1021 = arith.constant 256 : i32
        %parallel_loop3A_1022 = arith.addi %parallel_loop3A_1021, %parallel_loop3A_666 : i32
        %parallel_loop3A_1023 = arith.constant 4 : i32
        %parallel_loop3A_1024 = arith.addi %parallel_loop3A_1022, %parallel_loop3A_1023 : i32
        %parallel_loop3A_1025 = arith.index_cast %parallel_loop3A_1024 : i32 to index
        %parallel_loop3A_1026 = arith.constant 16 : index
        %parallel_loop3A_1027 = tpu.vector_load %arg8[%parallel_loop3A_1025, %parallel_loop3A_1026] {strides = array<i32>} : memref<512x32xf32, #tpu.memory_space<vmem>>, vector<16xf32>,
        %parallel_loop3A_1028 = arith.constant 256 : i32
        %parallel_loop3A_1029 = arith.addi %parallel_loop3A_1028, %parallel_loop3A_666 : i32
        %parallel_loop3A_1030 = arith.constant 5 : i32
        %parallel_loop3A_1031 = arith.addi %parallel_loop3A_1029, %parallel_loop3A_1030 : i32
        %parallel_loop3A_1032 = arith.index_cast %parallel_loop3A_1031 : i32 to index
        %parallel_loop3A_1033 = arith.constant 16 : index
        %parallel_loop3A_1034 = tpu.vector_load %arg8[%parallel_loop3A_1032, %parallel_loop3A_1033] {strides = array<i32>} : memref<512x32xf32, #tpu.memory_space<vmem>>, vector<16xf32>,
        %parallel_loop3A_1035 = arith.constant 256 : i32
        %parallel_loop3A_1036 = arith.addi %parallel_loop3A_1035, %parallel_loop3A_666 : i32
        %parallel_loop3A_1037 = arith.constant 6 : i32
        %parallel_loop3A_1038 = arith.addi %parallel_loop3A_1036, %parallel_loop3A_1037 : i32
        %parallel_loop3A_1039 = arith.index_cast %parallel_loop3A_1038 : i32 to index
        %parallel_loop3A_1040 = arith.constant 16 : index
        %parallel_loop3A_1041 = tpu.vector_load %arg8[%parallel_loop3A_1039, %parallel_loop3A_1040] {strides = array<i32>} : memref<512x32xf32, #tpu.memory_space<vmem>>, vector<16xf32>,
        %parallel_loop3A_1042 = arith.constant 256 : i32
        %parallel_loop3A_1043 = arith.addi %parallel_loop3A_1042, %parallel_loop3A_666 : i32
        %parallel_loop3A_1044 = arith.constant 7 : i32
        %parallel_loop3A_1045 = arith.addi %parallel_loop3A_1043, %parallel_loop3A_1044 : i32
        %parallel_loop3A_1046 = arith.index_cast %parallel_loop3A_1045 : i32 to index
        %parallel_loop3A_1047 = arith.constant 16 : index
        %parallel_loop3A_1048 = tpu.vector_load %arg8[%parallel_loop3A_1046, %parallel_loop3A_1047] {strides = array<i32>} : memref<512x32xf32, #tpu.memory_space<vmem>>, vector<16xf32>,
        %parallel_loop3A_1049 = tpu.memref_slice %arg10[%parallel_loop3A_928] : memref<16528xf32, #tpu.memory_space<vmem>> -> memref<13208xf32, #tpu.memory_space<vmem>>
        tpu.vector_store_idx %parallel_loop3A_1049[%add3A_171], %parallel_loop3A_999 : memref<13208xf32, #tpu.memory_space<vmem>>[vector<16xi32>], vector<16xf32>,
        %parallel_loop3A_1050 = tpu.memref_slice %arg10[%parallel_loop3A_928] : memref<16528xf32, #tpu.memory_space<vmem>> -> memref<13208xf32, #tpu.memory_space<vmem>>
        tpu.vector_store_idx %parallel_loop3A_1050[%add3A_190], %parallel_loop3A_1006 : memref<13208xf32, #tpu.memory_space<vmem>>[vector<16xi32>], vector<16xf32>,
        %parallel_loop3A_1051 = tpu.memref_slice %arg10[%parallel_loop3A_928] : memref<16528xf32, #tpu.memory_space<vmem>> -> memref<13208xf32, #tpu.memory_space<vmem>>
        tpu.vector_store_idx %parallel_loop3A_1051[%add3A_209], %parallel_loop3A_1013 : memref<13208xf32, #tpu.memory_space<vmem>>[vector<16xi32>], vector<16xf32>,
        %parallel_loop3A_1052 = tpu.memref_slice %arg10[%parallel_loop3A_928] : memref<16528xf32, #tpu.memory_space<vmem>> -> memref<13208xf32, #tpu.memory_space<vmem>>
        tpu.vector_store_idx %parallel_loop3A_1052[%add3A_228], %parallel_loop3A_1020 : memref<13208xf32, #tpu.memory_space<vmem>>[vector<16xi32>], vector<16xf32>,
        %parallel_loop3A_1053 = tpu.memref_slice %arg10[%parallel_loop3A_928] : memref<16528xf32, #tpu.memory_space<vmem>> -> memref<13208xf32, #tpu.memory_space<vmem>>
        tpu.vector_store_idx %parallel_loop3A_1053[%add3A_247], %parallel_loop3A_1027 : memref<13208xf32, #tpu.memory_space<vmem>>[vector<16xi32>], vector<16xf32>,
        %parallel_loop3A_1054 = tpu.memref_slice %arg10[%parallel_loop3A_928] : memref<16528xf32, #tpu.memory_space<vmem>> -> memref<13208xf32, #tpu.memory_space<vmem>>
        tpu.vector_store_idx %parallel_loop3A_1054[%add3A_266], %parallel_loop3A_1034 : memref<13208xf32, #tpu.memory_space<vmem>>[vector<16xi32>], vector<16xf32>,
        %parallel_loop3A_1055 = tpu.memref_slice %arg10[%parallel_loop3A_928] : memref<16528xf32, #tpu.memory_space<vmem>> -> memref<13208xf32, #tpu.memory_space<vmem>>
        tpu.vector_store_idx %parallel_loop3A_1055[%add3A_285], %parallel_loop3A_1041 : memref<13208xf32, #tpu.memory_space<vmem>>[vector<16xi32>], vector<16xf32>,
        %parallel_loop3A_1056 = tpu.memref_slice %arg10[%parallel_loop3A_928] : memref<16528xf32, #tpu.memory_space<vmem>> -> memref<13208xf32, #tpu.memory_space<vmem>>
        tpu.vector_store_idx %parallel_loop3A_1056[%add3A_304], %parallel_loop3A_1048 : memref<13208xf32, #tpu.memory_space<vmem>>[vector<16xi32>], vector<16xf32>,
        %parallel_loop3A_1057 = arith.constant 3072 : i32
        %parallel_loop3A_1058 = arith.addi %parallel_loop3A_1057, %parallel_loop3A_666 : i32
        %parallel_loop3A_1059 = arith.constant 384 : i32
        %parallel_loop3A_1060 = arith.addi %parallel_loop3A_1059, %parallel_loop3A_666 : i32
        %parallel_loop3A_1061 = arith.constant 0 : i32
        %parallel_loop3A_1062 = arith.addi %parallel_loop3A_1060, %parallel_loop3A_1061 : i32
        %parallel_loop3A_1063 = arith.index_cast %parallel_loop3A_1062 : i32 to index
        %parallel_loop3A_1064 = arith.constant 0 : index
        %parallel_loop3A_1065 = tpu.vector_load %arg8[%parallel_loop3A_1063, %parallel_loop3A_1064] {strides = array<i32>} : memref<512x32xf32, #tpu.memory_space<vmem>>, vector<16xf32>,
        %parallel_loop3A_1066 = arith.constant 384 : i32
        %parallel_loop3A_1067 = arith.addi %parallel_loop3A_1066, %parallel_loop3A_666 : i32
        %parallel_loop3A_1068 = arith.constant 1 : i32
        %parallel_loop3A_1069 = arith.addi %parallel_loop3A_1067, %parallel_loop3A_1068 : i32
        %parallel_loop3A_1070 = arith.index_cast %parallel_loop3A_1069 : i32 to index
        %parallel_loop3A_1071 = arith.constant 0 : index
        %parallel_loop3A_1072 = tpu.vector_load %arg8[%parallel_loop3A_1070, %parallel_loop3A_1071] {strides = array<i32>} : memref<512x32xf32, #tpu.memory_space<vmem>>, vector<16xf32>,
        %parallel_loop3A_1073 = arith.constant 384 : i32
        %parallel_loop3A_1074 = arith.addi %parallel_loop3A_1073, %parallel_loop3A_666 : i32
        %parallel_loop3A_1075 = arith.constant 2 : i32
        %parallel_loop3A_1076 = arith.addi %parallel_loop3A_1074, %parallel_loop3A_1075 : i32
        %parallel_loop3A_1077 = arith.index_cast %parallel_loop3A_1076 : i32 to index
        %parallel_loop3A_1078 = arith.constant 0 : index
        %parallel_loop3A_1079 = tpu.vector_load %arg8[%parallel_loop3A_1077, %parallel_loop3A_1078] {strides = array<i32>} : memref<512x32xf32, #tpu.memory_space<vmem>>, vector<16xf32>,
        %parallel_loop3A_1080 = arith.constant 384 : i32
        %parallel_loop3A_1081 = arith.addi %parallel_loop3A_1080, %parallel_loop3A_666 : i32
        %parallel_loop3A_1082 = arith.constant 3 : i32
        %parallel_loop3A_1083 = arith.addi %parallel_loop3A_1081, %parallel_loop3A_1082 : i32
        %parallel_loop3A_1084 = arith.index_cast %parallel_loop3A_1083 : i32 to index
        %parallel_loop3A_1085 = arith.constant 0 : index
        %parallel_loop3A_1086 = tpu.vector_load %arg8[%parallel_loop3A_1084, %parallel_loop3A_1085] {strides = array<i32>} : memref<512x32xf32, #tpu.memory_space<vmem>>, vector<16xf32>,
        %parallel_loop3A_1087 = arith.constant 384 : i32
        %parallel_loop3A_1088 = arith.addi %parallel_loop3A_1087, %parallel_loop3A_666 : i32
        %parallel_loop3A_1089 = arith.constant 4 : i32
        %parallel_loop3A_1090 = arith.addi %parallel_loop3A_1088, %parallel_loop3A_1089 : i32
        %parallel_loop3A_1091 = arith.index_cast %parallel_loop3A_1090 : i32 to index
        %parallel_loop3A_1092 = arith.constant 0 : index
        %parallel_loop3A_1093 = tpu.vector_load %arg8[%parallel_loop3A_1091, %parallel_loop3A_1092] {strides = array<i32>} : memref<512x32xf32, #tpu.memory_space<vmem>>, vector<16xf32>,
        %parallel_loop3A_1094 = arith.constant 384 : i32
        %parallel_loop3A_1095 = arith.addi %parallel_loop3A_1094, %parallel_loop3A_666 : i32
        %parallel_loop3A_1096 = arith.constant 5 : i32
        %parallel_loop3A_1097 = arith.addi %parallel_loop3A_1095, %parallel_loop3A_1096 : i32
        %parallel_loop3A_1098 = arith.index_cast %parallel_loop3A_1097 : i32 to index
        %parallel_loop3A_1099 = arith.constant 0 : index
        %parallel_loop3A_1100 = tpu.vector_load %arg8[%parallel_loop3A_1098, %parallel_loop3A_1099] {strides = array<i32>} : memref<512x32xf32, #tpu.memory_space<vmem>>, vector<16xf32>,
        %parallel_loop3A_1101 = arith.constant 384 : i32
        %parallel_loop3A_1102 = arith.addi %parallel_loop3A_1101, %parallel_loop3A_666 : i32
        %parallel_loop3A_1103 = arith.constant 6 : i32
        %parallel_loop3A_1104 = arith.addi %parallel_loop3A_1102, %parallel_loop3A_1103 : i32
        %parallel_loop3A_1105 = arith.index_cast %parallel_loop3A_1104 : i32 to index
        %parallel_loop3A_1106 = arith.constant 0 : index
        %parallel_loop3A_1107 = tpu.vector_load %arg8[%parallel_loop3A_1105, %parallel_loop3A_1106] {strides = array<i32>} : memref<512x32xf32, #tpu.memory_space<vmem>>, vector<16xf32>,
        %parallel_loop3A_1108 = arith.constant 384 : i32
        %parallel_loop3A_1109 = arith.addi %parallel_loop3A_1108, %parallel_loop3A_666 : i32
        %parallel_loop3A_1110 = arith.constant 7 : i32
        %parallel_loop3A_1111 = arith.addi %parallel_loop3A_1109, %parallel_loop3A_1110 : i32
        %parallel_loop3A_1112 = arith.index_cast %parallel_loop3A_1111 : i32 to index
        %parallel_loop3A_1113 = arith.constant 0 : index
        %parallel_loop3A_1114 = tpu.vector_load %arg8[%parallel_loop3A_1112, %parallel_loop3A_1113] {strides = array<i32>} : memref<512x32xf32, #tpu.memory_space<vmem>>, vector<16xf32>,
        %parallel_loop3A_1115 = tpu.memref_slice %arg10[%parallel_loop3A_1058] : memref<16528xf32, #tpu.memory_space<vmem>> -> memref<13208xf32, #tpu.memory_space<vmem>>
        tpu.vector_store_idx %parallel_loop3A_1115[%add3A_19], %parallel_loop3A_1065 : memref<13208xf32, #tpu.memory_space<vmem>>[vector<16xi32>], vector<16xf32>,
        %parallel_loop3A_1116 = tpu.memref_slice %arg10[%parallel_loop3A_1058] : memref<16528xf32, #tpu.memory_space<vmem>> -> memref<13208xf32, #tpu.memory_space<vmem>>
        tpu.vector_store_idx %parallel_loop3A_1116[%add3A_38], %parallel_loop3A_1072 : memref<13208xf32, #tpu.memory_space<vmem>>[vector<16xi32>], vector<16xf32>,
        %parallel_loop3A_1117 = tpu.memref_slice %arg10[%parallel_loop3A_1058] : memref<16528xf32, #tpu.memory_space<vmem>> -> memref<13208xf32, #tpu.memory_space<vmem>>
        tpu.vector_store_idx %parallel_loop3A_1117[%add3A_57], %parallel_loop3A_1079 : memref<13208xf32, #tpu.memory_space<vmem>>[vector<16xi32>], vector<16xf32>,
        %parallel_loop3A_1118 = tpu.memref_slice %arg10[%parallel_loop3A_1058] : memref<16528xf32, #tpu.memory_space<vmem>> -> memref<13208xf32, #tpu.memory_space<vmem>>
        tpu.vector_store_idx %parallel_loop3A_1118[%add3A_76], %parallel_loop3A_1086 : memref<13208xf32, #tpu.memory_space<vmem>>[vector<16xi32>], vector<16xf32>,
        %parallel_loop3A_1119 = tpu.memref_slice %arg10[%parallel_loop3A_1058] : memref<16528xf32, #tpu.memory_space<vmem>> -> memref<13208xf32, #tpu.memory_space<vmem>>
        tpu.vector_store_idx %parallel_loop3A_1119[%add3A_95], %parallel_loop3A_1093 : memref<13208xf32, #tpu.memory_space<vmem>>[vector<16xi32>], vector<16xf32>,
        %parallel_loop3A_1120 = tpu.memref_slice %arg10[%parallel_loop3A_1058] : memref<16528xf32, #tpu.memory_space<vmem>> -> memref<13208xf32, #tpu.memory_space<vmem>>
        tpu.vector_store_idx %parallel_loop3A_1120[%add3A_114], %parallel_loop3A_1100 : memref<13208xf32, #tpu.memory_space<vmem>>[vector<16xi32>], vector<16xf32>,
        %parallel_loop3A_1121 = tpu.memref_slice %arg10[%parallel_loop3A_1058] : memref<16528xf32, #tpu.memory_space<vmem>> -> memref<13208xf32, #tpu.memory_space<vmem>>
        tpu.vector_store_idx %parallel_loop3A_1121[%add3A_133], %parallel_loop3A_1107 : memref<13208xf32, #tpu.memory_space<vmem>>[vector<16xi32>], vector<16xf32>,
        %parallel_loop3A_1122 = tpu.memref_slice %arg10[%parallel_loop3A_1058] : memref<16528xf32, #tpu.memory_space<vmem>> -> memref<13208xf32, #tpu.memory_space<vmem>>
        tpu.vector_store_idx %parallel_loop3A_1122[%add3A_152], %parallel_loop3A_1114 : memref<13208xf32, #tpu.memory_space<vmem>>[vector<16xi32>], vector<16xf32>,
        %parallel_loop3A_1123 = arith.constant 384 : i32
        %parallel_loop3A_1124 = arith.addi %parallel_loop3A_1123, %parallel_loop3A_666 : i32
        %parallel_loop3A_1125 = arith.constant 0 : i32
        %parallel_loop3A_1126 = arith.addi %parallel_loop3A_1124, %parallel_loop3A_1125 : i32
        %parallel_loop3A_1127 = arith.index_cast %parallel_loop3A_1126 : i32 to index
        %parallel_loop3A_1128 = arith.constant 16 : index
        %parallel_loop3A_1129 = tpu.vector_load %arg8[%parallel_loop3A_1127, %parallel_loop3A_1128] {strides = array<i32>} : memref<512x32xf32, #tpu.memory_space<vmem>>, vector<16xf32>,
        %parallel_loop3A_1130 = arith.constant 384 : i32
        %parallel_loop3A_1131 = arith.addi %parallel_loop3A_1130, %parallel_loop3A_666 : i32
        %parallel_loop3A_1132 = arith.constant 1 : i32
        %parallel_loop3A_1133 = arith.addi %parallel_loop3A_1131, %parallel_loop3A_1132 : i32
        %parallel_loop3A_1134 = arith.index_cast %parallel_loop3A_1133 : i32 to index
        %parallel_loop3A_1135 = arith.constant 16 : index
        %parallel_loop3A_1136 = tpu.vector_load %arg8[%parallel_loop3A_1134, %parallel_loop3A_1135] {strides = array<i32>} : memref<512x32xf32, #tpu.memory_space<vmem>>, vector<16xf32>,
        %parallel_loop3A_1137 = arith.constant 384 : i32
        %parallel_loop3A_1138 = arith.addi %parallel_loop3A_1137, %parallel_loop3A_666 : i32
        %parallel_loop3A_1139 = arith.constant 2 : i32
        %parallel_loop3A_1140 = arith.addi %parallel_loop3A_1138, %parallel_loop3A_1139 : i32
        %parallel_loop3A_1141 = arith.index_cast %parallel_loop3A_1140 : i32 to index
        %parallel_loop3A_1142 = arith.constant 16 : index
        %parallel_loop3A_1143 = tpu.vector_load %arg8[%parallel_loop3A_1141, %parallel_loop3A_1142] {strides = array<i32>} : memref<512x32xf32, #tpu.memory_space<vmem>>, vector<16xf32>,
        %parallel_loop3A_1144 = arith.constant 384 : i32
        %parallel_loop3A_1145 = arith.addi %parallel_loop3A_1144, %parallel_loop3A_666 : i32
        %parallel_loop3A_1146 = arith.constant 3 : i32
        %parallel_loop3A_1147 = arith.addi %parallel_loop3A_1145, %parallel_loop3A_1146 : i32
        %parallel_loop3A_1148 = arith.index_cast %parallel_loop3A_1147 : i32 to index
        %parallel_loop3A_1149 = arith.constant 16 : index
        %parallel_loop3A_1150 = tpu.vector_load %arg8[%parallel_loop3A_1148, %parallel_loop3A_1149] {strides = array<i32>} : memref<512x32xf32, #tpu.memory_space<vmem>>, vector<16xf32>,
        %parallel_loop3A_1151 = arith.constant 384 : i32
        %parallel_loop3A_1152 = arith.addi %parallel_loop3A_1151, %parallel_loop3A_666 : i32
        %parallel_loop3A_1153 = arith.constant 4 : i32
        %parallel_loop3A_1154 = arith.addi %parallel_loop3A_1152, %parallel_loop3A_1153 : i32
        %parallel_loop3A_1155 = arith.index_cast %parallel_loop3A_1154 : i32 to index
        %parallel_loop3A_1156 = arith.constant 16 : index
        %parallel_loop3A_1157 = tpu.vector_load %arg8[%parallel_loop3A_1155, %parallel_loop3A_1156] {strides = array<i32>} : memref<512x32xf32, #tpu.memory_space<vmem>>, vector<16xf32>,
        %parallel_loop3A_1158 = arith.constant 384 : i32
        %parallel_loop3A_1159 = arith.addi %parallel_loop3A_1158, %parallel_loop3A_666 : i32
        %parallel_loop3A_1160 = arith.constant 5 : i32
        %parallel_loop3A_1161 = arith.addi %parallel_loop3A_1159, %parallel_loop3A_1160 : i32
        %parallel_loop3A_1162 = arith.index_cast %parallel_loop3A_1161 : i32 to index
        %parallel_loop3A_1163 = arith.constant 16 : index
        %parallel_loop3A_1164 = tpu.vector_load %arg8[%parallel_loop3A_1162, %parallel_loop3A_1163] {strides = array<i32>} : memref<512x32xf32, #tpu.memory_space<vmem>>, vector<16xf32>,
        %parallel_loop3A_1165 = arith.constant 384 : i32
        %parallel_loop3A_1166 = arith.addi %parallel_loop3A_1165, %parallel_loop3A_666 : i32
        %parallel_loop3A_1167 = arith.constant 6 : i32
        %parallel_loop3A_1168 = arith.addi %parallel_loop3A_1166, %parallel_loop3A_1167 : i32
        %parallel_loop3A_1169 = arith.index_cast %parallel_loop3A_1168 : i32 to index
        %parallel_loop3A_1170 = arith.constant 16 : index
        %parallel_loop3A_1171 = tpu.vector_load %arg8[%parallel_loop3A_1169, %parallel_loop3A_1170] {strides = array<i32>} : memref<512x32xf32, #tpu.memory_space<vmem>>, vector<16xf32>,
        %parallel_loop3A_1172 = arith.constant 384 : i32
        %parallel_loop3A_1173 = arith.addi %parallel_loop3A_1172, %parallel_loop3A_666 : i32
        %parallel_loop3A_1174 = arith.constant 7 : i32
        %parallel_loop3A_1175 = arith.addi %parallel_loop3A_1173, %parallel_loop3A_1174 : i32
        %parallel_loop3A_1176 = arith.index_cast %parallel_loop3A_1175 : i32 to index
        %parallel_loop3A_1177 = arith.constant 16 : index
        %parallel_loop3A_1178 = tpu.vector_load %arg8[%parallel_loop3A_1176, %parallel_loop3A_1177] {strides = array<i32>} : memref<512x32xf32, #tpu.memory_space<vmem>>, vector<16xf32>,
        %parallel_loop3A_1179 = tpu.memref_slice %arg10[%parallel_loop3A_1058] : memref<16528xf32, #tpu.memory_space<vmem>> -> memref<13208xf32, #tpu.memory_space<vmem>>
        tpu.vector_store_idx %parallel_loop3A_1179[%add3A_171], %parallel_loop3A_1129 : memref<13208xf32, #tpu.memory_space<vmem>>[vector<16xi32>], vector<16xf32>,
        %parallel_loop3A_1180 = tpu.memref_slice %arg10[%parallel_loop3A_1058] : memref<16528xf32, #tpu.memory_space<vmem>> -> memref<13208xf32, #tpu.memory_space<vmem>>
        tpu.vector_store_idx %parallel_loop3A_1180[%add3A_190], %parallel_loop3A_1136 : memref<13208xf32, #tpu.memory_space<vmem>>[vector<16xi32>], vector<16xf32>,
        %parallel_loop3A_1181 = tpu.memref_slice %arg10[%parallel_loop3A_1058] : memref<16528xf32, #tpu.memory_space<vmem>> -> memref<13208xf32, #tpu.memory_space<vmem>>
        tpu.vector_store_idx %parallel_loop3A_1181[%add3A_209], %parallel_loop3A_1143 : memref<13208xf32, #tpu.memory_space<vmem>>[vector<16xi32>], vector<16xf32>,
        %parallel_loop3A_1182 = tpu.memref_slice %arg10[%parallel_loop3A_1058] : memref<16528xf32, #tpu.memory_space<vmem>> -> memref<13208xf32, #tpu.memory_space<vmem>>
        tpu.vector_store_idx %parallel_loop3A_1182[%add3A_228], %parallel_loop3A_1150 : memref<13208xf32, #tpu.memory_space<vmem>>[vector<16xi32>], vector<16xf32>,
        %parallel_loop3A_1183 = tpu.memref_slice %arg10[%parallel_loop3A_1058] : memref<16528xf32, #tpu.memory_space<vmem>> -> memref<13208xf32, #tpu.memory_space<vmem>>
        tpu.vector_store_idx %parallel_loop3A_1183[%add3A_247], %parallel_loop3A_1157 : memref<13208xf32, #tpu.memory_space<vmem>>[vector<16xi32>], vector<16xf32>,
        %parallel_loop3A_1184 = tpu.memref_slice %arg10[%parallel_loop3A_1058] : memref<16528xf32, #tpu.memory_space<vmem>> -> memref<13208xf32, #tpu.memory_space<vmem>>
        tpu.vector_store_idx %parallel_loop3A_1184[%add3A_266], %parallel_loop3A_1164 : memref<13208xf32, #tpu.memory_space<vmem>>[vector<16xi32>], vector<16xf32>,
        %parallel_loop3A_1185 = tpu.memref_slice %arg10[%parallel_loop3A_1058] : memref<16528xf32, #tpu.memory_space<vmem>> -> memref<13208xf32, #tpu.memory_space<vmem>>
        tpu.vector_store_idx %parallel_loop3A_1185[%add3A_285], %parallel_loop3A_1171 : memref<13208xf32, #tpu.memory_space<vmem>>[vector<16xi32>], vector<16xf32>,
        %parallel_loop3A_1186 = tpu.memref_slice %arg10[%parallel_loop3A_1058] : memref<16528xf32, #tpu.memory_space<vmem>> -> memref<13208xf32, #tpu.memory_space<vmem>>
        tpu.vector_store_idx %parallel_loop3A_1186[%add3A_304], %parallel_loop3A_1178 : memref<13208xf32, #tpu.memory_space<vmem>>[vector<16xi32>], vector<16xf32>,
        scf.yield %parallel_loop3A_664 : i32
      } {sc.loop_unroll_factor = 1 : i64, sc.parallel_access}
      %mul3A_561 = arith.constant 4 : i32
      %mul3A_562 = arith.muli %add3A_540, %mul3A_561 : i32
      %add3A_563 = arith.addi %mul3A_2, %mul3A_562 : i32
      %jit3A_564 = arith.constant 128 : i32
      %div3A_565 = arith.divsi %add3A_563, %jit3A_564 : i32
      %sign3A_566 = arith.constant 0 : i32
      %sign3A_567 = arith.cmpi sgt, %add3A_563, %sign3A_566 : i32
      %sign3A_568 = arith.extui %sign3A_567 : i1 to i32
      %sign3A_569 = arith.constant 0 : i32
      %sign3A_570 = arith.cmpi slt, %add3A_563, %sign3A_569 : i32
      %sign3A_571 = arith.extui %sign3A_570 : i1 to i32
      %sign3A_572 = arith.subi %sign3A_568, %sign3A_571 : i32
      %sign3A_573 = arith.constant 0 : i32
      %sign3A_574 = arith.cmpi sgt, %jit3A_564, %sign3A_573 : i32
      %sign3A_575 = arith.extui %sign3A_574 : i1 to i32
      %sign3A_576 = arith.constant 0 : i32
      %sign3A_577 = arith.cmpi slt, %jit3A_564, %sign3A_576 : i32
      %sign3A_578 = arith.extui %sign3A_577 : i1 to i32
      %sign3A_579 = arith.subi %sign3A_575, %sign3A_578 : i32
      %ne3A_580 = arith.cmpi ne, %sign3A_572, %sign3A_579 : i32
      %rem3A_581 = arith.remsi %add3A_563, %jit3A_564 : i32
      %ne3A_582 = arith.constant 0 : i32
      %ne3A_583 = arith.cmpi ne, %rem3A_581, %ne3A_582 : i32
      %and3A_584 = arith.andi %ne3A_580, %ne3A_583 : i1
      %sub3A_585 = arith.constant 1 : i32
      %sub3A_586 = arith.subi %div3A_565, %sub3A_585 : i32
      %select_n3A_587 = arith.select %and3A_584, %sub3A_586, %div3A_565 : i32
      %jit3A_588 = arith.constant 128 : i32
      %eq3A_589 = arith.constant 0 : i32
      %eq3A_590 = arith.cmpi eq, %jit3A_588, %eq3A_589 : i32
      %jit3A_591 = arith.constant 1 : i32
      %select_n3A_592 = arith.select %eq3A_590, %jit3A_591, %jit3A_588 : i32
      %rem3A_593 = arith.remsi %add3A_563, %select_n3A_592 : i32
      %ne3A_594 = arith.constant 0 : i32
      %ne3A_595 = arith.cmpi ne, %rem3A_593, %ne3A_594 : i32
      %lt3A_596 = arith.constant 0 : i32
      %lt3A_597 = arith.cmpi slt, %rem3A_593, %lt3A_596 : i32
      %lt3A_598 = arith.constant 0 : i32
      %lt3A_599 = arith.cmpi slt, %select_n3A_592, %lt3A_598 : i32
      %ne3A_600 = arith.xori %lt3A_597, %lt3A_599 : i1
      %and3A_601 = arith.andi %ne3A_600, %ne3A_595 : i1
      %add3A_602 = arith.addi %rem3A_593, %select_n3A_592 : i32
      %select_n3A_603 = arith.select %and3A_601, %add3A_602, %rem3A_593 : i32
      %mul3A_604 = arith.constant 8 : i32
      %mul3A_605 = arith.muli %select_n3A_603, %mul3A_604 : i32
      %mul3A_606 = arith.constant 128 : i32
      %mul3A_607 = arith.muli %mul3A_605, %mul3A_606 : i32
      %dma_start3A_608 = arith.constant 0 : i32
      %dma_start3A_609 = arith.constant 0 : i32
      %dma_start3A_610 = tpu.memref_slice %arg10[%dma_start3A_609] : memref<16528xf32, #tpu.memory_space<vmem>> -> memref<4096xf32, #tpu.memory_space<vmem>>
      %dma_start3A_611 = tpu.memref_slice %arg4[%select_n3A_587, %dma_start3A_608, %mul3A_607] : memref<50x4x131072xf32, #tpu.memory_space<hbm>> -> memref<1x1x4096xf32, #tpu.memory_space<hbm>>
      %dma_start3A_612 = tpu.memref_squeeze %dma_start3A_611 : memref<1x1x4096xf32, #tpu.memory_space<hbm>> -> memref<4096xf32, #tpu.memory_space<hbm>>
      %dma_start3A_613 = tpu.memref_slice %arg4[%select_n3A_587, %dma_start3A_608, %mul3A_607] : memref<50x4x131072xf32, #tpu.memory_space<hbm>> -> memref<1x1x4096xf32, #tpu.memory_space<hbm>>
      %dma_start3A_614 = tpu.memref_squeeze %dma_start3A_613 : memref<1x1x4096xf32, #tpu.memory_space<hbm>> -> memref<4096xf32, #tpu.memory_space<hbm>>
      %dma_start3A_615 = arith.constant 0 : i32
      %dma_start3A_616 = tpu.memref_slice %arg10[%dma_start3A_615] : memref<16528xf32, #tpu.memory_space<vmem>> -> memref<4096xf32, #tpu.memory_space<vmem>>
      tpu.enqueue_dma source(%dma_start3A_616 : memref<4096xf32, #tpu.memory_space<vmem>>) target(%dma_start3A_614 : memref<4096xf32, #tpu.memory_space<hbm>>) target_semaphore(%arg16 : memref<!tpu.dma_semaphore, #tpu.memory_space<semaphore_mem>>)
      %mul3A_617 = arith.constant 8 : i32
      %mul3A_618 = arith.muli %select_n3A_603, %mul3A_617 : i32
      %mul3A_619 = arith.constant 128 : i32
      %mul3A_620 = arith.muli %mul3A_618, %mul3A_619 : i32
      %dma_start3A_621 = arith.constant 1 : i32
      %dma_start3A_622 = arith.constant 4096 : i32
      %dma_start3A_623 = tpu.memref_slice %arg10[%dma_start3A_622] : memref<16528xf32, #tpu.memory_space<vmem>> -> memref<4096xf32, #tpu.memory_space<vmem>>
      %dma_start3A_624 = tpu.memref_slice %arg4[%select_n3A_587, %dma_start3A_621, %mul3A_620] : memref<50x4x131072xf32, #tpu.memory_space<hbm>> -> memref<1x1x4096xf32, #tpu.memory_space<hbm>>
      %dma_start3A_625 = tpu.memref_squeeze %dma_start3A_624 : memref<1x1x4096xf32, #tpu.memory_space<hbm>> -> memref<4096xf32, #tpu.memory_space<hbm>>
      %dma_start3A_626 = tpu.memref_slice %arg4[%select_n3A_587, %dma_start3A_621, %mul3A_620] : memref<50x4x131072xf32, #tpu.memory_space<hbm>> -> memref<1x1x4096xf32, #tpu.memory_space<hbm>>
      %dma_start3A_627 = tpu.memref_squeeze %dma_start3A_626 : memref<1x1x4096xf32, #tpu.memory_space<hbm>> -> memref<4096xf32, #tpu.memory_space<hbm>>
      %dma_start3A_628 = arith.constant 4096 : i32
      %dma_start3A_629 = tpu.memref_slice %arg10[%dma_start3A_628] : memref<16528xf32, #tpu.memory_space<vmem>> -> memref<4096xf32, #tpu.memory_space<vmem>>
      tpu.enqueue_dma source(%dma_start3A_629 : memref<4096xf32, #tpu.memory_space<vmem>>) target(%dma_start3A_627 : memref<4096xf32, #tpu.memory_space<hbm>>) target_semaphore(%arg16 : memref<!tpu.dma_semaphore, #tpu.memory_space<semaphore_mem>>)
      %mul3A_630 = arith.constant 8 : i32
      %mul3A_631 = arith.muli %select_n3A_603, %mul3A_630 : i32
      %mul3A_632 = arith.constant 128 : i32
      %mul3A_633 = arith.muli %mul3A_631, %mul3A_632 : i32
      %dma_start3A_634 = arith.constant 2 : i32
      %dma_start3A_635 = arith.constant 8192 : i32
      %dma_start3A_636 = tpu.memref_slice %arg10[%dma_start3A_635] : memref<16528xf32, #tpu.memory_space<vmem>> -> memref<4096xf32, #tpu.memory_space<vmem>>
      %dma_start3A_637 = tpu.memref_slice %arg4[%select_n3A_587, %dma_start3A_634, %mul3A_633] : memref<50x4x131072xf32, #tpu.memory_space<hbm>> -> memref<1x1x4096xf32, #tpu.memory_space<hbm>>
      %dma_start3A_638 = tpu.memref_squeeze %dma_start3A_637 : memref<1x1x4096xf32, #tpu.memory_space<hbm>> -> memref<4096xf32, #tpu.memory_space<hbm>>
      %dma_start3A_639 = tpu.memref_slice %arg4[%select_n3A_587, %dma_start3A_634, %mul3A_633] : memref<50x4x131072xf32, #tpu.memory_space<hbm>> -> memref<1x1x4096xf32, #tpu.memory_space<hbm>>
      %dma_start3A_640 = tpu.memref_squeeze %dma_start3A_639 : memref<1x1x4096xf32, #tpu.memory_space<hbm>> -> memref<4096xf32, #tpu.memory_space<hbm>>
      %dma_start3A_641 = arith.constant 8192 : i32
      %dma_start3A_642 = tpu.memref_slice %arg10[%dma_start3A_641] : memref<16528xf32, #tpu.memory_space<vmem>> -> memref<4096xf32, #tpu.memory_space<vmem>>
      tpu.enqueue_dma source(%dma_start3A_642 : memref<4096xf32, #tpu.memory_space<vmem>>) target(%dma_start3A_640 : memref<4096xf32, #tpu.memory_space<hbm>>) target_semaphore(%arg16 : memref<!tpu.dma_semaphore, #tpu.memory_space<semaphore_mem>>)
      %mul3A_643 = arith.constant 8 : i32
      %mul3A_644 = arith.muli %select_n3A_603, %mul3A_643 : i32
      %mul3A_645 = arith.constant 128 : i32
      %mul3A_646 = arith.muli %mul3A_644, %mul3A_645 : i32
      %dma_start3A_647 = arith.constant 3 : i32
      %dma_start3A_648 = arith.constant 12288 : i32
      %dma_start3A_649 = tpu.memref_slice %arg10[%dma_start3A_648] : memref<16528xf32, #tpu.memory_space<vmem>> -> memref<4096xf32, #tpu.memory_space<vmem>>
      %dma_start3A_650 = tpu.memref_slice %arg4[%select_n3A_587, %dma_start3A_647, %mul3A_646] : memref<50x4x131072xf32, #tpu.memory_space<hbm>> -> memref<1x1x4096xf32, #tpu.memory_space<hbm>>
      %dma_start3A_651 = tpu.memref_squeeze %dma_start3A_650 : memref<1x1x4096xf32, #tpu.memory_space<hbm>> -> memref<4096xf32, #tpu.memory_space<hbm>>
      %dma_start3A_652 = tpu.memref_slice %arg4[%select_n3A_587, %dma_start3A_647, %mul3A_646] : memref<50x4x131072xf32, #tpu.memory_space<hbm>> -> memref<1x1x4096xf32, #tpu.memory_space<hbm>>
      %dma_start3A_653 = tpu.memref_squeeze %dma_start3A_652 : memref<1x1x4096xf32, #tpu.memory_space<hbm>> -> memref<4096xf32, #tpu.memory_space<hbm>>
      %dma_start3A_654 = arith.constant 12288 : i32
      %dma_start3A_655 = tpu.memref_slice %arg10[%dma_start3A_654] : memref<16528xf32, #tpu.memory_space<vmem>> -> memref<4096xf32, #tpu.memory_space<vmem>>
      tpu.enqueue_dma source(%dma_start3A_655 : memref<4096xf32, #tpu.memory_space<vmem>>) target(%dma_start3A_653 : memref<4096xf32, #tpu.memory_space<hbm>>) target_semaphore(%arg16 : memref<!tpu.dma_semaphore, #tpu.memory_space<semaphore_mem>>)
      %add3A_656 = arith.constant 2 : i32
      %add3A_657 = arith.addi %add3A_540, %add3A_656 : i32
      %lt3A_658 = arith.constant 50 : i32
      %lt3A_659 = arith.cmpi slt, %add3A_657, %lt3A_658 : i32
      %convert_element_type3A_660 = arith.extui %lt3A_659 : i1 to i32
      %cond3A_661 = arith.constant 0 : i32
      %cond3A_662 = arith.cmpi ne, %convert_element_type3A_660, %cond3A_661 : i32
      scf.if %cond3A_662 {
        %add3A_663 = arith.constant 2 : i32
        %add3A_664 = arith.addi %add3A_540, %add3A_663 : i32
        %mul3A_665 = arith.constant 4 : i32
        %mul3A_666 = arith.muli %add3A_664, %mul3A_665 : i32
        %add3A_667 = arith.addi %mul3A_2, %mul3A_666 : i32
        %mul3A_668 = arith.constant 128 : i32
        %mul3A_669 = arith.muli %add3A_667, %mul3A_668 : i32
        %dma_start3A_670 = tpu.memref_slice %arg2[%mul3A_669] : memref<819200xi32, #tpu.memory_space<hbm>> -> memref<512xi32, #tpu.memory_space<hbm>>
        %dma_start3A_671 = tpu.memref_slice %arg2[%mul3A_669] : memref<819200xi32, #tpu.memory_space<hbm>> -> memref<512xi32, #tpu.memory_space<hbm>>
        tpu.enqueue_dma source(%dma_start3A_671 : memref<512xi32, #tpu.memory_space<hbm>>) target(%arg6 : memref<512xi32, #tpu.memory_space<vmem>>) target_semaphore(%arg12 : memref<!tpu.dma_semaphore, #tpu.memory_space<semaphore_mem>>)
      } else {
      }
    }
    %scan3A_326 = arith.constant 25 : i32
    %dma_wait3A_327 = arith.constant 0 : i32
    %dma_wait3A_328 = arith.constant 0 : i32
    %dma_wait3A_329 = arith.constant 0 : i32
    %dma_wait3A_330 = tpu.memref_slice %arg9[%dma_wait3A_329] : memref<16528xf32, #tpu.memory_space<vmem>> -> memref<4096xf32, #tpu.memory_space<vmem>>
    %dma_wait3A_331 = arith.constant 0 : i32
    %dma_wait3A_332 = tpu.memref_slice %arg4[%dma_wait3A_327, %dma_wait3A_328, %dma_wait3A_331] : memref<50x4x131072xf32, #tpu.memory_space<hbm>> -> memref<1x1x4096xf32, #tpu.memory_space<hbm>>
    %dma_wait3A_333 = tpu.memref_squeeze %dma_wait3A_332 : memref<1x1x4096xf32, #tpu.memory_space<hbm>> -> memref<4096xf32, #tpu.memory_space<hbm>>
    %dma_wait3A_334 = arith.constant 0 : i32
    %dma_wait3A_335 = tpu.memref_slice %arg4[%dma_wait3A_327, %dma_wait3A_328, %dma_wait3A_334] : memref<50x4x131072xf32, #tpu.memory_space<hbm>> -> memref<1x1x4096xf32, #tpu.memory_space<hbm>>
    %dma_wait3A_336 = tpu.memref_squeeze %dma_wait3A_335 : memref<1x1x4096xf32, #tpu.memory_space<hbm>> -> memref<4096xf32, #tpu.memory_space<hbm>>
    %dma_wait3A_337 = arith.constant 0 : i32
    %dma_wait3A_338 = tpu.memref_slice %arg9[%dma_wait3A_337] : memref<16528xf32, #tpu.memory_space<vmem>> -> memref<4096xf32, #tpu.memory_space<vmem>>
    tpu.wait_dma2 semaphore(%arg15 : memref<!tpu.dma_semaphore, #tpu.memory_space<semaphore_mem>>) src(%dma_wait3A_338 : memref<4096xf32, #tpu.memory_space<vmem>>) dst(%dma_wait3A_336 : memref<4096xf32, #tpu.memory_space<hbm>>)
    %dma_wait3A_339 = arith.constant 0 : i32
    %dma_wait3A_340 = arith.constant 0 : i32
    %dma_wait3A_341 = arith.constant 0 : i32
    %dma_wait3A_342 = tpu.memref_slice %arg9[%dma_wait3A_341] : memref<16528xf32, #tpu.memory_space<vmem>> -> memref<4096xf32, #tpu.memory_space<vmem>>
    %dma_wait3A_343 = arith.constant 0 : i32
    %dma_wait3A_344 = tpu.memref_slice %arg4[%dma_wait3A_339, %dma_wait3A_340, %dma_wait3A_343] : memref<50x4x131072xf32, #tpu.memory_space<hbm>> -> memref<1x1x4096xf32, #tpu.memory_space<hbm>>
    %dma_wait3A_345 = tpu.memref_squeeze %dma_wait3A_344 : memref<1x1x4096xf32, #tpu.memory_space<hbm>> -> memref<4096xf32, #tpu.memory_space<hbm>>
    %dma_wait3A_346 = arith.constant 0 : i32
    %dma_wait3A_347 = tpu.memref_slice %arg4[%dma_wait3A_339, %dma_wait3A_340, %dma_wait3A_346] : memref<50x4x131072xf32, #tpu.memory_space<hbm>> -> memref<1x1x4096xf32, #tpu.memory_space<hbm>>
    %dma_wait3A_348 = tpu.memref_squeeze %dma_wait3A_347 : memref<1x1x4096xf32, #tpu.memory_space<hbm>> -> memref<4096xf32, #tpu.memory_space<hbm>>
    %dma_wait3A_349 = arith.constant 0 : i32
    %dma_wait3A_350 = tpu.memref_slice %arg9[%dma_wait3A_349] : memref<16528xf32, #tpu.memory_space<vmem>> -> memref<4096xf32, #tpu.memory_space<vmem>>
    tpu.wait_dma2 semaphore(%arg15 : memref<!tpu.dma_semaphore, #tpu.memory_space<semaphore_mem>>) src(%dma_wait3A_350 : memref<4096xf32, #tpu.memory_space<vmem>>) dst(%dma_wait3A_348 : memref<4096xf32, #tpu.memory_space<hbm>>)
    %dma_wait3A_351 = arith.constant 0 : i32
    %dma_wait3A_352 = arith.constant 0 : i32
    %dma_wait3A_353 = arith.constant 0 : i32
    %dma_wait3A_354 = tpu.memref_slice %arg9[%dma_wait3A_353] : memref<16528xf32, #tpu.memory_space<vmem>> -> memref<4096xf32, #tpu.memory_space<vmem>>
    %dma_wait3A_355 = arith.constant 0 : i32
    %dma_wait3A_356 = tpu.memref_slice %arg4[%dma_wait3A_351, %dma_wait3A_352, %dma_wait3A_355] : memref<50x4x131072xf32, #tpu.memory_space<hbm>> -> memref<1x1x4096xf32, #tpu.memory_space<hbm>>
    %dma_wait3A_357 = tpu.memref_squeeze %dma_wait3A_356 : memref<1x1x4096xf32, #tpu.memory_space<hbm>> -> memref<4096xf32, #tpu.memory_space<hbm>>
    %dma_wait3A_358 = arith.constant 0 : i32
    %dma_wait3A_359 = tpu.memref_slice %arg4[%dma_wait3A_351, %dma_wait3A_352, %dma_wait3A_358] : memref<50x4x131072xf32, #tpu.memory_space<hbm>> -> memref<1x1x4096xf32, #tpu.memory_space<hbm>>
    %dma_wait3A_360 = tpu.memref_squeeze %dma_wait3A_359 : memref<1x1x4096xf32, #tpu.memory_space<hbm>> -> memref<4096xf32, #tpu.memory_space<hbm>>
    %dma_wait3A_361 = arith.constant 0 : i32
    %dma_wait3A_362 = tpu.memref_slice %arg9[%dma_wait3A_361] : memref<16528xf32, #tpu.memory_space<vmem>> -> memref<4096xf32, #tpu.memory_space<vmem>>
    tpu.wait_dma2 semaphore(%arg15 : memref<!tpu.dma_semaphore, #tpu.memory_space<semaphore_mem>>) src(%dma_wait3A_362 : memref<4096xf32, #tpu.memory_space<vmem>>) dst(%dma_wait3A_360 : memref<4096xf32, #tpu.memory_space<hbm>>)
    %dma_wait3A_363 = arith.constant 0 : i32
    %dma_wait3A_364 = arith.constant 0 : i32
    %dma_wait3A_365 = arith.constant 0 : i32
    %dma_wait3A_366 = tpu.memref_slice %arg9[%dma_wait3A_365] : memref<16528xf32, #tpu.memory_space<vmem>> -> memref<4096xf32, #tpu.memory_space<vmem>>
    %dma_wait3A_367 = arith.constant 0 : i32
    %dma_wait3A_368 = tpu.memref_slice %arg4[%dma_wait3A_363, %dma_wait3A_364, %dma_wait3A_367] : memref<50x4x131072xf32, #tpu.memory_space<hbm>> -> memref<1x1x4096xf32, #tpu.memory_space<hbm>>
    %dma_wait3A_369 = tpu.memref_squeeze %dma_wait3A_368 : memref<1x1x4096xf32, #tpu.memory_space<hbm>> -> memref<4096xf32, #tpu.memory_space<hbm>>
    %dma_wait3A_370 = arith.constant 0 : i32
    %dma_wait3A_371 = tpu.memref_slice %arg4[%dma_wait3A_363, %dma_wait3A_364, %dma_wait3A_370] : memref<50x4x131072xf32, #tpu.memory_space<hbm>> -> memref<1x1x4096xf32, #tpu.memory_space<hbm>>
    %dma_wait3A_372 = tpu.memref_squeeze %dma_wait3A_371 : memref<1x1x4096xf32, #tpu.memory_space<hbm>> -> memref<4096xf32, #tpu.memory_space<hbm>>
    %dma_wait3A_373 = arith.constant 0 : i32
    %dma_wait3A_374 = tpu.memref_slice %arg9[%dma_wait3A_373] : memref<16528xf32, #tpu.memory_space<vmem>> -> memref<4096xf32, #tpu.memory_space<vmem>>
    tpu.wait_dma2 semaphore(%arg15 : memref<!tpu.dma_semaphore, #tpu.memory_space<semaphore_mem>>) src(%dma_wait3A_374 : memref<4096xf32, #tpu.memory_space<vmem>>) dst(%dma_wait3A_372 : memref<4096xf32, #tpu.memory_space<hbm>>)
    %dma_wait3A_375 = arith.constant 0 : i32
    %dma_wait3A_376 = arith.constant 0 : i32
    %dma_wait3A_377 = arith.constant 0 : i32
    %dma_wait3A_378 = tpu.memref_slice %arg10[%dma_wait3A_377] : memref<16528xf32, #tpu.memory_space<vmem>> -> memref<4096xf32, #tpu.memory_space<vmem>>
    %dma_wait3A_379 = arith.constant 0 : i32
    %dma_wait3A_380 = tpu.memref_slice %arg4[%dma_wait3A_375, %dma_wait3A_376, %dma_wait3A_379] : memref<50x4x131072xf32, #tpu.memory_space<hbm>> -> memref<1x1x4096xf32, #tpu.memory_space<hbm>>
    %dma_wait3A_381 = tpu.memref_squeeze %dma_wait3A_380 : memref<1x1x4096xf32, #tpu.memory_space<hbm>> -> memref<4096xf32, #tpu.memory_space<hbm>>
    %dma_wait3A_382 = arith.constant 0 : i32
    %dma_wait3A_383 = tpu.memref_slice %arg4[%dma_wait3A_375, %dma_wait3A_376, %dma_wait3A_382] : memref<50x4x131072xf32, #tpu.memory_space<hbm>> -> memref<1x1x4096xf32, #tpu.memory_space<hbm>>
    %dma_wait3A_384 = tpu.memref_squeeze %dma_wait3A_383 : memref<1x1x4096xf32, #tpu.memory_space<hbm>> -> memref<4096xf32, #tpu.memory_space<hbm>>
    %dma_wait3A_385 = arith.constant 0 : i32
    %dma_wait3A_386 = tpu.memref_slice %arg10[%dma_wait3A_385] : memref<16528xf32, #tpu.memory_space<vmem>> -> memref<4096xf32, #tpu.memory_space<vmem>>
    tpu.wait_dma2 semaphore(%arg16 : memref<!tpu.dma_semaphore, #tpu.memory_space<semaphore_mem>>) src(%dma_wait3A_386 : memref<4096xf32, #tpu.memory_space<vmem>>) dst(%dma_wait3A_384 : memref<4096xf32, #tpu.memory_space<hbm>>)
    %dma_wait3A_387 = arith.constant 0 : i32
    %dma_wait3A_388 = arith.constant 0 : i32
    %dma_wait3A_389 = arith.constant 0 : i32
    %dma_wait3A_390 = tpu.memref_slice %arg10[%dma_wait3A_389] : memref<16528xf32, #tpu.memory_space<vmem>> -> memref<4096xf32, #tpu.memory_space<vmem>>
    %dma_wait3A_391 = arith.constant 0 : i32
    %dma_wait3A_392 = tpu.memref_slice %arg4[%dma_wait3A_387, %dma_wait3A_388, %dma_wait3A_391] : memref<50x4x131072xf32, #tpu.memory_space<hbm>> -> memref<1x1x4096xf32, #tpu.memory_space<hbm>>
    %dma_wait3A_393 = tpu.memref_squeeze %dma_wait3A_392 : memref<1x1x4096xf32, #tpu.memory_space<hbm>> -> memref<4096xf32, #tpu.memory_space<hbm>>
    %dma_wait3A_394 = arith.constant 0 : i32
    %dma_wait3A_395 = tpu.memref_slice %arg4[%dma_wait3A_387, %dma_wait3A_388, %dma_wait3A_394] : memref<50x4x131072xf32, #tpu.memory_space<hbm>> -> memref<1x1x4096xf32, #tpu.memory_space<hbm>>
    %dma_wait3A_396 = tpu.memref_squeeze %dma_wait3A_395 : memref<1x1x4096xf32, #tpu.memory_space<hbm>> -> memref<4096xf32, #tpu.memory_space<hbm>>
    %dma_wait3A_397 = arith.constant 0 : i32
    %dma_wait3A_398 = tpu.memref_slice %arg10[%dma_wait3A_397] : memref<16528xf32, #tpu.memory_space<vmem>> -> memref<4096xf32, #tpu.memory_space<vmem>>
    tpu.wait_dma2 semaphore(%arg16 : memref<!tpu.dma_semaphore, #tpu.memory_space<semaphore_mem>>) src(%dma_wait3A_398 : memref<4096xf32, #tpu.memory_space<vmem>>) dst(%dma_wait3A_396 : memref<4096xf32, #tpu.memory_space<hbm>>)
    %dma_wait3A_399 = arith.constant 0 : i32
    %dma_wait3A_400 = arith.constant 0 : i32
    %dma_wait3A_401 = arith.constant 0 : i32
    %dma_wait3A_402 = tpu.memref_slice %arg10[%dma_wait3A_401] : memref<16528xf32, #tpu.memory_space<vmem>> -> memref<4096xf32, #tpu.memory_space<vmem>>
    %dma_wait3A_403 = arith.constant 0 : i32
    %dma_wait3A_404 = tpu.memref_slice %arg4[%dma_wait3A_399, %dma_wait3A_400, %dma_wait3A_403] : memref<50x4x131072xf32, #tpu.memory_space<hbm>> -> memref<1x1x4096xf32, #tpu.memory_space<hbm>>
    %dma_wait3A_405 = tpu.memref_squeeze %dma_wait3A_404 : memref<1x1x4096xf32, #tpu.memory_space<hbm>> -> memref<4096xf32, #tpu.memory_space<hbm>>
    %dma_wait3A_406 = arith.constant 0 : i32
    %dma_wait3A_407 = tpu.memref_slice %arg4[%dma_wait3A_399, %dma_wait3A_400, %dma_wait3A_406] : memref<50x4x131072xf32, #tpu.memory_space<hbm>> -> memref<1x1x4096xf32, #tpu.memory_space<hbm>>
    %dma_wait3A_408 = tpu.memref_squeeze %dma_wait3A_407 : memref<1x1x4096xf32, #tpu.memory_space<hbm>> -> memref<4096xf32, #tpu.memory_space<hbm>>
    %dma_wait3A_409 = arith.constant 0 : i32
    %dma_wait3A_410 = tpu.memref_slice %arg10[%dma_wait3A_409] : memref<16528xf32, #tpu.memory_space<vmem>> -> memref<4096xf32, #tpu.memory_space<vmem>>
    tpu.wait_dma2 semaphore(%arg16 : memref<!tpu.dma_semaphore, #tpu.memory_space<semaphore_mem>>) src(%dma_wait3A_410 : memref<4096xf32, #tpu.memory_space<vmem>>) dst(%dma_wait3A_408 : memref<4096xf32, #tpu.memory_space<hbm>>)
    %dma_wait3A_411 = arith.constant 0 : i32
    %dma_wait3A_412 = arith.constant 0 : i32
    %dma_wait3A_413 = arith.constant 0 : i32
    %dma_wait3A_414 = tpu.memref_slice %arg10[%dma_wait3A_413] : memref<16528xf32, #tpu.memory_space<vmem>> -> memref<4096xf32, #tpu.memory_space<vmem>>
    %dma_wait3A_415 = arith.constant 0 : i32
    %dma_wait3A_416 = tpu.memref_slice %arg4[%dma_wait3A_411, %dma_wait3A_412, %dma_wait3A_415] : memref<50x4x131072xf32, #tpu.memory_space<hbm>> -> memref<1x1x4096xf32, #tpu.memory_space<hbm>>
    %dma_wait3A_417 = tpu.memref_squeeze %dma_wait3A_416 : memref<1x1x4096xf32, #tpu.memory_space<hbm>> -> memref<4096xf32, #tpu.memory_space<hbm>>
    %dma_wait3A_418 = arith.constant 0 : i32
    %dma_wait3A_419 = tpu.memref_slice %arg4[%dma_wait3A_411, %dma_wait3A_412, %dma_wait3A_418] : memref<50x4x131072xf32, #tpu.memory_space<hbm>> -> memref<1x1x4096xf32, #tpu.memory_space<hbm>>
    %dma_wait3A_420 = tpu.memref_squeeze %dma_wait3A_419 : memref<1x1x4096xf32, #tpu.memory_space<hbm>> -> memref<4096xf32, #tpu.memory_space<hbm>>
    %dma_wait3A_421 = arith.constant 0 : i32
    %dma_wait3A_422 = tpu.memref_slice %arg10[%dma_wait3A_421] : memref<16528xf32, #tpu.memory_space<vmem>> -> memref<4096xf32, #tpu.memory_space<vmem>>
    tpu.wait_dma2 semaphore(%arg16 : memref<!tpu.dma_semaphore, #tpu.memory_space<semaphore_mem>>) src(%dma_wait3A_422 : memref<4096xf32, #tpu.memory_space<vmem>>) dst(%dma_wait3A_420 : memref<4096xf32, #tpu.memory_space<hbm>>)
    return
  }
}

</mosaic_0001>

<sc_bundles>
// kernel: kernel.3.cloned.1.call-start
scs
__scs_entry_jumppad:
0x0: {  	(pc) =	sbr.rel $0x88, $3  }
0x1: {  	(tag) =	ssettag $0x0;
	lr =	simm.s32 $0x1  }
0x2: {  	[smem:$0x3F9F] =	sst lr;
	_ =	strace $0xD0000000  }
0x3: {  	_ = 	snop  }
0x4: {  	_ = 	snop  }
0x5: {  	_ = 	snop  }
0x6: {  	_ = 	snop  }
0x7: {  	_ = 	snop  }
__scs_overlays_trampoline_lowered:
0x8: {  	[smem:$0x3FAE] =	sst s0  }
0x9: {  	[smem:$0x3FAF] =	sst s1  }
0xa: {  	[smem:$0x3FB0] =	sst s2  }
0xb: {  	[smem:$0x3FB1] =	sst s3  }
0xc: {  	[smem:$0x3FB2] =	sst s4  }
0xd: {  	[smem:$0x3FB3] =	sst s5  }
0xe: {  	[smem:$0x3FB4] =	sst s6  }
0xf: {  	[smem:$0x3FB5] =	sst s7  }
0x10: {  	[smem:$0x3FB6] =	sst s8  }
0x11: {  	[smem:$0x3FB7] =	sst s9;
	s0 =	simm.s32 @!p0 $0x0  }
0x12: {  	s1 =	sld [smem:$0x3F9D];
	s0 =	simm.s32 @p0 $0x1  }
0x13: {  	[smem:$0x3FB8] =	sst s0;
	s0 =	simm.s32 @!p1 $0x0  }
0x14: {  	s2 =	sld [smem:$0x3F9C];
	s0 =	simm.s32 @p1 $0x1  }
0x15: {  	[smem:$0x3FB9] =	sst s0;
	s0 =	simm.s32 @!p2 $0x0  }
0x16: {  	s3 =	sld [smem:$0x3FDB];
	s0 =	simm.s32 @p2 $0x1  }
0x17: {  	s4 =	simm.s32 $0x1BF5;
	[smem:$0x3FBB] =	sst s0  }
0x18: {  	s0 =	sld [smem:$0x3F9E];
	_ =	swait.ge [sflag:s4], $0x0  }
0x19: {  	s7 =	sld [smem:$0x3F9F]  }
0x1a: {  	s8 =	sadd.s32 $0xFFFFE003, lr  }
0x1b: {  	s9 =	sadd.s32 $0xFFFFFEF7, lr;
	s5 =	simm.s32 $0xFFFFFFFF;
	p2 =	slt.u32 s8, $0xFFFFF086  }
0x1c: {  	p1 =	slt.u32 s9, $0xF7A;
	s5 =	simm.s32 @!p2 $0x0  }
0x1d: {  	s5 =	simm.s32 @p1 $0x1;
	p0 =	seq.s32 s7, s2  }
0x1e: {  	s7 =	smul.u32 @!p0 $0xF7A, s2;
	p2 =	seq.s32 @!p0 s5, $0x0  }
0x1f: {  	s9 =	smul.u32 $0xF7A, s1;
	s8 =	simm.s32 @!p0 $0x1BF5;
	p2 =	por !p2, p0  }
0x20: {  	[sflag:s8] =	ssyncset.s32 @!p0 $0xFFFFF086;
	s6 =	sadd.s32 @!p0 s3, s7;
	s7 =	simm.s32 @!p0 $0x108  }
0x21: {  	s3 =	sadd.s32 s3, s9;
	s6 =	sadd.s32 @!p0 $0x88, s6;
	s7 =	simm.s32 @p2 $0x1082  }
0x22: {  	[simem:s7], [sflag:s8] =	dma.local @!p0 [hbm:s6], $0xF7A  }
0x23: {  	s9 =	sor.u32 $0xD0000000, s2;
	s6 =	simm.s32 $0x108;
	_ =	swait.ge @!p0 [sflag:s8], $0x0  }
0x24: {  	s3 =	sadd.s32 $0x88, s3;
	s6 =	simm.s32 @!p1 $0x1082;
	[sflag:s4] =	ssyncset.s32 $0xFFFFF086  }
0x25: {  	[simem:s6], [sflag:s4] =	dma.local [hbm:s3], $0xF7A  }
0x26: {  	[smem:$0x3F9F] =	sst s1;
	(tag) =	ssettag s2;
	_ =	strace s9  }
0x27: {  	s1 =	sld [smem:$0x3FAF]  }
0x28: {  	s2 =	sld [smem:$0x3FB0]  }
0x29: {  	s4 =	sld [smem:$0x3FB2]  }
0x2a: {  	p0 =	seq.s32 s5, $0x0;
	s5 =	sld [smem:$0x3FB3]  }
0x2b: {  	s6 =	sld [smem:$0x3FB4]  }
0x2c: {  	s7 =	sld [smem:$0x3FB5]  }
0x2d: {  	s3 =	simm.s32 $0x108;
	s8 =	sld [smem:$0x3FB6]  }
0x2e: {  	s3 =	simm.s32 @!p0 $0x1082;
	s9 =	sld [smem:$0x3FB7]  }
0x2f: {  	lr =	sadd.s32 s0, s3;
	s0 =	sld [smem:$0x3FAE]  }
0x30: {  	s3 =	sld [smem:$0x3FB1]  }
0x31: {  	[smem:$0x3FBA] =	sst s10  }
0x32: {  	s10 =	sld [smem:$0x3FB8];
	_ =	sdelay $0x3  }
0x33: {  	p0 =	seq.s32 s10, $0x1;
	s10 =	sld [smem:$0x3FBA];
	_ =	sdelay $0x3  }
0x34: {  	[smem:$0x3FBA] =	sst s10  }
0x35: {  	s10 =	sld [smem:$0x3FB9];
	_ =	sdelay $0x3  }
0x36: {  	p1 =	seq.s32 s10, $0x1;
	s10 =	sld [smem:$0x3FBA];
	_ =	sdelay $0x3  }
0x37: {  	[smem:$0x3FBA] =	sst s10  }
0x38: {  	s10 =	sld [smem:$0x3FBB]  }
0x39: {  	_ = 	snop;
	(pc) =	sbr.ind lr, $3  }
0x3a: {  	_ = 	snop  }
0x3b: {  	_ = 	snop  }
0x3c: {  	p2 =	seq.s32 s10, $0x1;
	s10 =	sld [smem:$0x3FBA]  }
0x3d: {  	_ =	shalt  }
0x3e: {  	_ =	shalt  }
0x3f: {  	_ =	shalt  }
0x40: {  	_ =	shalt  }
0x41: {  	_ =	shalt  }
0x42: {  	_ =	shalt  }
0x43: {  	_ =	shalt  }
0x44: {  	_ =	shalt  }
0x45: {  	_ =	shalt  }
0x46: {  	_ =	shalt  }
0x47: {  	_ =	shalt  }
0x48: {  	_ =	shalt  }
0x49: {  	_ =	shalt  }
0x4a: {  	_ =	shalt  }
0x4b: {  	_ =	shalt  }
0x4c: {  	_ =	shalt  }
0x4d: {  	_ =	shalt  }
0x4e: {  	_ =	shalt  }
0x4f: {  	_ =	shalt  }
0x50: {  	_ =	shalt  }
0x51: {  	_ =	shalt  }
0x52: {  	_ =	shalt  }
0x53: {  	_ =	shalt  }
0x54: {  	_ =	shalt  }
0x55: {  	_ =	shalt  }
0x56: {  	_ =	shalt  }
0x57: {  	_ =	shalt  }
0x58: {  	_ =	shalt  }
0x59: {  	_ =	shalt  }
0x5a: {  	_ =	shalt  }
0x5b: {  	_ =	shalt  }
0x5c: {  	_ =	shalt  }
0x5d: {  	_ =	shalt  }
0x5e: {  	_ =	shalt  }
0x5f: {  	_ =	shalt  }
0x60: {  	_ =	shalt  }
0x61: {  	_ =	shalt  }
0x62: {  	_ =	shalt  }
0x63: {  	_ =	shalt  }
0x64: {  	_ =	shalt  }
0x65: {  	_ =	shalt  }
0x66: {  	_ =	shalt  }
0x67: {  	_ =	shalt  }
0x68: {  	_ =	shalt  }
0x69: {  	_ =	shalt  }
0x6a: {  	_ =	shalt  }
0x6b: {  	_ =	shalt  }
0x6c: {  	_ =	shalt  }
0x6d: {  	_ =	shalt  }
0x6e: {  	_ =	shalt  }
0x6f: {  	_ =	shalt  }
0x70: {  	_ =	shalt  }
0x71: {  	_ =	shalt  }
0x72: {  	_ =	shalt  }
0x73: {  	_ =	shalt  }
0x74: {  	_ =	shalt  }
0x75: {  	_ =	shalt  }
0x76: {  	_ =	shalt  }
0x77: {  	_ =	shalt  }
0x78: {  	_ =	shalt  }
0x79: {  	_ =	shalt  }
0x7a: {  	_ =	shalt  }
0x7b: {  	_ =	shalt  }
0x7c: {  	_ =	shalt  }
0x7d: {  	_ =	shalt  }
0x7e: {  	_ =	shalt  }
0x7f: {  	_ =	shalt  }
0x80: {  	_ =	shalt  }
0x81: {  	_ =	shalt  }
0x82: {  	_ =	shalt  }
0x83: {  	_ =	shalt  }
0x84: {  	_ =	shalt  }
0x85: {  	_ =	shalt  }
0x86: {  	_ =	shalt  }
0x87: {  	_ =	shalt  }
.Lfunc_end0:
.L_simem_size_0:
called_computation_lowered:
.L_overlay_start_0:
0x88: {  	s2 =	sld [smem:$0x3FD9]  }
0x89: {  	s3 =	sld [smem:$0x3FFE];
	_ =	sdelay $0x1  }
0x8a: {  	s1 =	srdreg.scid  }
0x8b: {  	s0 =	sand.u32 $0x1, s1  }
0x8c: {  	s17 =	sshll.u32 s0, $0xA;
	s2 =	sadd.s32 s3, s2  }
0x8d: {  	s2 =	sadd.s32 s2, s17  }
0x8e: {  	[smem:$0x3FC6] =	sst s2  }
0x8f: {  	_ = 	snop  }
0x90: {  	s2 =	sld [smem:$0x3FD0];
	(tm) =	ssettm $0x1  }
0x91: {  	s18 =	sld [smem:$0x3FFB];
	_ =	sdelay $0x3  }
0x92: {  	_ =	strace s18  }
0x93: {  	s3 =	sld [smem:$0x3FFC];
	_ =	sdelay $0x3  }
0x94: {  	_ =	strace s3  }
0x95: {  	s3 =	sld [smem:$0x3FFD];
	_ =	sdelay $0x3  }
0x96: {  	_ =	strace s3  }
0x97: {  	_ =	strace $0x8FFFFFFF  }
0x98: {  	s19 =	sld [smem:$0x3FDB];
	_ =	sdelay $0x1  }
0x99: {  	s4 =	simm.s32 $_scs_section_size  }
0x9a: {  	s5 =	simm.s32 $_size__tile_overlayer_lowered;
	s6 =	simm.s32 $_tile_overlayer_lowered  }
0x9b: {  	s22 =	simm.s32 $0x1BFF;
	s21 =	sshll.u32 s6, $0x1;
	s3 =	sadd.s32 s4, s19  }
0x9c: {  	s7 =	simm.s32 $0x0;
	s20 =	sshll.u32 s5, $0x1;
	s5 =	sadd.s32 s21, s3  }
0x9d: {  	[timem:s7], [sflag:s22] =	dma.local [hbm:s5], s20  }
0x9e: {  	_ =	swait.ge [sflag:s22], s20  }
0x9f: {  	s4 =	ssub.s32 $0x0, s20;
	[sflag:s22] =	ssyncset.done $0x0  }
0xa0: {  	[sflag:s22] =	ssyncadd.s32 s4;
	_ =	sdelay $0x1  }
0xa1: {  	s23 =	simm.s32 $0x1B8B  }
0xa2: {  	_ =	swait.ge [sflag:s23], $0x1  }
0xa3: {  	[sflag:s23] =	ssyncset.done $0x0  }
0xa4: {  	s25 =	simm.s32 $0x1B8E;
	s24 =	sld [smem:$0x3FFE];
	[sflag:s23] =	ssyncadd.s32 $0xFFFFFFFF  }
0xa5: {  	s26 =	simm.s32 $execute0_lowered;
	[smem:$0x3FD2] =	sst s25  }
0xa6: {  	s5 =	sshll.u32 s26, $0x1;
	_ =	strace $0x80000046;
	[dreg:$0x1] =	wrdreg $0xFFFFFFFF  }
0xa7: {  	s28 =	simm.s32 $_size_execute0_lowered;
	s3 =	sadd.s32 s3, s5;
	[dreg:$0x0] =	wrdreg $0x0  }
0xa8: {  	s5 =	sshll.u32 s28, $0x1;
	[dreg:$0x2] =	wrdreg s3  }
0xa9: {  	[dreg:$0x3] =	wrdreg s5  }
0xaa: {  	[dreg:$0x4] =	wrdreg $0xC0  }
0xab: {  	_ =	task [dreg:s7], $0x5FFFF  }
0xac: {  	[dreg:$0x1] =	wrdreg $0xFFFFFFFF  }
0xad: {  	[dreg:$0x0] =	wrdreg $0x60  }
0xae: {  	[dreg:$0x2] =	wrdreg s24  }
0xaf: {  	[dreg:$0x3] =	wrdreg s2  }
0xb0: {  	[dreg:$0x4] =	wrdreg $0x9  }
0xb1: {  	_ =	task.clear_ibuf [dreg:s7], $0x5FFFF;
	_ =	strace $0x90000046  }
0xb2: {  	s29 =	simm.s32 $0x9;
	_ =	strace $0x80000048  }
0xb3: {  	_ =	swait.ge [sflag:s29], $0x1  }
0xb4: {  	[sflag:s29] =	ssyncadd.s32 $0xFFFFFFFF  }
0xb5: {  	_ =	strace $0x90000048  }
0xb6: {  	_ =	sfence  }
0xb7: {  	s30 =	sld [smem:$0x0];
	_ =	sdelay $0x2  }
0xb8: {  	s31 =	sshll.u32 s1, $0xD;
	s1 =	sshrl.u32 s1, $0x2  }
0xb9: {  	s3 =	sand.u32 $0x4000, s31;
	s1 =	sadd.s32 s1, s30  }
0xba: {  	s0 =	sor.u32 s3, s0;
	s1 =	sshll.u32 s1, $0x11  }
0xbb: {  	s0 =	sor.u32 s1, s0  }
0xbc: {  	s0 =	sadd.s32 $0x8F2B, s0  }
0xbd: {  	[sflag:s0] =	ssyncadd.remote.s32 $0x1  }
0xbe: {  	_ =	sfence.sel $0xFFFF  }
0xbf: {  	[dreg:$0x0] =	wrdreg $0xFFFFFFFF;
	(pc) =	sbr.abs _section_cstart, $3  }
0xc0: {  	[dreg:$0x1] =	wrdreg $0xFFFFFFFF  }
0xc1: {  	_ =	task.clear_ibuf [dreg:s7], $0x2FFFF;
	_ =	strace $0x9FFFFFFF  }
0xc2: {  	(tm) =	ssettm $0x7FFFFFFF  }
0xc3: {  	_ =	shalt  }
tec
execute0_lowered:
.L_overlay_start_1:
0x0: {  	(tag) =	ssettag $0x1  }
0x1: {  	v0 =	vimm.s32 $0x1380  }
0x2: {  	vm14 =	vcmask $0x300;
	vm13 =	vcmask $0x704;
	vm12 =	vcmask $0xB08  }
0x3: {  	vm11 =	vcmask $0xF0C;
	vm10 =	vcmask $0x1310;
	vm9 =	vcmask $0x1714  }
0x4: {  	vm8 =	vcmask $0x1B18;
	vm7 =	vcmask $0x1F1C;
	vm6 =	vcmask $0x2320  }
0x5: {  	vm5 =	vcmask $0x2724;
	vm4 =	vcmask $0x2B28;
	vm3 =	vcmask $0x2F2C  }
0x6: {  	vm2 =	vcmask $0x3330;
	vm1 =	vcmask $0x3734;
	vm0 =	vcmask $0x3B38  }
0x7: {  	v1 =	vimm.s32 $0x1381;
	v2 =	vimm.s32 $0x1382;
	v3 =	vimm.s32 $0x1383  }
0x8: {  	v4 =	vimm.s32 $0x1384;
	v5 =	vimm.s32 $0x1385;
	v6 =	vimm.s32 $0x1386  }
0x9: {  	v7 =	vimm.s32 $0x1387;
	v8 =	vimm.s32 $0x3380;
	v9 =	vimm.s32 $0x3381  }
0xa: {  	v10 =	vimm.s32 $0x3382;
	v11 =	vimm.s32 $0x3383;
	v12 =	vimm.s32 $0x3384  }
0xb: {  	v13 =	vimm.s32 $0x3385;
	v14 =	vimm.s32 $0x3386;
	v15 =	vimm.s32 $0x3387  }
0xc: {  	v0 =	vsel vm14, $0x0, v0;
	v1 =	vsel vm14, $0x1, v1;
	v2 =	vsel vm14, $0x2, v2  }
0xd: {  	v3 =	vsel vm14, $0x3, v3;
	v4 =	vsel vm14, $0x4, v4;
	v5 =	vsel vm14, $0x5, v5  }
0xe: {  	v6 =	vsel vm14, $0x6, v6;
	v7 =	vsel vm14, $0x7, v7;
	v8 =	vsel vm14, $0x2000, v8  }
0xf: {  	v9 =	vsel vm14, $0x2001, v9;
	v10 =	vsel vm14, $0x2002, v10;
	v11 =	vsel vm14, $0x2003, v11  }
0x10: {  	v12 =	vsel vm14, $0x2004, v12;
	v13 =	vsel vm14, $0x2005, v13;
	v14 =	vsel vm14, $0x2006, v14  }
0x11: {  	v15 =	vsel vm14, $0x2007, v15;
	v0 =	vsel vm13, $0x80, v0;
	v1 =	vsel vm13, $0x81, v1  }
0x12: {  	v2 =	vsel vm13, $0x82, v2;
	v3 =	vsel vm13, $0x83, v3;
	v4 =	vsel vm13, $0x84, v4  }
0x13: {  	v5 =	vsel vm13, $0x85, v5;
	v6 =	vsel vm13, $0x86, v6;
	v7 =	vsel vm13, $0x87, v7  }
0x14: {  	v8 =	vsel vm13, $0x2080, v8;
	v9 =	vsel vm13, $0x2081, v9;
	v10 =	vsel vm13, $0x2082, v10  }
0x15: {  	v11 =	vsel vm13, $0x2083, v11;
	v12 =	vsel vm13, $0x2084, v12;
	v13 =	vsel vm13, $0x2085, v13  }
0x16: {  	v14 =	vsel vm13, $0x2086, v14;
	v15 =	vsel vm13, $0x2087, v15;
	v0 =	vsel vm12, $0x100, v0  }
0x17: {  	v1 =	vsel vm12, $0x101, v1;
	v2 =	vsel vm12, $0x102, v2;
	v3 =	vsel vm12, $0x103, v3  }
0x18: {  	v4 =	vsel vm12, $0x104, v4;
	v5 =	vsel vm12, $0x105, v5;
	v6 =	vsel vm12, $0x106, v6  }
0x19: {  	v7 =	vsel vm12, $0x107, v7;
	v8 =	vsel vm12, $0x2100, v8;
	v9 =	vsel vm12, $0x2101, v9  }
0x1a: {  	v10 =	vsel vm12, $0x2102, v10;
	v11 =	vsel vm12, $0x2103, v11;
	v12 =	vsel vm12, $0x2104, v12  }
0x1b: {  	v13 =	vsel vm12, $0x2105, v13;
	v14 =	vsel vm12, $0x2106, v14;
	v15 =	vsel vm12, $0x2107, v15  }
0x1c: {  	v0 =	vsel vm11, $0x180, v0;
	v1 =	vsel vm11, $0x181, v1;
	v2 =	vsel vm11, $0x182, v2  }
0x1d: {  	v3 =	vsel vm11, $0x183, v3;
	v4 =	vsel vm11, $0x184, v4;
	v5 =	vsel vm11, $0x185, v5  }
0x1e: {  	v6 =	vsel vm11, $0x186, v6;
	v7 =	vsel vm11, $0x187, v7;
	v8 =	vsel vm11, $0x2180, v8  }
0x1f: {  	v9 =	vsel vm11, $0x2181, v9;
	v10 =	vsel vm11, $0x2182, v10;
	v11 =	vsel vm11, $0x2183, v11  }
0x20: {  	v12 =	vsel vm11, $0x2184, v12;
	v13 =	vsel vm11, $0x2185, v13;
	v14 =	vsel vm11, $0x2186, v14  }
0x21: {  	v15 =	vsel vm11, $0x2187, v15;
	v0 =	vsel vm10, $0x200, v0;
	v1 =	vsel vm10, $0x201, v1  }
0x22: {  	v2 =	vsel vm10, $0x202, v2;
	v3 =	vsel vm10, $0x203, v3;
	v4 =	vsel vm10, $0x204, v4  }
0x23: {  	v5 =	vsel vm10, $0x205, v5;
	v6 =	vsel vm10, $0x206, v6;
	v7 =	vsel vm10, $0x207, v7  }
0x24: {  	v8 =	vsel vm10, $0x2200, v8;
	v9 =	vsel vm10, $0x2201, v9;
	v10 =	vsel vm10, $0x2202, v10  }
0x25: {  	v11 =	vsel vm10, $0x2203, v11;
	v12 =	vsel vm10, $0x2204, v12;
	v13 =	vsel vm10, $0x2205, v13  }
0x26: {  	v14 =	vsel vm10, $0x2206, v14;
	v15 =	vsel vm10, $0x2207, v15;
	v0 =	vsel vm9, $0x280, v0  }
0x27: {  	v1 =	vsel vm9, $0x281, v1;
	v2 =	vsel vm9, $0x282, v2;
	v3 =	vsel vm9, $0x283, v3  }
0x28: {  	v4 =	vsel vm9, $0x284, v4;
	v5 =	vsel vm9, $0x285, v5;
	v6 =	vsel vm9, $0x286, v6  }
0x29: {  	v7 =	vsel vm9, $0x287, v7;
	v8 =	vsel vm9, $0x2280, v8;
	v9 =	vsel vm9, $0x2281, v9  }
0x2a: {  	v10 =	vsel vm9, $0x2282, v10;
	v11 =	vsel vm9, $0x2283, v11;
	v12 =	vsel vm9, $0x2284, v12  }
0x2b: {  	v13 =	vsel vm9, $0x2285, v13;
	v14 =	vsel vm9, $0x2286, v14;
	v15 =	vsel vm9, $0x2287, v15  }
0x2c: {  	v0 =	vsel vm8, $0x300, v0;
	v1 =	vsel vm8, $0x301, v1;
	v2 =	vsel vm8, $0x302, v2  }
0x2d: {  	v3 =	vsel vm8, $0x303, v3;
	v4 =	vsel vm8, $0x304, v4;
	v5 =	vsel vm8, $0x305, v5  }
0x2e: {  	v6 =	vsel vm8, $0x306, v6;
	v7 =	vsel vm8, $0x307, v7;
	v8 =	vsel vm8, $0x2300, v8  }
0x2f: {  	v9 =	vsel vm8, $0x2301, v9;
	v10 =	vsel vm8, $0x2302, v10;
	v11 =	vsel vm8, $0x2303, v11  }
0x30: {  	v12 =	vsel vm8, $0x2304, v12;
	v13 =	vsel vm8, $0x2305, v13;
	v14 =	vsel vm8, $0x2306, v14  }
0x31: {  	v15 =	vsel vm8, $0x2307, v15;
	v0 =	vsel vm7, $0x380, v0;
	v1 =	vsel vm7, $0x381, v1  }
0x32: {  	v2 =	vsel vm7, $0x382, v2;
	v3 =	vsel vm7, $0x383, v3;
	v4 =	vsel vm7, $0x384, v4  }
0x33: {  	v5 =	vsel vm7, $0x385, v5;
	v6 =	vsel vm7, $0x386, v6;
	v7 =	vsel vm7, $0x387, v7  }
0x34: {  	v8 =	vsel vm7, $0x2380, v8;
	v9 =	vsel vm7, $0x2381, v9;
	v10 =	vsel vm7, $0x2382, v10  }
0x35: {  	v11 =	vsel vm7, $0x2383, v11;
	v12 =	vsel vm7, $0x2384, v12;
	v13 =	vsel vm7, $0x2385, v13  }
0x36: {  	v14 =	vsel vm7, $0x2386, v14;
	v15 =	vsel vm7, $0x2387, v15;
	v0 =	vsel vm6, $0x1000, v0  }
0x37: {  	v1 =	vsel vm6, $0x1001, v1;
	v2 =	vsel vm6, $0x1002, v2;
	v3 =	vsel vm6, $0x1003, v3  }
0x38: {  	v4 =	vsel vm6, $0x1004, v4;
	v5 =	vsel vm6, $0x1005, v5;
	v6 =	vsel vm6, $0x1006, v6  }
0x39: {  	v7 =	vsel vm6, $0x1007, v7;
	v8 =	vsel vm6, $0x3000, v8;
	v9 =	vsel vm6, $0x3001, v9  }
0x3a: {  	v10 =	vsel vm6, $0x3002, v10;
	v11 =	vsel vm6, $0x3003, v11;
	v12 =	vsel vm6, $0x3004, v12  }
0x3b: {  	v13 =	vsel vm6, $0x3005, v13;
	v14 =	vsel vm6, $0x3006, v14;
	v15 =	vsel vm6, $0x3007, v15  }
0x3c: {  	v0 =	vsel vm5, $0x1080, v0;
	v1 =	vsel vm5, $0x1081, v1;
	v2 =	vsel vm5, $0x1082, v2  }
0x3d: {  	v3 =	vsel vm5, $0x1083, v3;
	v4 =	vsel vm5, $0x1084, v4;
	v5 =	vsel vm5, $0x1085, v5  }
0x3e: {  	v6 =	vsel vm5, $0x1086, v6;
	v7 =	vsel vm5, $0x1087, v7;
	v8 =	vsel vm5, $0x3080, v8  }
0x3f: {  	v9 =	vsel vm5, $0x3081, v9;
	v10 =	vsel vm5, $0x3082, v10;
	v11 =	vsel vm5, $0x3083, v11  }
0x40: {  	v12 =	vsel vm5, $0x3084, v12;
	v13 =	vsel vm5, $0x3085, v13;
	v14 =	vsel vm5, $0x3086, v14  }
0x41: {  	v15 =	vsel vm5, $0x3087, v15;
	v0 =	vsel vm4, $0x1100, v0;
	v1 =	vsel vm4, $0x1101, v1  }
0x42: {  	v2 =	vsel vm4, $0x1102, v2;
	v3 =	vsel vm4, $0x1103, v3;
	v4 =	vsel vm4, $0x1104, v4  }
0x43: {  	v5 =	vsel vm4, $0x1105, v5;
	v6 =	vsel vm4, $0x1106, v6;
	v7 =	vsel vm4, $0x1107, v7  }
0x44: {  	v8 =	vsel vm4, $0x3100, v8;
	v9 =	vsel vm4, $0x3101, v9;
	v10 =	vsel vm4, $0x3102, v10  }
0x45: {  	v11 =	vsel vm4, $0x3103, v11;
	v12 =	vsel vm4, $0x3104, v12;
	v13 =	vsel vm4, $0x3105, v13  }
0x46: {  	v14 =	vsel vm4, $0x3106, v14;
	v15 =	vsel vm4, $0x3107, v15;
	v0 =	vsel vm3, $0x1180, v0  }
0x47: {  	v1 =	vsel vm3, $0x1181, v1;
	v2 =	vsel vm3, $0x1182, v2;
	v3 =	vsel vm3, $0x1183, v3  }
0x48: {  	v4 =	vsel vm3, $0x1184, v4;
	v5 =	vsel vm3, $0x1185, v5;
	v6 =	vsel vm3, $0x1186, v6  }
0x49: {  	v7 =	vsel vm3, $0x1187, v7;
	v8 =	vsel vm3, $0x3180, v8;
	v9 =	vsel vm3, $0x3181, v9  }
0x4a: {  	v10 =	vsel vm3, $0x3182, v10;
	v11 =	vsel vm3, $0x3183, v11;
	v12 =	vsel vm3, $0x3184, v12  }
0x4b: {  	v13 =	vsel vm3, $0x3185, v13;
	v14 =	vsel vm3, $0x3186, v14;
	v15 =	vsel vm3, $0x3187, v15  }
0x4c: {  	s0 =	rddreg [dreg:$0x0];
	v0 =	vsel vm2, $0x1200, v0;
	v1 =	vsel vm2, $0x1201, v1;
	v2 =	vsel vm2, $0x1202, v2  }
0x4d: {  	s1 =	rddreg [dreg:$0x1];
	v3 =	vsel vm2, $0x1203, v3;
	v4 =	vsel vm2, $0x1204, v4;
	v5 =	vsel vm2, $0x1205, v5  }
0x4e: {  	s2 =	srdreg.scid;
	s4 =	stileid.u32;
	v6 =	vsel vm2, $0x1206, v6;
	v7 =	vsel vm2, $0x1207, v7;
	v8 =	vsel vm2, $0x3200, v8  }
0x4f: {  	s3 =	simm.s32 $0x0;
	s15 =	simm.s32 $0x200;
	s16 =	simm.s32 $0x1;
	v9 =	vsel vm2, $0x3201, v9;
	v10 =	vsel vm2, $0x3202, v10;
	v11 =	vsel vm2, $0x3203, v11  }
0x50: {  	s18 =	simm.s32 $0x2;
	s20 =	simm.s32 $0x3;
	s28 =	simm.s32 $0xC490;
	v12 =	vsel vm2, $0x3204, v12;
	v13 =	vsel vm2, $0x3205, v13;
	v14 =	vsel vm2, $0x3206, v14  }
0x51: {  	s29 =	simm.s32 $0xD490;
	s30 =	simm.s32 $0xE490;
	s31 =	simm.s32 $0xF490;
	v15 =	vsel vm2, $0x3207, v15;
	v0 =	vsel vm1, $0x1280, v0;
	v1 =	vsel vm1, $0x1281, v1  }
0x52: {  	s2 =	sand.u32 $0x1, s2;
	s4 =	sshll.u32 s4, $0x1;
	[smem:$0x7FF] =	sst s3;
	v2 =	vsel vm1, $0x1282, v2;
	v3 =	vsel vm1, $0x1283, v3;
	v4 =	vsel vm1, $0x1284, v4  }
0x53: {  	s5 =	sadd.s32 $0xF42A00, s0;
	s9 =	sadd.s32 $0x4000, s1;
	s7 =	sor.u32 s2, s4;
	v5 =	vsel vm1, $0x1285, v5;
	v6 =	vsel vm1, $0x1286, v6;
	v7 =	vsel vm1, $0x1287, v7  }
0x54: {  	s10 =	sadd.s32 $0x8000, s1;
	s11 =	sadd.s32 $0xC000, s1;
	s8 =	smul.u32 $0xC80, s7;
	v8 =	vsel vm1, $0x3280, v8;
	v9 =	vsel vm1, $0x3281, v9;
	v10 =	vsel vm1, $0x3282, v10  }
0x55: {  	_ =	strace $0x80000047;
	s24 =	ssub.s32 $0x2, s2;
	s6 =	smul.u32 $0xC8, s7;
	v11 =	vsel vm1, $0x3283, v11;
	v12 =	vsel vm1, $0x3284, v12;
	v13 =	vsel vm1, $0x3285, v13  }
0x56: {  	s4 =	sadd.s32 $0x600, s0;
	s2 =	sshrl.u32 s24, $0x1;
	s26 =	smul.u32 $0x6400, s7;
	v14 =	vsel vm1, $0x3286, v14;
	v15 =	vsel vm1, $0x3287, v15;
	v0 =	vsel vm0, $0x1300, v0  }
.Ltmp0:
0x57: {  	s0 =	ssub.s32 s24, s2;
	s8 =	sadd.s32 s4, s8;
	v1 =	vsel vm0, $0x1301, v1;
	v2 =	vsel vm0, $0x1302, v2;
	v10 =	vsel vm0, $0x3302, v10;
	(pc) =	sbr.rel .LBB2_1-.Ltmp0, $4  }
0x58: {  	s24 =	simm.s32 $0xB400;
	s7 =	sadd.s32 $0x400, s26;
	[dreg:$0x3] =	wrdreg s8;
	v3 =	vsel vm0, $0x1303, v3;
	v4 =	vsel vm0, $0x1304, v4;
	v11 =	vsel vm0, $0x3303, v11  }
0x59: {  	s2 =	simm.s32 $0x0;
	s0 =	smax.u32 s0, $0x1;
	[dreg:$0x5] =	wrdreg s7;
	v5 =	vsel vm0, $0x1305, v5;
	v6 =	vsel vm0, $0x1306, v6;
	v12 =	vsel vm0, $0x3304, v12  }
0x5a: {  	s13 =	sadd.s32 $0x600, s26;
	s25 =	sadd.s32 $0x40, s8;
	[dreg:$0x6] =	wrdreg s0;
	v7 =	vsel vm0, $0x1307, v7;
	v8 =	vsel vm0, $0x3300, v8;
	v13 =	vsel vm0, $0x3305, v13  }
0x5b: {  	s26 =	simm.s32 $0x6;
	[dreg:$0x4] =	wrdreg s25;
	s25 =	simm.s32 $0x4;
	v9 =	vsel vm0, $0x3301, v9;
	v14 =	vsel vm0, $0x3306, v14;
	v15 =	vsel vm0, $0x3307, v15  }
.LBB2_12:
0x5c: {  	s0 =	simm.s32 $0x5  }
0x5d: {  	_ =	swait.ge [sflag:s0], $0x1000  }
0x5e: {  	[sflag:s0] =	ssyncset.done $0x0  }
0x5f: {  	[sflag:s0] =	ssyncadd.s32 $0xFFFFF000  }
0x60: {  	_ =	swait.ge [sflag:s0], $0x1000  }
0x61: {  	[sflag:s0] =	ssyncset.done $0x0  }
0x62: {  	[sflag:s0] =	ssyncadd.s32 $0xFFFFF000  }
0x63: {  	_ =	swait.ge [sflag:s0], $0x1000  }
0x64: {  	[sflag:s0] =	ssyncset.done $0x0  }
0x65: {  	[sflag:s0] =	ssyncadd.s32 $0xFFFFF000  }
0x66: {  	_ =	swait.ge [sflag:s0], $0x1000  }
0x67: {  	[sflag:s0] =	ssyncset.done $0x0  }
0x68: {  	[sflag:s0] =	ssyncadd.s32 $0xFFFFF000  }
0x69: {  	_ =	swait.ge [sflag:s26], $0x1000  }
0x6a: {  	[sflag:s26] =	ssyncset.done $0x0  }
0x6b: {  	[sflag:s26] =	ssyncadd.s32 $0xFFFFF000  }
0x6c: {  	_ =	swait.ge [sflag:s26], $0x1000  }
0x6d: {  	[sflag:s26] =	ssyncset.done $0x0  }
0x6e: {  	[sflag:s26] =	ssyncadd.s32 $0xFFFFF000  }
0x6f: {  	_ =	swait.ge [sflag:s26], $0x1000  }
0x70: {  	[sflag:s26] =	ssyncset.done $0x0  }
0x71: {  	[sflag:s26] =	ssyncadd.s32 $0xFFFFF000  }
0x72: {  	_ =	swait.ge [sflag:s26], $0x1000  }
0x73: {  	s2 =	rddreg [dreg:$0x7]  }
0x74: {  	s23 =	rddreg [dreg:$0x6];
	s2 =	sadd.s32 $0x1, s2  }
0x75: {  	p0 =	sne.s32 s2, s23  }
.Ltmp1:
0x76: {  	_ = 	snop;
	(pc) =	sbr.rel @!p0 .LBB2_13-.Ltmp1, $3  }
0x77: {  	_ =	sdelay $0x1  }
0x78: {  	[sflag:s26] =	ssyncset.done $0x0  }
0x79: {  	[sflag:s26] =	ssyncadd.s32 $0xFFFFF000  }
.LBB2_1:
0x7a: {  	[dreg:$0x7] =	wrdreg s2  }
0x7b: {  	s0 =	rddreg [dreg:$0x3]  }
0x7c: {  	[tilespmem:s3], [sflag:$0x1] =	stream.linear.gather [hbm4b:s0+s3], $0x200, $0x38;
	[tilespmem:$0x10520] =	vst v63  }
0x7d: {  	s22 =	rddreg [dreg:$0x4]  }
0x7e: {  	[tilespmem:s15], [sflag:$0x2] =	stream.linear.gather [hbm4b:s22+s3], $0x200, $0x38;
	[tilespmem:$0x10520] =	vst v63  }
0x7f: {  	_ =	swait.ge [sflag:s16], $0x200  }
0x80: {  	[sflag:s16] =	ssyncset.done $0x0  }
0x81: {  	s23 =	simm.s32 $0x400;
	s8 =	simm.s32 $0x0;
	[sflag:s16] =	ssyncadd.s32 $0xFFFFFE00  }
0x82: {  	[tilespmem:s23], [sflag:$0x3] =	stream.indirect.gather [hbm4b:s5+s15], $0x20, s3, s15, $0xb8;
	[tilespmem:$0x10520] =	vst v63  }
.LBB2_2:
0x83: {  	_ =	swait.ge [sflag:s18], $0x200  }
0x84: {  	[sflag:s18] =	ssyncset.done $0x0  }
0x85: {  	s0 =	simm.s32 $0x4400;
	[sflag:s18] =	ssyncadd.s32 $0xFFFFFE00  }
0x86: {  	[tilespmem:s0], [sflag:$0x4] =	stream.indirect.gather [hbm4b:s5+s15], $0x20, s15, s15, $0xb8;
	[tilespmem:$0x10520] =	vst v63  }
0x87: {  	_ =	swait.ge [sflag:s20], $0x4000  }
0x88: {  	p0 =	seq.s32 s8, $0x0;
	[sflag:s20] =	ssyncset.done $0x0  }
0x89: {  	s0 =	simm.s32 @!p0 $0x5;
	[sflag:s20] =	ssyncadd.s32 $0xFFFFC000  }
0x8a: {  	_ =	swait.ge @!p0 [sflag:s0], $0x1000  }
0x8b: {  	[sflag:s0] =	ssyncset.done @!p0 $0x0  }
0x8c: {  	[sflag:s0] =	ssyncadd.s32 @!p0 $0xFFFFF000  }
0x8d: {  	_ =	swait.ge @!p0 [sflag:s0], $0x1000  }
0x8e: {  	[sflag:s0] =	ssyncset.done @!p0 $0x0  }
0x8f: {  	[sflag:s0] =	ssyncadd.s32 @!p0 $0xFFFFF000  }
0x90: {  	_ =	swait.ge @!p0 [sflag:s0], $0x1000  }
0x91: {  	[sflag:s0] =	ssyncset.done @!p0 $0x0  }
0x92: {  	[sflag:s0] =	ssyncadd.s32 @!p0 $0xFFFFF000  }
0x93: {  	_ =	swait.ge @!p0 [sflag:s0], $0x1000  }
0x94: {  	[sflag:s0] =	ssyncset.done @!p0 $0x0  }
0x95: {  	s14 =	simm.s32 $0x2400;
	[sflag:s0] =	ssyncadd.s32 @!p0 $0xFFFFF000  }
0x96: {  	v16 =	vld [tilespmem:s14+$0xFFFFE0E0]  }
0x97: {  	v17 =	vld [tilespmem:s14+$0xFFFFE0C0]  }
0x98: {  	v19 =	vld [tilespmem:s14+$0xFFFFE000]  }
0x99: {  	v20 =	vld [tilespmem:s14+$0xFFFFE020]  }
0x9a: {  	v21 =	vld [tilespmem:s14+$0xFFFFE040]  }
0x9b: {  	v22 =	vld [tilespmem:s14+$0xFFFFE060]  }
0x9c: {  	s2 =	simm.s32 $0x0;
	v23 =	vld [tilespmem:s14+$0xFFFFE080]  }
0x9d: {  	v18 =	vld [tilespmem:s14+$0xFFFFE0A0];
	[tilespmem:v0+s2+$0x8400] =	vst.idx.msk $0xffff, v19  }
0x9e: {  	[tilespmem:v1+s2+$0x8400] =	vst.idx.msk $0xffff, v20  }
0x9f: {  	[tilespmem:v2+s2+$0x8400] =	vst.idx.msk $0xffff, v21  }
0xa0: {  	[tilespmem:v3+s2+$0x8400] =	vst.idx.msk $0xffff, v22  }
0xa1: {  	[tilespmem:v4+s2+$0x8400] =	vst.idx.msk $0xffff, v23  }
0xa2: {  	[tilespmem:v5+s2+$0x8400] =	vst.idx.msk $0xffff, v18  }
0xa3: {  	[tilespmem:v6+s2+$0x8400] =	vst.idx.msk $0xffff, v17  }
0xa4: {  	[tilespmem:v7+s2+$0x8400] =	vst.idx.msk $0xffff, v16  }
0xa5: {  	v16 =	vld [tilespmem:s14+$0xFFFFE070]  }
0xa6: {  	v17 =	vld [tilespmem:s14+$0xFFFFE050]  }
0xa7: {  	v19 =	vld [tilespmem:s14+$0xFFFFE010]  }
0xa8: {  	v18 =	vld [tilespmem:s14+$0xFFFFE030]  }
0xa9: {  	v20 =	vld [tilespmem:s14+$0xFFFFE090]  }
0xaa: {  	v21 =	vld [tilespmem:s14+$0xFFFFE0B0]  }
0xab: {  	v22 =	vld [tilespmem:s14+$0xFFFFE0D0]  }
0xac: {  	v23 =	vld [tilespmem:s14+$0xFFFFE0F0];
	[tilespmem:v8+s2+$0x8400] =	vst.idx.msk $0xffff, v19  }
0xad: {  	[tilespmem:v9+s2+$0x8400] =	vst.idx.msk $0xffff, v18  }
0xae: {  	[tilespmem:v10+s2+$0x8400] =	vst.idx.msk $0xffff, v17  }
0xaf: {  	[tilespmem:v11+s2+$0x8400] =	vst.idx.msk $0xffff, v16  }
0xb0: {  	[tilespmem:v12+s2+$0x8400] =	vst.idx.msk $0xffff, v20  }
0xb1: {  	[tilespmem:v13+s2+$0x8400] =	vst.idx.msk $0xffff, v21  }
0xb2: {  	[tilespmem:v14+s2+$0x8400] =	vst.idx.msk $0xffff, v22  }
0xb3: {  	[tilespmem:v15+s2+$0x8400] =	vst.idx.msk $0xffff, v23  }
0xb4: {  	v16 =	vld [tilespmem:s14+$0xFFFFF060]  }
0xb5: {  	v17 =	vld [tilespmem:s14+$0xFFFFF040]  }
0xb6: {  	v19 =	vld [tilespmem:s14+$0xFFFFF000]  }
0xb7: {  	v18 =	vld [tilespmem:s14+$0xFFFFF020]  }
0xb8: {  	v20 =	vld [tilespmem:s14+$0xFFFFF0E0]  }
0xb9: {  	v21 =	vld [tilespmem:s14+$0xFFFFF0A0]  }
0xba: {  	v22 =	vld [tilespmem:s14+$0xFFFFF080]  }
0xbb: {  	v23 =	vld [tilespmem:s14+$0xFFFFF0C0];
	[tilespmem:v0+s2+$0x8800] =	vst.idx.msk $0xffff, v19  }
0xbc: {  	[tilespmem:v1+s2+$0x8800] =	vst.idx.msk $0xffff, v18  }
0xbd: {  	[tilespmem:v2+s2+$0x8800] =	vst.idx.msk $0xffff, v17  }
0xbe: {  	[tilespmem:v3+s2+$0x8800] =	vst.idx.msk $0xffff, v16  }
0xbf: {  	[tilespmem:v4+s2+$0x8800] =	vst.idx.msk $0xffff, v22  }
0xc0: {  	[tilespmem:v5+s2+$0x8800] =	vst.idx.msk $0xffff, v21  }
0xc1: {  	s7 =	simm.s32 $0x2500;
	[tilespmem:v6+s2+$0x8800] =	vst.idx.msk $0xffff, v23  }
0xc2: {  	v24 =	vld [tilespmem:s7+$0xFFFFE060];
	[tilespmem:v7+s2+$0x8800] =	vst.idx.msk $0xffff, v20  }
0xc3: {  	v16 =	vld [tilespmem:s14+$0xFFFFF0D0]  }
0xc4: {  	v17 =	vld [tilespmem:s14+$0xFFFFF050]  }
0xc5: {  	v19 =	vld [tilespmem:s14+$0xFFFFF010]  }
0xc6: {  	v18 =	vld [tilespmem:s14+$0xFFFFF030]  }
0xc7: {  	v20 =	vld [tilespmem:s14+$0xFFFFF0F0]  }
0xc8: {  	v21 =	vld [tilespmem:s14+$0xFFFFF070]  }
0xc9: {  	v22 =	vld [tilespmem:s14+$0xFFFFF090]  }
0xca: {  	v23 =	vld [tilespmem:s14+$0xFFFFF0B0];
	[tilespmem:v8+s2+$0x8800] =	vst.idx.msk $0xffff, v19  }
0xcb: {  	v25 =	vld [tilespmem:s7+$0xFFFFE080];
	[tilespmem:v9+s2+$0x8800] =	vst.idx.msk $0xffff, v18  }
0xcc: {  	v18 =	vld [tilespmem:s7+$0xFFFFE0E0];
	[tilespmem:v10+s2+$0x8800] =	vst.idx.msk $0xffff, v17  }
0xcd: {  	v17 =	vld [tilespmem:s7+$0xFFFFE0A0];
	[tilespmem:v11+s2+$0x8800] =	vst.idx.msk $0xffff, v21  }
0xce: {  	v21 =	vld [tilespmem:s7+$0xFFFFE000];
	[tilespmem:v12+s2+$0x8800] =	vst.idx.msk $0xffff, v22  }
0xcf: {  	v22 =	vld [tilespmem:s7+$0xFFFFE020];
	[tilespmem:v13+s2+$0x8800] =	vst.idx.msk $0xffff, v23  }
0xd0: {  	v23 =	vld [tilespmem:s7+$0xFFFFE040];
	[tilespmem:v14+s2+$0x8800] =	vst.idx.msk $0xffff, v16  }
0xd1: {  	v16 =	vld [tilespmem:s7+$0xFFFFE0C0];
	[tilespmem:v15+s2+$0x8800] =	vst.idx.msk $0xffff, v20  }
0xd2: {  	v19 =	vld [tilespmem:s14+$0xA0]  }
0xd3: {  	s0 =	simm.s32 $0x8;
	v20 =	vld [tilespmem:s14+$0x20]  }
0xd4: {  	v26 =	vld [tilespmem:s14+$0x40];
	[tilespmem:v0+s0+$0x8400] =	vst.idx.msk $0xffff, v21  }
0xd5: {  	v21 =	vld [tilespmem:s14+$0x0];
	[tilespmem:v1+s0+$0x8400] =	vst.idx.msk $0xffff, v22  }
0xd6: {  	v22 =	vld [tilespmem:s14+$0x80];
	[tilespmem:v2+s0+$0x8400] =	vst.idx.msk $0xffff, v23  }
0xd7: {  	v23 =	vld [tilespmem:s14+$0xC0];
	[tilespmem:v3+s0+$0x8400] =	vst.idx.msk $0xffff, v24  }
0xd8: {  	v24 =	vld [tilespmem:s14+$0x60];
	[tilespmem:v4+s0+$0x8400] =	vst.idx.msk $0xffff, v25  }
0xd9: {  	s12 =	simm.s32 $0x2600;
	v25 =	vld [tilespmem:s14+$0xE0];
	[tilespmem:v5+s0+$0x8400] =	vst.idx.msk $0xffff, v17  }
0xda: {  	v17 =	vld [tilespmem:s12+$0xFFFFE0E0];
	[tilespmem:v6+s0+$0x8400] =	vst.idx.msk $0xffff, v16  }
0xdb: {  	v16 =	vld [tilespmem:s12+$0xFFFFE0C0];
	[tilespmem:v7+s0+$0x8400] =	vst.idx.msk $0xffff, v18  }
0xdc: {  	[tilespmem:v0+s2+$0x8C00] =	vst.idx.msk $0xffff, v21;
	v18 =	vld [tilespmem:s7+$0xFFFFE070]  }
0xdd: {  	[tilespmem:v1+s2+$0x8C00] =	vst.idx.msk $0xffff, v20;
	v20 =	vld [tilespmem:s7+$0xFFFFE050]  }
0xde: {  	[tilespmem:v2+s2+$0x8C00] =	vst.idx.msk $0xffff, v26;
	v21 =	vld [tilespmem:s7+$0xFFFFE030]  }
0xdf: {  	[tilespmem:v3+s2+$0x8C00] =	vst.idx.msk $0xffff, v24;
	v24 =	vld [tilespmem:s7+$0xFFFFE010]  }
0xe0: {  	[tilespmem:v4+s2+$0x8C00] =	vst.idx.msk $0xffff, v22;
	v22 =	vld [tilespmem:s7+$0xFFFFE090]  }
0xe1: {  	[tilespmem:v5+s2+$0x8C00] =	vst.idx.msk $0xffff, v19;
	v19 =	vld [tilespmem:s7+$0xFFFFE0B0]  }
0xe2: {  	[tilespmem:v6+s2+$0x8C00] =	vst.idx.msk $0xffff, v23;
	v23 =	vld [tilespmem:s7+$0xFFFFE0D0]  }
0xe3: {  	[tilespmem:v7+s2+$0x8C00] =	vst.idx.msk $0xffff, v25;
	v25 =	vld [tilespmem:s7+$0xFFFFE0F0]  }
0xe4: {  	[tilespmem:v8+s0+$0x8400] =	vst.idx.msk $0xffff, v24;
	v24 =	vld [tilespmem:s14+$0x10]  }
0xe5: {  	[tilespmem:v9+s0+$0x8400] =	vst.idx.msk $0xffff, v21;
	v21 =	vld [tilespmem:s14+$0x30]  }
0xe6: {  	[tilespmem:v10+s0+$0x8400] =	vst.idx.msk $0xffff, v20;
	v20 =	vld [tilespmem:s14+$0x50]  }
0xe7: {  	[tilespmem:v11+s0+$0x8400] =	vst.idx.msk $0xffff, v18;
	v18 =	vld [tilespmem:s14+$0x70]  }
0xe8: {  	[tilespmem:v12+s0+$0x8400] =	vst.idx.msk $0xffff, v22;
	v22 =	vld [tilespmem:s14+$0x90]  }
0xe9: {  	[tilespmem:v13+s0+$0x8400] =	vst.idx.msk $0xffff, v19;
	v19 =	vld [tilespmem:s14+$0xB0]  }
0xea: {  	[tilespmem:v14+s0+$0x8400] =	vst.idx.msk $0xffff, v23;
	v23 =	vld [tilespmem:s14+$0xD0]  }
0xeb: {  	[tilespmem:v15+s0+$0x8400] =	vst.idx.msk $0xffff, v25;
	v25 =	vld [tilespmem:s14+$0xF0]  }
0xec: {  	[tilespmem:v8+s2+$0x8C00] =	vst.idx.msk $0xffff, v24;
	v26 =	vld [tilespmem:s7+$0xFFFFF060]  }
0xed: {  	v24 =	vld [tilespmem:s7+$0xFFFFF040];
	[tilespmem:v9+s2+$0x8C00] =	vst.idx.msk $0xffff, v21  }
0xee: {  	v21 =	vld [tilespmem:s7+$0xFFFFF020];
	[tilespmem:v10+s2+$0x8C00] =	vst.idx.msk $0xffff, v20  }
0xef: {  	v20 =	vld [tilespmem:s7+$0xFFFFF000];
	[tilespmem:v11+s2+$0x8C00] =	vst.idx.msk $0xffff, v18  }
0xf0: {  	v18 =	vld [tilespmem:s7+$0xFFFFF0E0];
	[tilespmem:v12+s2+$0x8C00] =	vst.idx.msk $0xffff, v22  }
0xf1: {  	v22 =	vld [tilespmem:s7+$0xFFFFF0A0];
	[tilespmem:v13+s2+$0x8C00] =	vst.idx.msk $0xffff, v19  }
0xf2: {  	v19 =	vld [tilespmem:s7+$0xFFFFF080];
	[tilespmem:v14+s2+$0x8C00] =	vst.idx.msk $0xffff, v23  }
0xf3: {  	v23 =	vld [tilespmem:s7+$0xFFFFF0C0];
	[tilespmem:v15+s2+$0x8C00] =	vst.idx.msk $0xffff, v25  }
0xf4: {  	[tilespmem:v0+s0+$0x8800] =	vst.idx.msk $0xffff, v20;
	v20 =	vld [tilespmem:s14+$0x1080]  }
0xf5: {  	[tilespmem:v1+s0+$0x8800] =	vst.idx.msk $0xffff, v21;
	v21 =	vld [tilespmem:s14+$0x1000]  }
0xf6: {  	v25 =	vld [tilespmem:s14+$0x1020];
	[tilespmem:v2+s0+$0x8800] =	vst.idx.msk $0xffff, v24  }
0xf7: {  	v24 =	vld [tilespmem:s14+$0x1040];
	[tilespmem:v3+s0+$0x8800] =	vst.idx.msk $0xffff, v26  }
0xf8: {  	[tilespmem:v4+s0+$0x8800] =	vst.idx.msk $0xffff, v19;
	v19 =	vld [tilespmem:s14+$0x1060]  }
0xf9: {  	[tilespmem:v5+s0+$0x8800] =	vst.idx.msk $0xffff, v22;
	v22 =	vld [tilespmem:s14+$0x10A0]  }
0xfa: {  	[tilespmem:v6+s0+$0x8800] =	vst.idx.msk $0xffff, v23;
	v23 =	vld [tilespmem:s14+$0x10C0]  }
0xfb: {  	[tilespmem:v7+s0+$0x8800] =	vst.idx.msk $0xffff, v18;
	v18 =	vld [tilespmem:s14+$0x10E0]  }
0xfc: {  	[tilespmem:v0+s2+$0x9000] =	vst.idx.msk $0xffff, v21;
	v26 =	vld [tilespmem:s7+$0xFFFFF0D0]  }
0xfd: {  	v27 =	vld [tilespmem:s7+$0xFFFFF050];
	[tilespmem:v1+s2+$0x9000] =	vst.idx.msk $0xffff, v25  }
0xfe: {  	v21 =	vld [tilespmem:s7+$0xFFFFF030];
	[tilespmem:v2+s2+$0x9000] =	vst.idx.msk $0xffff, v24  }
0xff: {  	v24 =	vld [tilespmem:s7+$0xFFFFF010];
	[tilespmem:v3+s2+$0x9000] =	vst.idx.msk $0xffff, v19  }
0x100: {  	v25 =	vld [tilespmem:s7+$0xFFFFF0F0];
	[tilespmem:v4+s2+$0x9000] =	vst.idx.msk $0xffff, v20  }
0x101: {  	v20 =	vld [tilespmem:s7+$0xFFFFF070];
	[tilespmem:v5+s2+$0x9000] =	vst.idx.msk $0xffff, v22  }
0x102: {  	v22 =	vld [tilespmem:s7+$0xFFFFF090];
	[tilespmem:v6+s2+$0x9000] =	vst.idx.msk $0xffff, v23  }
0x103: {  	v23 =	vld [tilespmem:s7+$0xFFFFF0B0];
	[tilespmem:v7+s2+$0x9000] =	vst.idx.msk $0xffff, v18  }
0x104: {  	[tilespmem:v8+s0+$0x8800] =	vst.idx.msk $0xffff, v24;
	v19 =	vld [tilespmem:s14+$0x10F0]  }
0x105: {  	[tilespmem:v9+s0+$0x8800] =	vst.idx.msk $0xffff, v21;
	v21 =	vld [tilespmem:s14+$0x1050]  }
0x106: {  	v24 =	vld [tilespmem:s14+$0x10B0];
	[tilespmem:v10+s0+$0x8800] =	vst.idx.msk $0xffff, v27  }
0x107: {  	[tilespmem:v11+s0+$0x8800] =	vst.idx.msk $0xffff, v20;
	v20 =	vld [tilespmem:s14+$0x1010]  }
0x108: {  	v27 =	vld [tilespmem:s14+$0x1030];
	[tilespmem:v12+s0+$0x8800] =	vst.idx.msk $0xffff, v22  }
0x109: {  	v22 =	vld [tilespmem:s14+$0x1070];
	[tilespmem:v13+s0+$0x8800] =	vst.idx.msk $0xffff, v23  }
0x10a: {  	v23 =	vld [tilespmem:s14+$0x1090];
	[tilespmem:v14+s0+$0x8800] =	vst.idx.msk $0xffff, v26  }
0x10b: {  	[tilespmem:v15+s0+$0x8800] =	vst.idx.msk $0xffff, v25;
	v25 =	vld [tilespmem:s14+$0x10D0]  }
0x10c: {  	s19 =	simm.s32 $0x40;
	v18 =	vld [tilespmem:s7+$0xA0];
	[tilespmem:v8+s2+$0x9000] =	vst.idx.msk $0xffff, v20  }
0x10d: {  	s21 =	simm.s32 $0x60;
	s17 =	simm.s32 $0x2600;
	s14 =	sshll.u32 s8, $0xA;
	v20 =	vld [tilespmem:s7+$0x20];
	[tilespmem:v9+s2+$0x9000] =	vst.idx.msk $0xffff, v27  }
.LBB2_3:
0x10e: {  	p1 =	sne.s32 s21, $0x1E0;
	v26 =	vld [tilespmem:s7+$0x40];
	[tilespmem:v10+s2+$0x9000] =	vst.idx.msk $0xffff, v21;
	s22 =	smov.u32 s21;
	s21 =	sadd.s32 $0x20, s21  }
0x10f: {  	v21 =	vld [tilespmem:s7+$0x0];
	[tilespmem:v11+s2+$0x9000] =	vst.idx.msk $0xffff, v22  }
0x110: {  	v22 =	vld [tilespmem:s7+$0x80];
	[tilespmem:v12+s2+$0x9000] =	vst.idx.msk $0xffff, v23  }
0x111: {  	v23 =	vld [tilespmem:s7+$0xC0];
	[tilespmem:v13+s2+$0x9000] =	vst.idx.msk $0xffff, v24  }
0x112: {  	v24 =	vld [tilespmem:s7+$0x60];
	[tilespmem:v14+s2+$0x9000] =	vst.idx.msk $0xffff, v25  }
0x113: {  	v25 =	vld [tilespmem:s7+$0xE0];
	[tilespmem:v15+s2+$0x9000] =	vst.idx.msk $0xffff, v19;
	s2 =	smov.u32 s0  }
0x114: {  	v19 =	vld [tilespmem:s12+$0xFFFFE0A0];
	[tilespmem:v0+s2+$0x8C00] =	vst.idx.msk $0xffff, v21  }
0x115: {  	v21 =	vld [tilespmem:s12+$0xFFFFE000];
	[tilespmem:v1+s2+$0x8C00] =	vst.idx.msk $0xffff, v20  }
0x116: {  	v20 =	vld [tilespmem:s12+$0xFFFFE020];
	[tilespmem:v2+s2+$0x8C00] =	vst.idx.msk $0xffff, v26  }
0x117: {  	v26 =	vld [tilespmem:s12+$0xFFFFE040];
	[tilespmem:v3+s2+$0x8C00] =	vst.idx.msk $0xffff, v24  }
0x118: {  	v24 =	vld [tilespmem:s12+$0xFFFFE060];
	[tilespmem:v4+s2+$0x8C00] =	vst.idx.msk $0xffff, v22  }
0x119: {  	s0 =	sshra.s32 s19, $0x2;
	s19 =	smov.u32 s22;
	v22 =	vld [tilespmem:s12+$0xFFFFE080];
	[tilespmem:v5+s2+$0x8C00] =	vst.idx.msk $0xffff, v18  }
0x11a: {  	[tilespmem:v0+s0+$0x8400] =	vst.idx.msk $0xffff, v21  }
0x11b: {  	[tilespmem:v1+s0+$0x8400] =	vst.idx.msk $0xffff, v20  }
0x11c: {  	[tilespmem:v2+s0+$0x8400] =	vst.idx.msk $0xffff, v26  }
0x11d: {  	[tilespmem:v3+s0+$0x8400] =	vst.idx.msk $0xffff, v24  }
0x11e: {  	[tilespmem:v4+s0+$0x8400] =	vst.idx.msk $0xffff, v22  }
0x11f: {  	s12 =	sadd.s32 $0x100, s12;
	[tilespmem:v5+s0+$0x8400] =	vst.idx.msk $0xffff, v19  }
0x120: {  	v18 =	vld [tilespmem:s12+$0xFFFFE0E0];
	[tilespmem:v6+s0+$0x8400] =	vst.idx.msk $0xffff, v16  }
0x121: {  	v16 =	vld [tilespmem:s12+$0xFFFFE0C0];
	[tilespmem:v7+s0+$0x8400] =	vst.idx.msk $0xffff, v17  }
0x122: {  	v19 =	vld [tilespmem:s17+$0xFFFFE070];
	[tilespmem:v6+s2+$0x8C00] =	vst.idx.msk $0xffff, v23  }
0x123: {  	v20 =	vld [tilespmem:s17+$0xFFFFE050];
	[tilespmem:v7+s2+$0x8C00] =	vst.idx.msk $0xffff, v25  }
0x124: {  	v21 =	vld [tilespmem:s17+$0xFFFFE030]  }
0x125: {  	v22 =	vld [tilespmem:s17+$0xFFFFE010];
	v17 =	vmov v18  }
0x126: {  	v18 =	vld [tilespmem:s17+$0xFFFFE090]  }
0x127: {  	v23 =	vld [tilespmem:s17+$0xFFFFE0B0]  }
0x128: {  	v24 =	vld [tilespmem:s17+$0xFFFFE0D0]  }
0x129: {  	v25 =	vld [tilespmem:s17+$0xFFFFE0F0]  }
0x12a: {  	[tilespmem:v8+s0+$0x8400] =	vst.idx.msk $0xffff, v22;
	v22 =	vld [tilespmem:s7+$0x10]  }
0x12b: {  	[tilespmem:v9+s0+$0x8400] =	vst.idx.msk $0xffff, v21;
	v21 =	vld [tilespmem:s7+$0x30]  }
0x12c: {  	[tilespmem:v10+s0+$0x8400] =	vst.idx.msk $0xffff, v20;
	v20 =	vld [tilespmem:s7+$0x50]  }
0x12d: {  	[tilespmem:v11+s0+$0x8400] =	vst.idx.msk $0xffff, v19;
	v19 =	vld [tilespmem:s7+$0x70]  }
0x12e: {  	[tilespmem:v12+s0+$0x8400] =	vst.idx.msk $0xffff, v18;
	v18 =	vld [tilespmem:s7+$0x90]  }
0x12f: {  	[tilespmem:v13+s0+$0x8400] =	vst.idx.msk $0xffff, v23;
	v23 =	vld [tilespmem:s7+$0xB0]  }
0x130: {  	[tilespmem:v14+s0+$0x8400] =	vst.idx.msk $0xffff, v24;
	v24 =	vld [tilespmem:s7+$0xD0]  }
0x131: {  	[tilespmem:v15+s0+$0x8400] =	vst.idx.msk $0xffff, v25;
	v25 =	vld [tilespmem:s7+$0xF0]  }
0x132: {  	v26 =	vld [tilespmem:s17+$0xFFFFF060];
	[tilespmem:v8+s2+$0x8C00] =	vst.idx.msk $0xffff, v22  }
0x133: {  	v22 =	vld [tilespmem:s17+$0xFFFFF040];
	[tilespmem:v9+s2+$0x8C00] =	vst.idx.msk $0xffff, v21  }
0x134: {  	v21 =	vld [tilespmem:s17+$0xFFFFF020];
	[tilespmem:v10+s2+$0x8C00] =	vst.idx.msk $0xffff, v20  }
0x135: {  	v20 =	vld [tilespmem:s17+$0xFFFFF000];
	[tilespmem:v11+s2+$0x8C00] =	vst.idx.msk $0xffff, v19  }
0x136: {  	v19 =	vld [tilespmem:s17+$0xFFFFF0E0];
	[tilespmem:v12+s2+$0x8C00] =	vst.idx.msk $0xffff, v18  }
0x137: {  	v18 =	vld [tilespmem:s17+$0xFFFFF0A0];
	[tilespmem:v13+s2+$0x8C00] =	vst.idx.msk $0xffff, v23  }
0x138: {  	v23 =	vld [tilespmem:s17+$0xFFFFF080];
	[tilespmem:v14+s2+$0x8C00] =	vst.idx.msk $0xffff, v24  }
0x139: {  	v24 =	vld [tilespmem:s17+$0xFFFFF0C0];
	[tilespmem:v15+s2+$0x8C00] =	vst.idx.msk $0xffff, v25  }
0x13a: {  	[tilespmem:v0+s0+$0x8800] =	vst.idx.msk $0xffff, v20;
	v20 =	vld [tilespmem:s7+$0x1080]  }
0x13b: {  	[tilespmem:v1+s0+$0x8800] =	vst.idx.msk $0xffff, v21;
	v21 =	vld [tilespmem:s7+$0x1000]  }
0x13c: {  	[tilespmem:v2+s0+$0x8800] =	vst.idx.msk $0xffff, v22;
	v22 =	vld [tilespmem:s7+$0x1040]  }
0x13d: {  	[tilespmem:v3+s0+$0x8800] =	vst.idx.msk $0xffff, v26;
	v25 =	vld [tilespmem:s7+$0x1020]  }
0x13e: {  	[tilespmem:v4+s0+$0x8800] =	vst.idx.msk $0xffff, v23;
	v23 =	vld [tilespmem:s7+$0x1060]  }
0x13f: {  	[tilespmem:v5+s0+$0x8800] =	vst.idx.msk $0xffff, v18;
	v18 =	vld [tilespmem:s7+$0x10A0]  }
0x140: {  	[tilespmem:v6+s0+$0x8800] =	vst.idx.msk $0xffff, v24;
	v24 =	vld [tilespmem:s7+$0x10C0]  }
0x141: {  	[tilespmem:v7+s0+$0x8800] =	vst.idx.msk $0xffff, v19;
	v19 =	vld [tilespmem:s7+$0x10E0]  }
0x142: {  	v26 =	vld [tilespmem:s17+$0xFFFFF0D0];
	[tilespmem:v0+s2+$0x9000] =	vst.idx.msk $0xffff, v21  }
0x143: {  	v27 =	vld [tilespmem:s17+$0xFFFFF050];
	[tilespmem:v1+s2+$0x9000] =	vst.idx.msk $0xffff, v25  }
0x144: {  	v21 =	vld [tilespmem:s17+$0xFFFFF030];
	[tilespmem:v2+s2+$0x9000] =	vst.idx.msk $0xffff, v22  }
0x145: {  	v22 =	vld [tilespmem:s17+$0xFFFFF010];
	[tilespmem:v3+s2+$0x9000] =	vst.idx.msk $0xffff, v23  }
0x146: {  	v25 =	vld [tilespmem:s17+$0xFFFFF0F0];
	[tilespmem:v4+s2+$0x9000] =	vst.idx.msk $0xffff, v20  }
0x147: {  	v20 =	vld [tilespmem:s17+$0xFFFFF070];
	[tilespmem:v5+s2+$0x9000] =	vst.idx.msk $0xffff, v18  }
0x148: {  	v18 =	vld [tilespmem:s17+$0xFFFFF090];
	[tilespmem:v6+s2+$0x9000] =	vst.idx.msk $0xffff, v24  }
0x149: {  	v23 =	vld [tilespmem:s17+$0xFFFFF0B0];
	[tilespmem:v7+s2+$0x9000] =	vst.idx.msk $0xffff, v19  }
0x14a: {  	[tilespmem:v8+s0+$0x8800] =	vst.idx.msk $0xffff, v22;
	v19 =	vld [tilespmem:s7+$0x10F0]  }
0x14b: {  	[tilespmem:v9+s0+$0x8800] =	vst.idx.msk $0xffff, v21;
	v21 =	vld [tilespmem:s7+$0x1050]  }
0x14c: {  	[tilespmem:v10+s0+$0x8800] =	vst.idx.msk $0xffff, v27;
	v27 =	vld [tilespmem:s7+$0x1030]  }
0x14d: {  	[tilespmem:v11+s0+$0x8800] =	vst.idx.msk $0xffff, v20;
	v20 =	vld [tilespmem:s7+$0x1010]  }
0x14e: {  	[tilespmem:v12+s0+$0x8800] =	vst.idx.msk $0xffff, v18;
	v22 =	vld [tilespmem:s7+$0x1070]  }
.Ltmp2:
0x14f: {  	[tilespmem:v13+s0+$0x8800] =	vst.idx.msk $0xffff, v23;
	v23 =	vld [tilespmem:s7+$0x1090];
	(pc) =	sbr.rel @p1 .LBB2_3-.Ltmp2, $4  }
0x150: {  	[tilespmem:v14+s0+$0x8800] =	vst.idx.msk $0xffff, v26;
	v24 =	vld [tilespmem:s7+$0x10B0]  }
0x151: {  	[tilespmem:v15+s0+$0x8800] =	vst.idx.msk $0xffff, v25;
	v25 =	vld [tilespmem:s7+$0x10D0];
	s7 =	smov.u32 s17;
	s17 =	smov.u32 s12  }
0x152: {  	v18 =	vld [tilespmem:s7+$0xA0];
	[tilespmem:v8+s2+$0x9000] =	vst.idx.msk $0xffff, v20  }
0x153: {  	v20 =	vld [tilespmem:s7+$0x20];
	[tilespmem:v9+s2+$0x9000] =	vst.idx.msk $0xffff, v27  }
0x154: {  	v27 =	vld [tilespmem:s12+$0xFFFFE000]  }
0x155: {  	v28 =	vld [tilespmem:s12+$0xFFFFE020]  }
0x156: {  	v29 =	vld [tilespmem:s12+$0xFFFFE040]  }
0x157: {  	v30 =	vld [tilespmem:s12+$0xFFFFE060]  }
0x158: {  	v31 =	vld [tilespmem:s12+$0xFFFFE080];
	s21 =	sshra.s32 s19, $0x2  }
0x159: {  	v26 =	vld [tilespmem:s12+$0xFFFFE0A0];
	[tilespmem:v0+s21+$0x8400] =	vst.idx.msk $0xffff, v27  }
0x15a: {  	[tilespmem:v1+s21+$0x8400] =	vst.idx.msk $0xffff, v28  }
0x15b: {  	[tilespmem:v2+s21+$0x8400] =	vst.idx.msk $0xffff, v29  }
0x15c: {  	[tilespmem:v3+s21+$0x8400] =	vst.idx.msk $0xffff, v30  }
0x15d: {  	[tilespmem:v4+s21+$0x8400] =	vst.idx.msk $0xffff, v31  }
0x15e: {  	[tilespmem:v5+s21+$0x8400] =	vst.idx.msk $0xffff, v26  }
0x15f: {  	[tilespmem:v6+s21+$0x8400] =	vst.idx.msk $0xffff, v16  }
0x160: {  	[tilespmem:v7+s21+$0x8400] =	vst.idx.msk $0xffff, v17  }
0x161: {  	v16 =	vld [tilespmem:s17+$0xFFFFE070]  }
0x162: {  	v17 =	vld [tilespmem:s17+$0xFFFFE050]  }
0x163: {  	v27 =	vld [tilespmem:s17+$0xFFFFE010]  }
0x164: {  	v26 =	vld [tilespmem:s17+$0xFFFFE030]  }
0x165: {  	v28 =	vld [tilespmem:s17+$0xFFFFE090]  }
0x166: {  	v29 =	vld [tilespmem:s17+$0xFFFFE0B0]  }
0x167: {  	v30 =	vld [tilespmem:s17+$0xFFFFE0D0]  }
0x168: {  	v31 =	vld [tilespmem:s17+$0xFFFFE0F0];
	[tilespmem:v8+s21+$0x8400] =	vst.idx.msk $0xffff, v27  }
0x169: {  	[tilespmem:v9+s21+$0x8400] =	vst.idx.msk $0xffff, v26  }
0x16a: {  	[tilespmem:v10+s21+$0x8400] =	vst.idx.msk $0xffff, v17  }
0x16b: {  	[tilespmem:v11+s21+$0x8400] =	vst.idx.msk $0xffff, v16  }
0x16c: {  	[tilespmem:v12+s21+$0x8400] =	vst.idx.msk $0xffff, v28  }
0x16d: {  	[tilespmem:v13+s21+$0x8400] =	vst.idx.msk $0xffff, v29  }
0x16e: {  	[tilespmem:v14+s21+$0x8400] =	vst.idx.msk $0xffff, v30  }
0x16f: {  	[tilespmem:v15+s21+$0x8400] =	vst.idx.msk $0xffff, v31  }
0x170: {  	v16 =	vld [tilespmem:s17+$0xFFFFF060]  }
0x171: {  	v17 =	vld [tilespmem:s17+$0xFFFFF040]  }
0x172: {  	v27 =	vld [tilespmem:s17+$0xFFFFF000]  }
0x173: {  	v26 =	vld [tilespmem:s17+$0xFFFFF020]  }
0x174: {  	v28 =	vld [tilespmem:s17+$0xFFFFF0E0]  }
0x175: {  	v29 =	vld [tilespmem:s17+$0xFFFFF0A0]  }
0x176: {  	v30 =	vld [tilespmem:s17+$0xFFFFF080]  }
0x177: {  	v31 =	vld [tilespmem:s17+$0xFFFFF0C0];
	[tilespmem:v0+s21+$0x8800] =	vst.idx.msk $0xffff, v27  }
0x178: {  	[tilespmem:v1+s21+$0x8800] =	vst.idx.msk $0xffff, v26  }
0x179: {  	[tilespmem:v2+s21+$0x8800] =	vst.idx.msk $0xffff, v17  }
0x17a: {  	[tilespmem:v3+s21+$0x8800] =	vst.idx.msk $0xffff, v16  }
0x17b: {  	[tilespmem:v4+s21+$0x8800] =	vst.idx.msk $0xffff, v30  }
0x17c: {  	[tilespmem:v5+s21+$0x8800] =	vst.idx.msk $0xffff, v29  }
0x17d: {  	[tilespmem:v6+s21+$0x8800] =	vst.idx.msk $0xffff, v31  }
0x17e: {  	[tilespmem:v7+s21+$0x8800] =	vst.idx.msk $0xffff, v28  }
0x17f: {  	v16 =	vld [tilespmem:s17+$0xFFFFF0D0]  }
0x180: {  	[tilespmem:v10+s2+$0x9000] =	vst.idx.msk $0xffff, v21;
	v17 =	vld [tilespmem:s17+$0xFFFFF050]  }
0x181: {  	[tilespmem:v11+s2+$0x9000] =	vst.idx.msk $0xffff, v22;
	v52 =	vld [tilespmem:s17+$0xFFFFF010]  }
0x182: {  	[tilespmem:v12+s2+$0x9000] =	vst.idx.msk $0xffff, v23;
	v51 =	vld [tilespmem:s17+$0xFFFFF030]  }
0x183: {  	[tilespmem:v13+s2+$0x9000] =	vst.idx.msk $0xffff, v24;
	v53 =	vld [tilespmem:s17+$0xFFFFF0F0]  }
0x184: {  	[tilespmem:v14+s2+$0x9000] =	vst.idx.msk $0xffff, v25;
	v54 =	vld [tilespmem:s17+$0xFFFFF070]  }
0x185: {  	[tilespmem:v15+s2+$0x9000] =	vst.idx.msk $0xffff, v19;
	v55 =	vld [tilespmem:s17+$0xFFFFF090]  }
0x186: {  	v56 =	vld [tilespmem:s17+$0xFFFFF0B0];
	[tilespmem:v8+s21+$0x8800] =	vst.idx.msk $0xffff, v52  }
0x187: {  	[tilespmem:v9+s21+$0x8800] =	vst.idx.msk $0xffff, v51  }
0x188: {  	v57 =	vld [tilespmem:s7+$0x40];
	[tilespmem:v10+s21+$0x8800] =	vst.idx.msk $0xffff, v17  }
0x189: {  	v17 =	vld [tilespmem:s7+$0x0];
	[tilespmem:v11+s21+$0x8800] =	vst.idx.msk $0xffff, v54  }
0x18a: {  	v58 =	vld [tilespmem:s7+$0x80];
	[tilespmem:v12+s21+$0x8800] =	vst.idx.msk $0xffff, v55  }
0x18b: {  	v59 =	vld [tilespmem:s7+$0xC0];
	[tilespmem:v13+s21+$0x8800] =	vst.idx.msk $0xffff, v56  }
0x18c: {  	v60 =	vld [tilespmem:s7+$0x60];
	[tilespmem:v14+s21+$0x8800] =	vst.idx.msk $0xffff, v16  }
0x18d: {  	v16 =	vld [tilespmem:s7+$0xE0];
	[tilespmem:v15+s21+$0x8800] =	vst.idx.msk $0xffff, v53  }
0x18e: {  	[tilespmem:v0+s0+$0x8C00] =	vst.idx.msk $0xffff, v17;
	v17 =	vld [tilespmem:s17+$0xA0]  }
0x18f: {  	[tilespmem:v1+s0+$0x8C00] =	vst.idx.msk $0xffff, v20;
	v61 =	vld [tilespmem:s17+$0x20]  }
0x190: {  	v62 =	vld [tilespmem:s17+$0x40];
	[tilespmem:v2+s0+$0x8C00] =	vst.idx.msk $0xffff, v57  }
0x191: {  	v63 =	vld [tilespmem:s17+$0x0];
	[tilespmem:v3+s0+$0x8C00] =	vst.idx.msk $0xffff, v60  }
0x192: {  	v28 =	vld [tilespmem:s17+$0x80];
	[tilespmem:v4+s0+$0x8C00] =	vst.idx.msk $0xffff, v58  }
0x193: {  	v29 =	vld [tilespmem:s17+$0xC0];
	[tilespmem:v5+s0+$0x8C00] =	vst.idx.msk $0xffff, v18  }
0x194: {  	v23 =	vld [tilespmem:s17+$0x60];
	[tilespmem:v6+s0+$0x8C00] =	vst.idx.msk $0xffff, v59  }
0x195: {  	[tilespmem:v7+s0+$0x8C00] =	vst.idx.msk $0xffff, v16;
	v16 =	vld [tilespmem:s17+$0xE0]  }
0x196: {  	[tilespmem:v0+s21+$0x8C00] =	vst.idx.msk $0xffff, v63;
	v24 =	vld [tilespmem:s7+$0x10]  }
0x197: {  	v30 =	vld [tilespmem:s7+$0x30];
	[tilespmem:v1+s21+$0x8C00] =	vst.idx.msk $0xffff, v61  }
0x198: {  	v31 =	vld [tilespmem:s7+$0x50];
	[tilespmem:v2+s21+$0x8C00] =	vst.idx.msk $0xffff, v62  }
0x199: {  	v32 =	vld [tilespmem:s7+$0x70];
	[tilespmem:v3+s21+$0x8C00] =	vst.idx.msk $0xffff, v23  }
0x19a: {  	v33 =	vld [tilespmem:s7+$0x90];
	[tilespmem:v4+s21+$0x8C00] =	vst.idx.msk $0xffff, v28  }
0x19b: {  	v34 =	vld [tilespmem:s7+$0xB0];
	[tilespmem:v5+s21+$0x8C00] =	vst.idx.msk $0xffff, v17  }
0x19c: {  	v35 =	vld [tilespmem:s7+$0xF0];
	[tilespmem:v6+s21+$0x8C00] =	vst.idx.msk $0xffff, v29  }
0x19d: {  	v17 =	vld [tilespmem:s7+$0xD0];
	[tilespmem:v7+s21+$0x8C00] =	vst.idx.msk $0xffff, v16  }
0x19e: {  	[tilespmem:v8+s0+$0x8C00] =	vst.idx.msk $0xffff, v24;
	v16 =	vld [tilespmem:s17+$0x10]  }
0x19f: {  	[tilespmem:v9+s0+$0x8C00] =	vst.idx.msk $0xffff, v30;
	v36 =	vld [tilespmem:s17+$0x30]  }
0x1a0: {  	[tilespmem:v10+s0+$0x8C00] =	vst.idx.msk $0xffff, v31;
	v37 =	vld [tilespmem:s17+$0x50]  }
0x1a1: {  	v38 =	vld [tilespmem:s17+$0x70];
	[tilespmem:v11+s0+$0x8C00] =	vst.idx.msk $0xffff, v32  }
0x1a2: {  	v39 =	vld [tilespmem:s17+$0x90];
	[tilespmem:v12+s0+$0x8C00] =	vst.idx.msk $0xffff, v33  }
0x1a3: {  	v40 =	vld [tilespmem:s17+$0xB0];
	[tilespmem:v13+s0+$0x8C00] =	vst.idx.msk $0xffff, v34  }
0x1a4: {  	v41 =	vld [tilespmem:s17+$0xF0];
	[tilespmem:v14+s0+$0x8C00] =	vst.idx.msk $0xffff, v17  }
0x1a5: {  	v17 =	vld [tilespmem:s17+$0xD0];
	[tilespmem:v15+s0+$0x8C00] =	vst.idx.msk $0xffff, v35  }
0x1a6: {  	[tilespmem:v8+s21+$0x8C00] =	vst.idx.msk $0xffff, v16;
	v24 =	vld [tilespmem:s7+$0x1080]  }
0x1a7: {  	v16 =	vld [tilespmem:s7+$0x1000];
	[tilespmem:v9+s21+$0x8C00] =	vst.idx.msk $0xffff, v36  }
0x1a8: {  	v42 =	vld [tilespmem:s7+$0x1040];
	[tilespmem:v10+s21+$0x8C00] =	vst.idx.msk $0xffff, v37  }
0x1a9: {  	v43 =	vld [tilespmem:s7+$0x1020];
	[tilespmem:v11+s21+$0x8C00] =	vst.idx.msk $0xffff, v38  }
0x1aa: {  	v44 =	vld [tilespmem:s7+$0x1060];
	[tilespmem:v12+s21+$0x8C00] =	vst.idx.msk $0xffff, v39  }
0x1ab: {  	v45 =	vld [tilespmem:s7+$0x10A0];
	[tilespmem:v13+s21+$0x8C00] =	vst.idx.msk $0xffff, v40  }
0x1ac: {  	v46 =	vld [tilespmem:s7+$0x10C0];
	[tilespmem:v14+s21+$0x8C00] =	vst.idx.msk $0xffff, v17  }
0x1ad: {  	v17 =	vld [tilespmem:s7+$0x10E0];
	[tilespmem:v15+s21+$0x8C00] =	vst.idx.msk $0xffff, v41  }
0x1ae: {  	[tilespmem:v0+s0+$0x9000] =	vst.idx.msk $0xffff, v16;
	v16 =	vld [tilespmem:s17+$0x1080]  }
0x1af: {  	[tilespmem:v1+s0+$0x9000] =	vst.idx.msk $0xffff, v43;
	v18 =	vld [tilespmem:s17+$0x1000]  }
0x1b0: {  	[tilespmem:v2+s0+$0x9000] =	vst.idx.msk $0xffff, v42;
	v47 =	vld [tilespmem:s17+$0x1040]  }
0x1b1: {  	v48 =	vld [tilespmem:s17+$0x1020];
	[tilespmem:v3+s0+$0x9000] =	vst.idx.msk $0xffff, v44  }
0x1b2: {  	v49 =	vld [tilespmem:s17+$0x1060];
	[tilespmem:v4+s0+$0x9000] =	vst.idx.msk $0xffff, v24  }
0x1b3: {  	v50 =	vld [tilespmem:s17+$0x10A0];
	[tilespmem:v5+s0+$0x9000] =	vst.idx.msk $0xffff, v45  }
0x1b4: {  	v51 =	vld [tilespmem:s17+$0x10C0];
	[tilespmem:v6+s0+$0x9000] =	vst.idx.msk $0xffff, v46  }
0x1b5: {  	[tilespmem:v7+s0+$0x9000] =	vst.idx.msk $0xffff, v17;
	v17 =	vld [tilespmem:s17+$0x10E0]  }
0x1b6: {  	[tilespmem:v0+s21+$0x9000] =	vst.idx.msk $0xffff, v18;
	v24 =	vld [tilespmem:s7+$0x10F0]  }
0x1b7: {  	v52 =	vld [tilespmem:s7+$0x1050];
	[tilespmem:v1+s21+$0x9000] =	vst.idx.msk $0xffff, v48  }
0x1b8: {  	v54 =	vld [tilespmem:s7+$0x1010];
	[tilespmem:v2+s21+$0x9000] =	vst.idx.msk $0xffff, v47  }
0x1b9: {  	v53 =	vld [tilespmem:s7+$0x1030];
	[tilespmem:v3+s21+$0x9000] =	vst.idx.msk $0xffff, v49  }
0x1ba: {  	v55 =	vld [tilespmem:s7+$0x1070];
	[tilespmem:v4+s21+$0x9000] =	vst.idx.msk $0xffff, v16  }
0x1bb: {  	v56 =	vld [tilespmem:s7+$0x10B0];
	[tilespmem:v5+s21+$0x9000] =	vst.idx.msk $0xffff, v50  }
0x1bc: {  	v57 =	vld [tilespmem:s7+$0x10D0];
	[tilespmem:v6+s21+$0x9000] =	vst.idx.msk $0xffff, v51  }
0x1bd: {  	v16 =	vld [tilespmem:s7+$0x1090];
	[tilespmem:v8+s0+$0x9000] =	vst.idx.msk $0xffff, v54  }
0x1be: {  	[tilespmem:v7+s21+$0x9000] =	vst.idx.msk $0xffff, v17  }
0x1bf: {  	[tilespmem:v9+s0+$0x9000] =	vst.idx.msk $0xffff, v53;
	v17 =	vld [tilespmem:s17+$0x10F0]  }
0x1c0: {  	v58 =	vld [tilespmem:s17+$0x1050];
	[tilespmem:v10+s0+$0x9000] =	vst.idx.msk $0xffff, v52  }
0x1c1: {  	v60 =	vld [tilespmem:s17+$0x1010];
	[tilespmem:v11+s0+$0x9000] =	vst.idx.msk $0xffff, v55  }
0x1c2: {  	v59 =	vld [tilespmem:s17+$0x1030];
	[tilespmem:v12+s0+$0x9000] =	vst.idx.msk $0xffff, v16  }
0x1c3: {  	v61 =	vld [tilespmem:s17+$0x1090];
	[tilespmem:v13+s0+$0x9000] =	vst.idx.msk $0xffff, v56  }
0x1c4: {  	v16 =	vld [tilespmem:s17+$0x1070];
	[tilespmem:v14+s0+$0x9000] =	vst.idx.msk $0xffff, v57  }
0x1c5: {  	v62 =	vld [tilespmem:s17+$0x10B0];
	[tilespmem:v15+s0+$0x9000] =	vst.idx.msk $0xffff, v24  }
0x1c6: {  	v63 =	vld [tilespmem:s17+$0x10D0];
	[tilespmem:v8+s21+$0x9000] =	vst.idx.msk $0xffff, v60  }
0x1c7: {  	[tilespmem:v9+s21+$0x9000] =	vst.idx.msk $0xffff, v59  }
0x1c8: {  	s7 =	sshll.u32 s8, $0x3;
	[tilespmem:v10+s21+$0x9000] =	vst.idx.msk $0xffff, v58  }
0x1c9: {  	s22 =	sadd.s32 s6, s7;
	[tilespmem:v11+s21+$0x9000] =	vst.idx.msk $0xffff, v16  }
0x1ca: {  	s23 =	sshll.u32 s22, $0x7;
	s0 =	sshll.u32 s22, $0x9;
	[tilespmem:v12+s21+$0x9000] =	vst.idx.msk $0xffff, v61  }
0x1cb: {  	s2 =	sand.u32 $0x3C00, s23;
	s0 =	sand.u32 $0xFFF0000, s0;
	[tilespmem:v13+s21+$0x9000] =	vst.idx.msk $0xffff, v62  }
0x1cc: {  	s0 =	sor.u32 s2, s0;
	[tilespmem:v14+s21+$0x9000] =	vst.idx.msk $0xffff, v63  }
0x1cd: {  	s17 =	simm.s32 $0x8400;
	s2 =	sadd.s32 s1, s0;
	[tilespmem:v15+s21+$0x9000] =	vst.idx.msk $0xffff, v17  }
0x1ce: {  	[hbm4b:s2+s3] =	stream.linear.scatter [tilespmem:s17], [sflag:$0x5], $0x1000, $0x38;
	[tilespmem:$0x10520] =	vst v63  }
0x1cf: {  	p1 =	sne.s32 s8, $0x18;
	s19 =	sadd.s32 s0, s9;
	s21 =	simm.s32 $0x9400  }
0x1d0: {  	[hbm4b:s19+s3] =	stream.linear.scatter [tilespmem:s21], [sflag:$0x5], $0x1000, $0x38;
	[tilespmem:$0x10520] =	vst v63  }
.Ltmp3:
0x1d1: {  	_ = 	snop;
	(pc) =	sbr.rel @p1 .LBB2_6-.Ltmp3, $4  }
0x1d2: {  	s23 =	simm.s32 $0xA400;
	s22 =	sadd.s32 s0, s10  }
0x1d3: {  	[hbm4b:s22+s3] =	stream.linear.scatter [tilespmem:s23], [sflag:$0x5], $0x1000, $0x38;
	[tilespmem:$0x10520] =	vst v63  }
0x1d4: {  	s0 =	sadd.s32 s0, s11  }
0x1d5: {  	[hbm4b:s0+s3] =	stream.linear.scatter [tilespmem:s24], [sflag:$0x5], $0x1000, $0x38;
	[tilespmem:$0x10520] =	vst v63  }
.Ltmp4:
0x1d6: {  	(pc) =	sbr.rel .LBB2_7-.Ltmp4, $4  }
0x1d7: {  	_ = 	snop  }
0x1d8: {  	_ =	swait.ge [sflag:s25], $0x4000  }
0x1d9: {  	[sflag:s25] =	ssyncset.done $0x0  }
0x1da: {  	[sflag:s25] =	ssyncadd.s32 $0xFFFFC000  }
.LBB2_6:
0x1db: {  	s0 =	rddreg [dreg:$0x5]  }
0x1dc: {  	s0 =	sadd.s32 s14, s0  }
0x1dd: {  	s0 =	sshrl.u32 s0, $0x3  }
0x1de: {  	s0 =	sadd.s32 s4, s0  }
0x1df: {  	[tilespmem:s3], [sflag:$0x1] =	stream.linear.gather [hbm4b:s0+s3], $0x200, $0x38;
	[tilespmem:$0x10520] =	vst v63  }
0x1e0: {  	_ =	swait.ge [sflag:s16], $0x200  }
0x1e1: {  	[sflag:s16] =	ssyncset.done $0x0  }
.Ltmp5:
0x1e2: {  	s23 =	simm.s32 $0x400;
	[sflag:s16] =	ssyncadd.s32 $0xFFFFFE00;
	(pc) =	sbr.rel @p0 .LBB2_8-.Ltmp5, $4  }
0x1e3: {  	[tilespmem:s23], [sflag:$0x3] =	stream.indirect.gather [hbm4b:s5+s15], $0x20, s3, s15, $0xb8;
	[tilespmem:$0x10520] =	vst v63  }
0x1e4: {  	_ =	swait.ge [sflag:s25], $0x4000  }
0x1e5: {  	[sflag:s25] =	ssyncset.done $0x0  }
0x1e6: {  	[sflag:s25] =	ssyncadd.s32 $0xFFFFC000  }
.LBB2_7:
0x1e7: {  	_ =	swait.ge [sflag:s26], $0x1000  }
0x1e8: {  	[sflag:s26] =	ssyncset.done $0x0  }
0x1e9: {  	[sflag:s26] =	ssyncadd.s32 $0xFFFFF000  }
0x1ea: {  	_ =	swait.ge [sflag:s26], $0x1000  }
0x1eb: {  	[sflag:s26] =	ssyncset.done $0x0  }
0x1ec: {  	[sflag:s26] =	ssyncadd.s32 $0xFFFFF000  }
0x1ed: {  	_ =	swait.ge [sflag:s26], $0x1000  }
0x1ee: {  	[sflag:s26] =	ssyncset.done $0x0  }
0x1ef: {  	[sflag:s26] =	ssyncadd.s32 $0xFFFFF000  }
0x1f0: {  	_ =	swait.ge [sflag:s26], $0x1000  }
0x1f1: {  	[sflag:s26] =	ssyncset.done $0x0  }
0x1f2: {  	[sflag:s26] =	ssyncadd.s32 $0xFFFFF000  }
.LBB2_8:
0x1f3: {  	s12 =	simm.s32 $0x6400  }
0x1f4: {  	v16 =	vld [tilespmem:s12+$0xFFFFE0E0]  }
0x1f5: {  	v17 =	vld [tilespmem:s12+$0xFFFFE0C0]  }
0x1f6: {  	v19 =	vld [tilespmem:s12+$0xFFFFE000]  }
0x1f7: {  	v20 =	vld [tilespmem:s12+$0xFFFFE020]  }
0x1f8: {  	v21 =	vld [tilespmem:s12+$0xFFFFE040]  }
0x1f9: {  	v22 =	vld [tilespmem:s12+$0xFFFFE060]  }
0x1fa: {  	s17 =	simm.s32 $0x0;
	v23 =	vld [tilespmem:s12+$0xFFFFE080]  }
0x1fb: {  	v18 =	vld [tilespmem:s12+$0xFFFFE0A0];
	[tilespmem:v0+s17+$0xC490] =	vst.idx.msk $0xffff, v19  }
0x1fc: {  	[tilespmem:v1+s17+$0xC490] =	vst.idx.msk $0xffff, v20  }
0x1fd: {  	[tilespmem:v2+s17+$0xC490] =	vst.idx.msk $0xffff, v21  }
0x1fe: {  	[tilespmem:v3+s17+$0xC490] =	vst.idx.msk $0xffff, v22  }
0x1ff: {  	[tilespmem:v4+s17+$0xC490] =	vst.idx.msk $0xffff, v23  }
0x200: {  	[tilespmem:v5+s17+$0xC490] =	vst.idx.msk $0xffff, v18  }
0x201: {  	[tilespmem:v6+s17+$0xC490] =	vst.idx.msk $0xffff, v17  }
0x202: {  	[tilespmem:v7+s17+$0xC490] =	vst.idx.msk $0xffff, v16  }
0x203: {  	v16 =	vld [tilespmem:s12+$0xFFFFE070]  }
0x204: {  	v17 =	vld [tilespmem:s12+$0xFFFFE050]  }
0x205: {  	v19 =	vld [tilespmem:s12+$0xFFFFE010]  }
0x206: {  	v18 =	vld [tilespmem:s12+$0xFFFFE030]  }
0x207: {  	v20 =	vld [tilespmem:s12+$0xFFFFE090]  }
0x208: {  	v21 =	vld [tilespmem:s12+$0xFFFFE0B0]  }
0x209: {  	v22 =	vld [tilespmem:s12+$0xFFFFE0D0]  }
0x20a: {  	v23 =	vld [tilespmem:s12+$0xFFFFE0F0];
	[tilespmem:v8+s17+$0xC490] =	vst.idx.msk $0xffff, v19  }
0x20b: {  	[tilespmem:v9+s17+$0xC490] =	vst.idx.msk $0xffff, v18  }
0x20c: {  	[tilespmem:v10+s17+$0xC490] =	vst.idx.msk $0xffff, v17  }
0x20d: {  	[tilespmem:v11+s17+$0xC490] =	vst.idx.msk $0xffff, v16  }
0x20e: {  	[tilespmem:v12+s17+$0xC490] =	vst.idx.msk $0xffff, v20  }
0x20f: {  	[tilespmem:v13+s17+$0xC490] =	vst.idx.msk $0xffff, v21  }
0x210: {  	[tilespmem:v14+s17+$0xC490] =	vst.idx.msk $0xffff, v22  }
0x211: {  	[tilespmem:v15+s17+$0xC490] =	vst.idx.msk $0xffff, v23  }
0x212: {  	v16 =	vld [tilespmem:s12+$0xFFFFF060]  }
0x213: {  	v17 =	vld [tilespmem:s12+$0xFFFFF040]  }
0x214: {  	v19 =	vld [tilespmem:s12+$0xFFFFF000]  }
0x215: {  	v18 =	vld [tilespmem:s12+$0xFFFFF020]  }
0x216: {  	v20 =	vld [tilespmem:s12+$0xFFFFF0E0]  }
0x217: {  	v21 =	vld [tilespmem:s12+$0xFFFFF0A0]  }
0x218: {  	v22 =	vld [tilespmem:s12+$0xFFFFF080]  }
0x219: {  	v23 =	vld [tilespmem:s12+$0xFFFFF0C0];
	[tilespmem:v0+s17+$0xC890] =	vst.idx.msk $0xffff, v19  }
0x21a: {  	[tilespmem:v1+s17+$0xC890] =	vst.idx.msk $0xffff, v18  }
0x21b: {  	[tilespmem:v2+s17+$0xC890] =	vst.idx.msk $0xffff, v17  }
0x21c: {  	[tilespmem:v3+s17+$0xC890] =	vst.idx.msk $0xffff, v16  }
0x21d: {  	[tilespmem:v4+s17+$0xC890] =	vst.idx.msk $0xffff, v22  }
0x21e: {  	[tilespmem:v5+s17+$0xC890] =	vst.idx.msk $0xffff, v21  }
0x21f: {  	s0 =	simm.s32 $0x6500;
	[tilespmem:v6+s17+$0xC890] =	vst.idx.msk $0xffff, v23  }
0x220: {  	v24 =	vld [tilespmem:s0+$0xFFFFE060];
	[tilespmem:v7+s17+$0xC890] =	vst.idx.msk $0xffff, v20  }
0x221: {  	v16 =	vld [tilespmem:s12+$0xFFFFF0D0]  }
0x222: {  	v17 =	vld [tilespmem:s12+$0xFFFFF050]  }
0x223: {  	v19 =	vld [tilespmem:s12+$0xFFFFF010]  }
0x224: {  	v18 =	vld [tilespmem:s12+$0xFFFFF030]  }
0x225: {  	v20 =	vld [tilespmem:s12+$0xFFFFF0F0]  }
0x226: {  	v21 =	vld [tilespmem:s12+$0xFFFFF070]  }
0x227: {  	v22 =	vld [tilespmem:s12+$0xFFFFF090]  }
0x228: {  	v23 =	vld [tilespmem:s12+$0xFFFFF0B0];
	[tilespmem:v8+s17+$0xC890] =	vst.idx.msk $0xffff, v19  }
0x229: {  	v25 =	vld [tilespmem:s0+$0xFFFFE080];
	[tilespmem:v9+s17+$0xC890] =	vst.idx.msk $0xffff, v18  }
0x22a: {  	v18 =	vld [tilespmem:s0+$0xFFFFE0E0];
	[tilespmem:v10+s17+$0xC890] =	vst.idx.msk $0xffff, v17  }
0x22b: {  	v17 =	vld [tilespmem:s0+$0xFFFFE0A0];
	[tilespmem:v11+s17+$0xC890] =	vst.idx.msk $0xffff, v21  }
0x22c: {  	v21 =	vld [tilespmem:s0+$0xFFFFE000];
	[tilespmem:v12+s17+$0xC890] =	vst.idx.msk $0xffff, v22  }
0x22d: {  	v22 =	vld [tilespmem:s0+$0xFFFFE020];
	[tilespmem:v13+s17+$0xC890] =	vst.idx.msk $0xffff, v23  }
0x22e: {  	v23 =	vld [tilespmem:s0+$0xFFFFE040];
	[tilespmem:v14+s17+$0xC890] =	vst.idx.msk $0xffff, v16  }
0x22f: {  	v16 =	vld [tilespmem:s0+$0xFFFFE0C0];
	[tilespmem:v15+s17+$0xC890] =	vst.idx.msk $0xffff, v20  }
0x230: {  	v19 =	vld [tilespmem:s12+$0xA0]  }
0x231: {  	s2 =	simm.s32 $0x8;
	v20 =	vld [tilespmem:s12+$0x20]  }
0x232: {  	v26 =	vld [tilespmem:s12+$0x40];
	[tilespmem:v0+s2+$0xC490] =	vst.idx.msk $0xffff, v21  }
0x233: {  	v21 =	vld [tilespmem:s12+$0x0];
	[tilespmem:v1+s2+$0xC490] =	vst.idx.msk $0xffff, v22  }
0x234: {  	v22 =	vld [tilespmem:s12+$0x80];
	[tilespmem:v2+s2+$0xC490] =	vst.idx.msk $0xffff, v23  }
0x235: {  	v23 =	vld [tilespmem:s12+$0xC0];
	[tilespmem:v3+s2+$0xC490] =	vst.idx.msk $0xffff, v24  }
0x236: {  	v24 =	vld [tilespmem:s12+$0x60];
	[tilespmem:v4+s2+$0xC490] =	vst.idx.msk $0xffff, v25  }
0x237: {  	s19 =	simm.s32 $0x6600;
	v25 =	vld [tilespmem:s12+$0xE0];
	[tilespmem:v5+s2+$0xC490] =	vst.idx.msk $0xffff, v17  }
0x238: {  	v17 =	vld [tilespmem:s19+$0xFFFFE0E0];
	[tilespmem:v6+s2+$0xC490] =	vst.idx.msk $0xffff, v16  }
0x239: {  	v16 =	vld [tilespmem:s19+$0xFFFFE0C0];
	[tilespmem:v7+s2+$0xC490] =	vst.idx.msk $0xffff, v18  }
0x23a: {  	[tilespmem:v0+s17+$0xCC90] =	vst.idx.msk $0xffff, v21;
	v18 =	vld [tilespmem:s0+$0xFFFFE070]  }
0x23b: {  	[tilespmem:v1+s17+$0xCC90] =	vst.idx.msk $0xffff, v20;
	v20 =	vld [tilespmem:s0+$0xFFFFE050]  }
0x23c: {  	[tilespmem:v2+s17+$0xCC90] =	vst.idx.msk $0xffff, v26;
	v21 =	vld [tilespmem:s0+$0xFFFFE030]  }
0x23d: {  	[tilespmem:v3+s17+$0xCC90] =	vst.idx.msk $0xffff, v24;
	v24 =	vld [tilespmem:s0+$0xFFFFE010]  }
0x23e: {  	[tilespmem:v4+s17+$0xCC90] =	vst.idx.msk $0xffff, v22;
	v22 =	vld [tilespmem:s0+$0xFFFFE090]  }
0x23f: {  	[tilespmem:v5+s17+$0xCC90] =	vst.idx.msk $0xffff, v19;
	v19 =	vld [tilespmem:s0+$0xFFFFE0B0]  }
0x240: {  	[tilespmem:v6+s17+$0xCC90] =	vst.idx.msk $0xffff, v23;
	v23 =	vld [tilespmem:s0+$0xFFFFE0D0]  }
0x241: {  	[tilespmem:v7+s17+$0xCC90] =	vst.idx.msk $0xffff, v25;
	v25 =	vld [tilespmem:s0+$0xFFFFE0F0]  }
0x242: {  	[tilespmem:v8+s2+$0xC490] =	vst.idx.msk $0xffff, v24;
	v24 =	vld [tilespmem:s12+$0x10]  }
0x243: {  	[tilespmem:v9+s2+$0xC490] =	vst.idx.msk $0xffff, v21;
	v21 =	vld [tilespmem:s12+$0x30]  }
0x244: {  	[tilespmem:v10+s2+$0xC490] =	vst.idx.msk $0xffff, v20;
	v20 =	vld [tilespmem:s12+$0x50]  }
0x245: {  	[tilespmem:v11+s2+$0xC490] =	vst.idx.msk $0xffff, v18;
	v18 =	vld [tilespmem:s12+$0x70]  }
0x246: {  	[tilespmem:v12+s2+$0xC490] =	vst.idx.msk $0xffff, v22;
	v22 =	vld [tilespmem:s12+$0x90]  }
0x247: {  	[tilespmem:v13+s2+$0xC490] =	vst.idx.msk $0xffff, v19;
	v19 =	vld [tilespmem:s12+$0xB0]  }
0x248: {  	[tilespmem:v14+s2+$0xC490] =	vst.idx.msk $0xffff, v23;
	v23 =	vld [tilespmem:s12+$0xD0]  }
0x249: {  	[tilespmem:v15+s2+$0xC490] =	vst.idx.msk $0xffff, v25;
	v25 =	vld [tilespmem:s12+$0xF0]  }
0x24a: {  	[tilespmem:v8+s17+$0xCC90] =	vst.idx.msk $0xffff, v24;
	v26 =	vld [tilespmem:s0+$0xFFFFF060]  }
0x24b: {  	v24 =	vld [tilespmem:s0+$0xFFFFF040];
	[tilespmem:v9+s17+$0xCC90] =	vst.idx.msk $0xffff, v21  }
0x24c: {  	v21 =	vld [tilespmem:s0+$0xFFFFF020];
	[tilespmem:v10+s17+$0xCC90] =	vst.idx.msk $0xffff, v20  }
0x24d: {  	v20 =	vld [tilespmem:s0+$0xFFFFF000];
	[tilespmem:v11+s17+$0xCC90] =	vst.idx.msk $0xffff, v18  }
0x24e: {  	v18 =	vld [tilespmem:s0+$0xFFFFF0E0];
	[tilespmem:v12+s17+$0xCC90] =	vst.idx.msk $0xffff, v22  }
0x24f: {  	v22 =	vld [tilespmem:s0+$0xFFFFF0A0];
	[tilespmem:v13+s17+$0xCC90] =	vst.idx.msk $0xffff, v19  }
0x250: {  	v19 =	vld [tilespmem:s0+$0xFFFFF080];
	[tilespmem:v14+s17+$0xCC90] =	vst.idx.msk $0xffff, v23  }
0x251: {  	v23 =	vld [tilespmem:s0+$0xFFFFF0C0];
	[tilespmem:v15+s17+$0xCC90] =	vst.idx.msk $0xffff, v25  }
0x252: {  	[tilespmem:v0+s2+$0xC890] =	vst.idx.msk $0xffff, v20;
	v20 =	vld [tilespmem:s12+$0x1080]  }
0x253: {  	[tilespmem:v1+s2+$0xC890] =	vst.idx.msk $0xffff, v21;
	v21 =	vld [tilespmem:s12+$0x1000]  }
0x254: {  	v25 =	vld [tilespmem:s12+$0x1020];
	[tilespmem:v2+s2+$0xC890] =	vst.idx.msk $0xffff, v24  }
0x255: {  	v24 =	vld [tilespmem:s12+$0x1040];
	[tilespmem:v3+s2+$0xC890] =	vst.idx.msk $0xffff, v26  }
0x256: {  	[tilespmem:v4+s2+$0xC890] =	vst.idx.msk $0xffff, v19;
	v19 =	vld [tilespmem:s12+$0x1060]  }
0x257: {  	[tilespmem:v5+s2+$0xC890] =	vst.idx.msk $0xffff, v22;
	v22 =	vld [tilespmem:s12+$0x10A0]  }
0x258: {  	[tilespmem:v6+s2+$0xC890] =	vst.idx.msk $0xffff, v23;
	v23 =	vld [tilespmem:s12+$0x10C0]  }
0x259: {  	[tilespmem:v7+s2+$0xC890] =	vst.idx.msk $0xffff, v18;
	v18 =	vld [tilespmem:s12+$0x10E0]  }
0x25a: {  	[tilespmem:v0+s17+$0xD090] =	vst.idx.msk $0xffff, v21;
	v26 =	vld [tilespmem:s0+$0xFFFFF0D0]  }
0x25b: {  	v27 =	vld [tilespmem:s0+$0xFFFFF050];
	[tilespmem:v1+s17+$0xD090] =	vst.idx.msk $0xffff, v25  }
0x25c: {  	v21 =	vld [tilespmem:s0+$0xFFFFF030];
	[tilespmem:v2+s17+$0xD090] =	vst.idx.msk $0xffff, v24  }
0x25d: {  	v24 =	vld [tilespmem:s0+$0xFFFFF010];
	[tilespmem:v3+s17+$0xD090] =	vst.idx.msk $0xffff, v19  }
0x25e: {  	v25 =	vld [tilespmem:s0+$0xFFFFF0F0];
	[tilespmem:v4+s17+$0xD090] =	vst.idx.msk $0xffff, v20  }
0x25f: {  	v20 =	vld [tilespmem:s0+$0xFFFFF070];
	[tilespmem:v5+s17+$0xD090] =	vst.idx.msk $0xffff, v22  }
0x260: {  	v22 =	vld [tilespmem:s0+$0xFFFFF090];
	[tilespmem:v6+s17+$0xD090] =	vst.idx.msk $0xffff, v23  }
0x261: {  	v23 =	vld [tilespmem:s0+$0xFFFFF0B0];
	[tilespmem:v7+s17+$0xD090] =	vst.idx.msk $0xffff, v18  }
0x262: {  	[tilespmem:v8+s2+$0xC890] =	vst.idx.msk $0xffff, v24;
	v19 =	vld [tilespmem:s12+$0x10F0]  }
0x263: {  	[tilespmem:v9+s2+$0xC890] =	vst.idx.msk $0xffff, v21;
	v21 =	vld [tilespmem:s12+$0x1050]  }
0x264: {  	v24 =	vld [tilespmem:s12+$0x10B0];
	[tilespmem:v10+s2+$0xC890] =	vst.idx.msk $0xffff, v27  }
0x265: {  	[tilespmem:v11+s2+$0xC890] =	vst.idx.msk $0xffff, v20;
	v20 =	vld [tilespmem:s12+$0x1010]  }
0x266: {  	v27 =	vld [tilespmem:s12+$0x1030];
	[tilespmem:v12+s2+$0xC890] =	vst.idx.msk $0xffff, v22  }
0x267: {  	v22 =	vld [tilespmem:s12+$0x1070];
	[tilespmem:v13+s2+$0xC890] =	vst.idx.msk $0xffff, v23  }
0x268: {  	v23 =	vld [tilespmem:s12+$0x1090];
	[tilespmem:v14+s2+$0xC890] =	vst.idx.msk $0xffff, v26  }
0x269: {  	[tilespmem:v15+s2+$0xC890] =	vst.idx.msk $0xffff, v25;
	v25 =	vld [tilespmem:s12+$0x10D0]  }
0x26a: {  	v18 =	vld [tilespmem:s0+$0xA0];
	[tilespmem:v8+s17+$0xD090] =	vst.idx.msk $0xffff, v20  }
0x26b: {  	s21 =	simm.s32 $0x40;
	s22 =	simm.s32 $0x60;
	s12 =	simm.s32 $0x6600;
	v20 =	vld [tilespmem:s0+$0x20];
	[tilespmem:v9+s17+$0xD090] =	vst.idx.msk $0xffff, v27  }
.LBB2_9:
0x26c: {  	p0 =	sne.s32 s22, $0x1E0;
	v26 =	vld [tilespmem:s0+$0x40];
	[tilespmem:v10+s17+$0xD090] =	vst.idx.msk $0xffff, v21;
	s23 =	smov.u32 s22;
	s22 =	sadd.s32 $0x20, s22  }
0x26d: {  	v21 =	vld [tilespmem:s0+$0x0];
	[tilespmem:v11+s17+$0xD090] =	vst.idx.msk $0xffff, v22  }
0x26e: {  	v22 =	vld [tilespmem:s0+$0x80];
	[tilespmem:v12+s17+$0xD090] =	vst.idx.msk $0xffff, v23  }
0x26f: {  	v23 =	vld [tilespmem:s0+$0xC0];
	[tilespmem:v13+s17+$0xD090] =	vst.idx.msk $0xffff, v24  }
0x270: {  	v24 =	vld [tilespmem:s0+$0x60];
	[tilespmem:v14+s17+$0xD090] =	vst.idx.msk $0xffff, v25  }
0x271: {  	v25 =	vld [tilespmem:s0+$0xE0];
	[tilespmem:v15+s17+$0xD090] =	vst.idx.msk $0xffff, v19;
	s17 =	smov.u32 s2  }
0x272: {  	v19 =	vld [tilespmem:s19+$0xFFFFE0A0];
	[tilespmem:v0+s17+$0xCC90] =	vst.idx.msk $0xffff, v21  }
0x273: {  	v21 =	vld [tilespmem:s19+$0xFFFFE000];
	[tilespmem:v1+s17+$0xCC90] =	vst.idx.msk $0xffff, v20  }
0x274: {  	v20 =	vld [tilespmem:s19+$0xFFFFE020];
	[tilespmem:v2+s17+$0xCC90] =	vst.idx.msk $0xffff, v26  }
0x275: {  	v26 =	vld [tilespmem:s19+$0xFFFFE040];
	[tilespmem:v3+s17+$0xCC90] =	vst.idx.msk $0xffff, v24  }
0x276: {  	v24 =	vld [tilespmem:s19+$0xFFFFE060];
	[tilespmem:v4+s17+$0xCC90] =	vst.idx.msk $0xffff, v22  }
0x277: {  	s2 =	sshra.s32 s21, $0x2;
	s21 =	smov.u32 s23;
	v22 =	vld [tilespmem:s19+$0xFFFFE080];
	[tilespmem:v5+s17+$0xCC90] =	vst.idx.msk $0xffff, v18  }
0x278: {  	[tilespmem:v0+s2+$0xC490] =	vst.idx.msk $0xffff, v21  }
0x279: {  	[tilespmem:v1+s2+$0xC490] =	vst.idx.msk $0xffff, v20  }
0x27a: {  	[tilespmem:v2+s2+$0xC490] =	vst.idx.msk $0xffff, v26  }
0x27b: {  	[tilespmem:v3+s2+$0xC490] =	vst.idx.msk $0xffff, v24  }
0x27c: {  	[tilespmem:v4+s2+$0xC490] =	vst.idx.msk $0xffff, v22  }
0x27d: {  	s19 =	sadd.s32 $0x100, s19;
	[tilespmem:v5+s2+$0xC490] =	vst.idx.msk $0xffff, v19  }
0x27e: {  	v18 =	vld [tilespmem:s19+$0xFFFFE0E0];
	[tilespmem:v6+s2+$0xC490] =	vst.idx.msk $0xffff, v16  }
0x27f: {  	v16 =	vld [tilespmem:s19+$0xFFFFE0C0];
	[tilespmem:v7+s2+$0xC490] =	vst.idx.msk $0xffff, v17  }
0x280: {  	v19 =	vld [tilespmem:s12+$0xFFFFE070];
	[tilespmem:v6+s17+$0xCC90] =	vst.idx.msk $0xffff, v23  }
0x281: {  	v20 =	vld [tilespmem:s12+$0xFFFFE050];
	[tilespmem:v7+s17+$0xCC90] =	vst.idx.msk $0xffff, v25  }
0x282: {  	v21 =	vld [tilespmem:s12+$0xFFFFE030]  }
0x283: {  	v22 =	vld [tilespmem:s12+$0xFFFFE010];
	v17 =	vmov v18  }
0x284: {  	v18 =	vld [tilespmem:s12+$0xFFFFE090]  }
0x285: {  	v23 =	vld [tilespmem:s12+$0xFFFFE0B0]  }
0x286: {  	v24 =	vld [tilespmem:s12+$0xFFFFE0D0]  }
0x287: {  	v25 =	vld [tilespmem:s12+$0xFFFFE0F0]  }
0x288: {  	[tilespmem:v8+s2+$0xC490] =	vst.idx.msk $0xffff, v22;
	v22 =	vld [tilespmem:s0+$0x10]  }
0x289: {  	[tilespmem:v9+s2+$0xC490] =	vst.idx.msk $0xffff, v21;
	v21 =	vld [tilespmem:s0+$0x30]  }
0x28a: {  	[tilespmem:v10+s2+$0xC490] =	vst.idx.msk $0xffff, v20;
	v20 =	vld [tilespmem:s0+$0x50]  }
0x28b: {  	[tilespmem:v11+s2+$0xC490] =	vst.idx.msk $0xffff, v19;
	v19 =	vld [tilespmem:s0+$0x70]  }
0x28c: {  	[tilespmem:v12+s2+$0xC490] =	vst.idx.msk $0xffff, v18;
	v18 =	vld [tilespmem:s0+$0x90]  }
0x28d: {  	[tilespmem:v13+s2+$0xC490] =	vst.idx.msk $0xffff, v23;
	v23 =	vld [tilespmem:s0+$0xB0]  }
0x28e: {  	[tilespmem:v14+s2+$0xC490] =	vst.idx.msk $0xffff, v24;
	v24 =	vld [tilespmem:s0+$0xD0]  }
0x28f: {  	[tilespmem:v15+s2+$0xC490] =	vst.idx.msk $0xffff, v25;
	v25 =	vld [tilespmem:s0+$0xF0]  }
0x290: {  	v26 =	vld [tilespmem:s12+$0xFFFFF060];
	[tilespmem:v8+s17+$0xCC90] =	vst.idx.msk $0xffff, v22  }
0x291: {  	v22 =	vld [tilespmem:s12+$0xFFFFF040];
	[tilespmem:v9+s17+$0xCC90] =	vst.idx.msk $0xffff, v21  }
0x292: {  	v21 =	vld [tilespmem:s12+$0xFFFFF020];
	[tilespmem:v10+s17+$0xCC90] =	vst.idx.msk $0xffff, v20  }
0x293: {  	v20 =	vld [tilespmem:s12+$0xFFFFF000];
	[tilespmem:v11+s17+$0xCC90] =	vst.idx.msk $0xffff, v19  }
0x294: {  	v19 =	vld [tilespmem:s12+$0xFFFFF0E0];
	[tilespmem:v12+s17+$0xCC90] =	vst.idx.msk $0xffff, v18  }
0x295: {  	v18 =	vld [tilespmem:s12+$0xFFFFF0A0];
	[tilespmem:v13+s17+$0xCC90] =	vst.idx.msk $0xffff, v23  }
0x296: {  	v23 =	vld [tilespmem:s12+$0xFFFFF080];
	[tilespmem:v14+s17+$0xCC90] =	vst.idx.msk $0xffff, v24  }
0x297: {  	v24 =	vld [tilespmem:s12+$0xFFFFF0C0];
	[tilespmem:v15+s17+$0xCC90] =	vst.idx.msk $0xffff, v25  }
0x298: {  	[tilespmem:v0+s2+$0xC890] =	vst.idx.msk $0xffff, v20;
	v20 =	vld [tilespmem:s0+$0x1080]  }
0x299: {  	[tilespmem:v1+s2+$0xC890] =	vst.idx.msk $0xffff, v21;
	v21 =	vld [tilespmem:s0+$0x1000]  }
0x29a: {  	[tilespmem:v2+s2+$0xC890] =	vst.idx.msk $0xffff, v22;
	v22 =	vld [tilespmem:s0+$0x1040]  }
0x29b: {  	[tilespmem:v3+s2+$0xC890] =	vst.idx.msk $0xffff, v26;
	v25 =	vld [tilespmem:s0+$0x1020]  }
0x29c: {  	[tilespmem:v4+s2+$0xC890] =	vst.idx.msk $0xffff, v23;
	v23 =	vld [tilespmem:s0+$0x1060]  }
0x29d: {  	[tilespmem:v5+s2+$0xC890] =	vst.idx.msk $0xffff, v18;
	v18 =	vld [tilespmem:s0+$0x10A0]  }
0x29e: {  	[tilespmem:v6+s2+$0xC890] =	vst.idx.msk $0xffff, v24;
	v24 =	vld [tilespmem:s0+$0x10C0]  }
0x29f: {  	[tilespmem:v7+s2+$0xC890] =	vst.idx.msk $0xffff, v19;
	v19 =	vld [tilespmem:s0+$0x10E0]  }
0x2a0: {  	v26 =	vld [tilespmem:s12+$0xFFFFF0D0];
	[tilespmem:v0+s17+$0xD090] =	vst.idx.msk $0xffff, v21  }
0x2a1: {  	v27 =	vld [tilespmem:s12+$0xFFFFF050];
	[tilespmem:v1+s17+$0xD090] =	vst.idx.msk $0xffff, v25  }
0x2a2: {  	v21 =	vld [tilespmem:s12+$0xFFFFF030];
	[tilespmem:v2+s17+$0xD090] =	vst.idx.msk $0xffff, v22  }
0x2a3: {  	v22 =	vld [tilespmem:s12+$0xFFFFF010];
	[tilespmem:v3+s17+$0xD090] =	vst.idx.msk $0xffff, v23  }
0x2a4: {  	v25 =	vld [tilespmem:s12+$0xFFFFF0F0];
	[tilespmem:v4+s17+$0xD090] =	vst.idx.msk $0xffff, v20  }
0x2a5: {  	v20 =	vld [tilespmem:s12+$0xFFFFF070];
	[tilespmem:v5+s17+$0xD090] =	vst.idx.msk $0xffff, v18  }
0x2a6: {  	v18 =	vld [tilespmem:s12+$0xFFFFF090];
	[tilespmem:v6+s17+$0xD090] =	vst.idx.msk $0xffff, v24  }
0x2a7: {  	v23 =	vld [tilespmem:s12+$0xFFFFF0B0];
	[tilespmem:v7+s17+$0xD090] =	vst.idx.msk $0xffff, v19  }
0x2a8: {  	[tilespmem:v8+s2+$0xC890] =	vst.idx.msk $0xffff, v22;
	v19 =	vld [tilespmem:s0+$0x10F0]  }
0x2a9: {  	[tilespmem:v9+s2+$0xC890] =	vst.idx.msk $0xffff, v21;
	v21 =	vld [tilespmem:s0+$0x1050]  }
0x2aa: {  	[tilespmem:v10+s2+$0xC890] =	vst.idx.msk $0xffff, v27;
	v27 =	vld [tilespmem:s0+$0x1030]  }
0x2ab: {  	[tilespmem:v11+s2+$0xC890] =	vst.idx.msk $0xffff, v20;
	v20 =	vld [tilespmem:s0+$0x1010]  }
0x2ac: {  	[tilespmem:v12+s2+$0xC890] =	vst.idx.msk $0xffff, v18;
	v22 =	vld [tilespmem:s0+$0x1070]  }
.Ltmp6:
0x2ad: {  	[tilespmem:v13+s2+$0xC890] =	vst.idx.msk $0xffff, v23;
	v23 =	vld [tilespmem:s0+$0x1090];
	(pc) =	sbr.rel @p0 .LBB2_9-.Ltmp6, $4  }
0x2ae: {  	[tilespmem:v14+s2+$0xC890] =	vst.idx.msk $0xffff, v26;
	v24 =	vld [tilespmem:s0+$0x10B0]  }
0x2af: {  	[tilespmem:v15+s2+$0xC890] =	vst.idx.msk $0xffff, v25;
	v25 =	vld [tilespmem:s0+$0x10D0];
	s0 =	smov.u32 s12;
	s12 =	smov.u32 s19  }
0x2b0: {  	v18 =	vld [tilespmem:s0+$0xA0];
	[tilespmem:v8+s17+$0xD090] =	vst.idx.msk $0xffff, v20  }
0x2b1: {  	v20 =	vld [tilespmem:s0+$0x20];
	[tilespmem:v9+s17+$0xD090] =	vst.idx.msk $0xffff, v27  }
0x2b2: {  	v27 =	vld [tilespmem:s19+$0xFFFFE000]  }
0x2b3: {  	v28 =	vld [tilespmem:s19+$0xFFFFE020]  }
0x2b4: {  	v29 =	vld [tilespmem:s19+$0xFFFFE040]  }
0x2b5: {  	v30 =	vld [tilespmem:s19+$0xFFFFE060]  }
0x2b6: {  	v31 =	vld [tilespmem:s19+$0xFFFFE080];
	s23 =	sshra.s32 s21, $0x2  }
0x2b7: {  	v26 =	vld [tilespmem:s19+$0xFFFFE0A0];
	[tilespmem:v0+s23+$0xC490] =	vst.idx.msk $0xffff, v27  }
0x2b8: {  	[tilespmem:v1+s23+$0xC490] =	vst.idx.msk $0xffff, v28  }
0x2b9: {  	[tilespmem:v2+s23+$0xC490] =	vst.idx.msk $0xffff, v29  }
0x2ba: {  	[tilespmem:v3+s23+$0xC490] =	vst.idx.msk $0xffff, v30  }
0x2bb: {  	[tilespmem:v4+s23+$0xC490] =	vst.idx.msk $0xffff, v31  }
0x2bc: {  	[tilespmem:v5+s23+$0xC490] =	vst.idx.msk $0xffff, v26  }
0x2bd: {  	[tilespmem:v6+s23+$0xC490] =	vst.idx.msk $0xffff, v16  }
0x2be: {  	[tilespmem:v7+s23+$0xC490] =	vst.idx.msk $0xffff, v17  }
0x2bf: {  	v16 =	vld [tilespmem:s12+$0xFFFFE070]  }
0x2c0: {  	v17 =	vld [tilespmem:s12+$0xFFFFE050]  }
0x2c1: {  	v27 =	vld [tilespmem:s12+$0xFFFFE010]  }
0x2c2: {  	v26 =	vld [tilespmem:s12+$0xFFFFE030]  }
0x2c3: {  	v28 =	vld [tilespmem:s12+$0xFFFFE090]  }
0x2c4: {  	v29 =	vld [tilespmem:s12+$0xFFFFE0B0]  }
0x2c5: {  	v30 =	vld [tilespmem:s12+$0xFFFFE0D0]  }
0x2c6: {  	v31 =	vld [tilespmem:s12+$0xFFFFE0F0];
	[tilespmem:v8+s23+$0xC490] =	vst.idx.msk $0xffff, v27  }
0x2c7: {  	[tilespmem:v9+s23+$0xC490] =	vst.idx.msk $0xffff, v26  }
0x2c8: {  	[tilespmem:v10+s23+$0xC490] =	vst.idx.msk $0xffff, v17  }
0x2c9: {  	[tilespmem:v11+s23+$0xC490] =	vst.idx.msk $0xffff, v16  }
0x2ca: {  	[tilespmem:v12+s23+$0xC490] =	vst.idx.msk $0xffff, v28  }
0x2cb: {  	[tilespmem:v13+s23+$0xC490] =	vst.idx.msk $0xffff, v29  }
0x2cc: {  	[tilespmem:v14+s23+$0xC490] =	vst.idx.msk $0xffff, v30  }
0x2cd: {  	[tilespmem:v15+s23+$0xC490] =	vst.idx.msk $0xffff, v31  }
0x2ce: {  	v16 =	vld [tilespmem:s12+$0xFFFFF060]  }
0x2cf: {  	v17 =	vld [tilespmem:s12+$0xFFFFF040]  }
0x2d0: {  	v27 =	vld [tilespmem:s12+$0xFFFFF000]  }
0x2d1: {  	v26 =	vld [tilespmem:s12+$0xFFFFF020]  }
0x2d2: {  	v28 =	vld [tilespmem:s12+$0xFFFFF0E0]  }
0x2d3: {  	v29 =	vld [tilespmem:s12+$0xFFFFF0A0]  }
0x2d4: {  	v30 =	vld [tilespmem:s12+$0xFFFFF080]  }
0x2d5: {  	v31 =	vld [tilespmem:s12+$0xFFFFF0C0];
	[tilespmem:v0+s23+$0xC890] =	vst.idx.msk $0xffff, v27  }
0x2d6: {  	[tilespmem:v1+s23+$0xC890] =	vst.idx.msk $0xffff, v26  }
0x2d7: {  	[tilespmem:v2+s23+$0xC890] =	vst.idx.msk $0xffff, v17  }
0x2d8: {  	[tilespmem:v3+s23+$0xC890] =	vst.idx.msk $0xffff, v16  }
0x2d9: {  	[tilespmem:v4+s23+$0xC890] =	vst.idx.msk $0xffff, v30  }
0x2da: {  	[tilespmem:v5+s23+$0xC890] =	vst.idx.msk $0xffff, v29  }
0x2db: {  	[tilespmem:v6+s23+$0xC890] =	vst.idx.msk $0xffff, v31  }
0x2dc: {  	[tilespmem:v7+s23+$0xC890] =	vst.idx.msk $0xffff, v28  }
0x2dd: {  	v16 =	vld [tilespmem:s12+$0xFFFFF0D0]  }
0x2de: {  	[tilespmem:v10+s17+$0xD090] =	vst.idx.msk $0xffff, v21;
	v17 =	vld [tilespmem:s12+$0xFFFFF050]  }
0x2df: {  	[tilespmem:v11+s17+$0xD090] =	vst.idx.msk $0xffff, v22;
	v52 =	vld [tilespmem:s12+$0xFFFFF010]  }
0x2e0: {  	[tilespmem:v12+s17+$0xD090] =	vst.idx.msk $0xffff, v23;
	v51 =	vld [tilespmem:s12+$0xFFFFF030]  }
0x2e1: {  	[tilespmem:v13+s17+$0xD090] =	vst.idx.msk $0xffff, v24;
	v53 =	vld [tilespmem:s12+$0xFFFFF0F0]  }
0x2e2: {  	[tilespmem:v14+s17+$0xD090] =	vst.idx.msk $0xffff, v25;
	v54 =	vld [tilespmem:s12+$0xFFFFF070]  }
0x2e3: {  	[tilespmem:v15+s17+$0xD090] =	vst.idx.msk $0xffff, v19;
	v55 =	vld [tilespmem:s12+$0xFFFFF090]  }
0x2e4: {  	v56 =	vld [tilespmem:s12+$0xFFFFF0B0];
	[tilespmem:v8+s23+$0xC890] =	vst.idx.msk $0xffff, v52  }
0x2e5: {  	[tilespmem:v9+s23+$0xC890] =	vst.idx.msk $0xffff, v51  }
0x2e6: {  	v57 =	vld [tilespmem:s0+$0x40];
	[tilespmem:v10+s23+$0xC890] =	vst.idx.msk $0xffff, v17  }
0x2e7: {  	v17 =	vld [tilespmem:s0+$0x0];
	[tilespmem:v11+s23+$0xC890] =	vst.idx.msk $0xffff, v54  }
0x2e8: {  	v58 =	vld [tilespmem:s0+$0x80];
	[tilespmem:v12+s23+$0xC890] =	vst.idx.msk $0xffff, v55  }
0x2e9: {  	v59 =	vld [tilespmem:s0+$0xC0];
	[tilespmem:v13+s23+$0xC890] =	vst.idx.msk $0xffff, v56  }
0x2ea: {  	v60 =	vld [tilespmem:s0+$0x60];
	[tilespmem:v14+s23+$0xC890] =	vst.idx.msk $0xffff, v16  }
0x2eb: {  	v16 =	vld [tilespmem:s0+$0xE0];
	[tilespmem:v15+s23+$0xC890] =	vst.idx.msk $0xffff, v53  }
0x2ec: {  	[tilespmem:v0+s2+$0xCC90] =	vst.idx.msk $0xffff, v17;
	v17 =	vld [tilespmem:s12+$0xA0]  }
0x2ed: {  	[tilespmem:v1+s2+$0xCC90] =	vst.idx.msk $0xffff, v20;
	v61 =	vld [tilespmem:s12+$0x20]  }
0x2ee: {  	v62 =	vld [tilespmem:s12+$0x40];
	[tilespmem:v2+s2+$0xCC90] =	vst.idx.msk $0xffff, v57  }
0x2ef: {  	v63 =	vld [tilespmem:s12+$0x0];
	[tilespmem:v3+s2+$0xCC90] =	vst.idx.msk $0xffff, v60  }
0x2f0: {  	v28 =	vld [tilespmem:s12+$0x80];
	[tilespmem:v4+s2+$0xCC90] =	vst.idx.msk $0xffff, v58  }
0x2f1: {  	v29 =	vld [tilespmem:s12+$0xC0];
	[tilespmem:v5+s2+$0xCC90] =	vst.idx.msk $0xffff, v18  }
0x2f2: {  	v23 =	vld [tilespmem:s12+$0x60];
	[tilespmem:v6+s2+$0xCC90] =	vst.idx.msk $0xffff, v59  }
0x2f3: {  	[tilespmem:v7+s2+$0xCC90] =	vst.idx.msk $0xffff, v16;
	v16 =	vld [tilespmem:s12+$0xE0]  }
0x2f4: {  	[tilespmem:v0+s23+$0xCC90] =	vst.idx.msk $0xffff, v63;
	v24 =	vld [tilespmem:s0+$0x10]  }
0x2f5: {  	v30 =	vld [tilespmem:s0+$0x30];
	[tilespmem:v1+s23+$0xCC90] =	vst.idx.msk $0xffff, v61  }
0x2f6: {  	v31 =	vld [tilespmem:s0+$0x50];
	[tilespmem:v2+s23+$0xCC90] =	vst.idx.msk $0xffff, v62  }
0x2f7: {  	v32 =	vld [tilespmem:s0+$0x70];
	[tilespmem:v3+s23+$0xCC90] =	vst.idx.msk $0xffff, v23  }
0x2f8: {  	v33 =	vld [tilespmem:s0+$0x90];
	[tilespmem:v4+s23+$0xCC90] =	vst.idx.msk $0xffff, v28  }
0x2f9: {  	v34 =	vld [tilespmem:s0+$0xB0];
	[tilespmem:v5+s23+$0xCC90] =	vst.idx.msk $0xffff, v17  }
0x2fa: {  	v35 =	vld [tilespmem:s0+$0xF0];
	[tilespmem:v6+s23+$0xCC90] =	vst.idx.msk $0xffff, v29  }
0x2fb: {  	v17 =	vld [tilespmem:s0+$0xD0];
	[tilespmem:v7+s23+$0xCC90] =	vst.idx.msk $0xffff, v16  }
0x2fc: {  	[tilespmem:v8+s2+$0xCC90] =	vst.idx.msk $0xffff, v24;
	v16 =	vld [tilespmem:s12+$0x10]  }
0x2fd: {  	[tilespmem:v9+s2+$0xCC90] =	vst.idx.msk $0xffff, v30;
	v36 =	vld [tilespmem:s12+$0x30]  }
0x2fe: {  	[tilespmem:v10+s2+$0xCC90] =	vst.idx.msk $0xffff, v31;
	v37 =	vld [tilespmem:s12+$0x50]  }
0x2ff: {  	v38 =	vld [tilespmem:s12+$0x70];
	[tilespmem:v11+s2+$0xCC90] =	vst.idx.msk $0xffff, v32  }
0x300: {  	v39 =	vld [tilespmem:s12+$0x90];
	[tilespmem:v12+s2+$0xCC90] =	vst.idx.msk $0xffff, v33  }
0x301: {  	v40 =	vld [tilespmem:s12+$0xB0];
	[tilespmem:v13+s2+$0xCC90] =	vst.idx.msk $0xffff, v34  }
0x302: {  	v41 =	vld [tilespmem:s12+$0xF0];
	[tilespmem:v14+s2+$0xCC90] =	vst.idx.msk $0xffff, v17  }
0x303: {  	v17 =	vld [tilespmem:s12+$0xD0];
	[tilespmem:v15+s2+$0xCC90] =	vst.idx.msk $0xffff, v35  }
0x304: {  	[tilespmem:v8+s23+$0xCC90] =	vst.idx.msk $0xffff, v16;
	v24 =	vld [tilespmem:s0+$0x1080]  }
0x305: {  	v16 =	vld [tilespmem:s0+$0x1000];
	[tilespmem:v9+s23+$0xCC90] =	vst.idx.msk $0xffff, v36  }
0x306: {  	v42 =	vld [tilespmem:s0+$0x1040];
	[tilespmem:v10+s23+$0xCC90] =	vst.idx.msk $0xffff, v37  }
0x307: {  	v43 =	vld [tilespmem:s0+$0x1020];
	[tilespmem:v11+s23+$0xCC90] =	vst.idx.msk $0xffff, v38  }
0x308: {  	v44 =	vld [tilespmem:s0+$0x1060];
	[tilespmem:v12+s23+$0xCC90] =	vst.idx.msk $0xffff, v39  }
0x309: {  	v45 =	vld [tilespmem:s0+$0x10A0];
	[tilespmem:v13+s23+$0xCC90] =	vst.idx.msk $0xffff, v40  }
0x30a: {  	v46 =	vld [tilespmem:s0+$0x10C0];
	[tilespmem:v14+s23+$0xCC90] =	vst.idx.msk $0xffff, v17  }
0x30b: {  	v17 =	vld [tilespmem:s0+$0x10E0];
	[tilespmem:v15+s23+$0xCC90] =	vst.idx.msk $0xffff, v41  }
0x30c: {  	[tilespmem:v0+s2+$0xD090] =	vst.idx.msk $0xffff, v16;
	v16 =	vld [tilespmem:s12+$0x1080]  }
0x30d: {  	[tilespmem:v1+s2+$0xD090] =	vst.idx.msk $0xffff, v43;
	v18 =	vld [tilespmem:s12+$0x1000]  }
0x30e: {  	[tilespmem:v2+s2+$0xD090] =	vst.idx.msk $0xffff, v42;
	v47 =	vld [tilespmem:s12+$0x1040]  }
0x30f: {  	v48 =	vld [tilespmem:s12+$0x1020];
	[tilespmem:v3+s2+$0xD090] =	vst.idx.msk $0xffff, v44  }
0x310: {  	v49 =	vld [tilespmem:s12+$0x1060];
	[tilespmem:v4+s2+$0xD090] =	vst.idx.msk $0xffff, v24  }
0x311: {  	v50 =	vld [tilespmem:s12+$0x10A0];
	[tilespmem:v5+s2+$0xD090] =	vst.idx.msk $0xffff, v45  }
0x312: {  	v51 =	vld [tilespmem:s12+$0x10C0];
	[tilespmem:v6+s2+$0xD090] =	vst.idx.msk $0xffff, v46  }
0x313: {  	[tilespmem:v7+s2+$0xD090] =	vst.idx.msk $0xffff, v17;
	v17 =	vld [tilespmem:s12+$0x10E0]  }
0x314: {  	[tilespmem:v0+s23+$0xD090] =	vst.idx.msk $0xffff, v18;
	v24 =	vld [tilespmem:s0+$0x10F0]  }
0x315: {  	v52 =	vld [tilespmem:s0+$0x1050];
	[tilespmem:v1+s23+$0xD090] =	vst.idx.msk $0xffff, v48  }
0x316: {  	v54 =	vld [tilespmem:s0+$0x1010];
	[tilespmem:v2+s23+$0xD090] =	vst.idx.msk $0xffff, v47  }
0x317: {  	v53 =	vld [tilespmem:s0+$0x1030];
	[tilespmem:v3+s23+$0xD090] =	vst.idx.msk $0xffff, v49  }
0x318: {  	v55 =	vld [tilespmem:s0+$0x1070];
	[tilespmem:v4+s23+$0xD090] =	vst.idx.msk $0xffff, v16  }
0x319: {  	v56 =	vld [tilespmem:s0+$0x10B0];
	[tilespmem:v5+s23+$0xD090] =	vst.idx.msk $0xffff, v50  }
0x31a: {  	v57 =	vld [tilespmem:s0+$0x10D0];
	[tilespmem:v6+s23+$0xD090] =	vst.idx.msk $0xffff, v51  }
0x31b: {  	v16 =	vld [tilespmem:s0+$0x1090];
	[tilespmem:v8+s2+$0xD090] =	vst.idx.msk $0xffff, v54  }
0x31c: {  	[tilespmem:v7+s23+$0xD090] =	vst.idx.msk $0xffff, v17  }
0x31d: {  	[tilespmem:v9+s2+$0xD090] =	vst.idx.msk $0xffff, v53;
	v17 =	vld [tilespmem:s12+$0x10F0]  }
0x31e: {  	v58 =	vld [tilespmem:s12+$0x1050];
	[tilespmem:v10+s2+$0xD090] =	vst.idx.msk $0xffff, v52  }
0x31f: {  	v60 =	vld [tilespmem:s12+$0x1010];
	[tilespmem:v11+s2+$0xD090] =	vst.idx.msk $0xffff, v55  }
0x320: {  	v59 =	vld [tilespmem:s12+$0x1030];
	[tilespmem:v12+s2+$0xD090] =	vst.idx.msk $0xffff, v16  }
0x321: {  	v61 =	vld [tilespmem:s12+$0x1090];
	[tilespmem:v13+s2+$0xD090] =	vst.idx.msk $0xffff, v56  }
0x322: {  	v16 =	vld [tilespmem:s12+$0x1070];
	[tilespmem:v14+s2+$0xD090] =	vst.idx.msk $0xffff, v57  }
0x323: {  	v62 =	vld [tilespmem:s12+$0x10B0];
	[tilespmem:v15+s2+$0xD090] =	vst.idx.msk $0xffff, v24  }
0x324: {  	v63 =	vld [tilespmem:s12+$0x10D0];
	[tilespmem:v8+s23+$0xD090] =	vst.idx.msk $0xffff, v60  }
0x325: {  	[tilespmem:v9+s23+$0xD090] =	vst.idx.msk $0xffff, v59  }
0x326: {  	s17 =	sadd.s32 s7, s6;
	[tilespmem:v10+s23+$0xD090] =	vst.idx.msk $0xffff, v58  }
0x327: {  	s0 =	sadd.s32 $0x4, s17;
	[tilespmem:v11+s23+$0xD090] =	vst.idx.msk $0xffff, v16  }
0x328: {  	s21 =	sshll.u32 s0, $0x7;
	s0 =	sshll.u32 s0, $0x9;
	[tilespmem:v12+s23+$0xD090] =	vst.idx.msk $0xffff, v61  }
0x329: {  	s0 =	sand.u32 $0xFFF0000, s0;
	s2 =	sand.u32 $0x3E00, s21;
	[tilespmem:v13+s23+$0xD090] =	vst.idx.msk $0xffff, v62  }
0x32a: {  	s0 =	sor.u32 s2, s0;
	[tilespmem:v14+s23+$0xD090] =	vst.idx.msk $0xffff, v63  }
0x32b: {  	s2 =	sadd.s32 s1, s0;
	[tilespmem:v15+s23+$0xD090] =	vst.idx.msk $0xffff, v17  }
0x32c: {  	[hbm4b:s2+s3] =	stream.linear.scatter [tilespmem:s28], [sflag:$0x6], $0x1000, $0x38;
	[tilespmem:$0x10520] =	vst v63  }
0x32d: {  	p0 =	seq.s32 s8, $0x18;
	s22 =	sadd.s32 s0, s9  }
0x32e: {  	[hbm4b:s22+s3] =	stream.linear.scatter [tilespmem:s29], [sflag:$0x6], $0x1000, $0x38;
	[tilespmem:$0x10520] =	vst v63  }
.Ltmp7:
0x32f: {  	_ = 	snop;
	(pc) =	sbr.rel @p0 .LBB2_12-.Ltmp7, $4  }
0x330: {  	s23 =	sadd.s32 s0, s10  }
0x331: {  	[hbm4b:s23+s3] =	stream.linear.scatter [tilespmem:s30], [sflag:$0x6], $0x1000, $0x38;
	[tilespmem:$0x10520] =	vst v63  }
0x332: {  	s0 =	sadd.s32 s0, s11  }
0x333: {  	[hbm4b:s0+s3] =	stream.linear.scatter [tilespmem:s31], [sflag:$0x6], $0x1000, $0x38;
	[tilespmem:$0x10520] =	vst v63  }
.Ltmp8:
0x334: {  	(pc) =	sbr.rel .LBB2_2-.Ltmp8, $4  }
0x335: {  	s0 =	sadd.s32 s14, s13  }
0x336: {  	s0 =	sshrl.u32 s0, $0x3  }
0x337: {  	s8 =	sadd.s32 $0x1, s8;
	s0 =	sadd.s32 s4, s0  }
0x338: {  	[tilespmem:s15], [sflag:$0x2] =	stream.linear.gather [hbm4b:s0+s3], $0x200, $0x38;
	[tilespmem:$0x10520] =	vst v63  }
.LBB2_13:
0x339: {  	_ =	sfence.sel $0x180000  }
0x33a: {  	[bflag:$0x0] =	sbarrier.arrive $0xFFFF  }
0x33b: {  	_ =	strace $0x90000047  }
0x33c: {  	s0 =	stileid.u32;
	[bflag:$0x2] =	sbarrier.arrive $0xFFFF  }
0x33d: {  	p0 =	sne.s32 s0, $0x0;
	s0 =	rddreg [dreg:$0x2]  }
0x33e: {  	s0 =	sadd.s32 @!p0 $0x100000, s0  }
0x33f: {  	[sflag:s0] =	ssyncadd.tile.s32 @!p0 $0x1;
	_ =	shalt  }
.Lfunc_end2:
_tile_overlayer_lowered:
.L_overlay_start_2:
0x340: {  	(tag) =	ssettag $0x2  }
0x341: {  	s0 =	rddreg [dreg:$0x0];
	s2 =	stileid.u32  }
0x342: {  	s1 =	rddreg [dreg:$0x1];
	p0 =	sne.s32 s2, $0x0  }
0x343: {  	s3 =	rddreg [dreg:$0x2];
	[bflag:$0x3] =	sbarrier.arrive $0xFFFF;
	s2 =	simm.s32 @!p0 $0x1C07  }
0x344: {  	[timem:s3], [sflag:s2] =	dma.local @!p0 [hbm:s0], s1  }
0x345: {  	s0 =	simm.s32 @!p0 $0x7  }
0x346: {  	_ =	swait.ge @!p0 [sflag:s0], s1  }
0x347: {  	s1 =	ssub.s32 @!p0 $0x0, s1;
	[sflag:s0] =	ssyncset.done @!p0 $0x0  }
0x348: {  	[sflag:s0] =	ssyncadd.s32 @!p0 s1  }
0x349: {  	[bflag:$0x3] =	sbarrier.arrive $0xFFFF  }
0x34a: {  	_ =	shalt  }

</sc_bundles>
